<compile_context>
chip_gen: v7x
topology: tpu7x:2x2x1
jax: 0.10.2.dev20260603
libtpu: 0.0.44.dev20260713+nightly
codegen_flags: <defaults>
</compile_context>

<pallas_src>
import functools

import jax
import jax.numpy as jnp
from jax import lax
from jax.experimental import pallas as pl
from jax.experimental.pallas import tpu as pltpu
from jax.experimental.pallas import tpu_sc as plsc

K = 1024
D = 64
DA = 72
C = 256
N = 64 * 576
T = 4096
LANES = 128

CHUNKS = (16384, 12288, 8192)
OFFSETS = (0, 16384, 28672)
FULL = 0
CH = len(CHUNKS)

LN2 = 0.6931471805599453
KF = float(K)


def _table_kernel(cb_ref, wr_ref, br_ref, tab_ref):
    tab_ref[...] = jnp.dot(cb_ref[...], wr_ref[...],
                           preferred_element_type=jnp.float32) + br_ref[...]


def _chunk_kernel(nsteps, x_ref, ws_ref, bs_ref, cbt_ref,
                  codes_ref, loss_ref, cnt_ref,
                  sqr_acc, cbt2_acc, ids_acc, loss_acc, cnt_acc):
    i = pl.program_id(0)

    @pl.when(i == 0)
    def _init():
        cbt = cbt_ref[...]
        sqr_acc[...] = jnp.sum(cbt * cbt, axis=0, keepdims=True)
        cbt2_acc[...] = cbt * -2.0
        ids_acc[...] = lax.broadcasted_iota(
            jnp.int32, (1, K), 1).astype(jnp.float32)
        loss_acc[0, 0] = 0.0
        cnt_acc[...] = jnp.zeros_like(cnt_acc)

    x = x_ref[...]
    z = jnp.dot(x, ws_ref[...],
                preferred_element_type=jnp.float32) + bs_ref[...]
    scores = sqr_acc[...] + jnp.dot(
        z, cbt2_acc[...], preferred_element_type=jnp.float32)
    minv = jnp.min(scores, axis=-1, keepdims=True)
    mask = scores == minv
    codes_f = jnp.min(jnp.where(mask, ids_acc[...], KF), axis=-1)
    codes_ref[0, 0, :] = codes_f.astype(jnp.int32)
    loss_acc[0, 0] += jnp.sum(minv) + jnp.sum(z * z)
    maskf = jnp.where(mask, 1.0, 0.0)
    cnt_acc[...] += jnp.sum(maskf, axis=0, keepdims=True)

    @pl.when(i == nsteps - 1)
    def _fin():
        loss_ref[0, 0] = loss_acc[0, 0]
        cnt_ref[...] = cnt_acc[...]


def _fin_kernel(l_ref, c_ref, loss_ref, ent_ref):
    loss_ref[0, 0] = jnp.sum(l_ref[...])
    cnt = jnp.sum(c_ref[...], axis=0, keepdims=True)
    p = cnt * (1.0 / N)
    plogp = jnp.where(p > 0.0, p * jnp.log(p), 0.0)
    ent_ref[0, 0] = -jnp.sum(plogp) * (1.0 / LN2)


def _chunk_call(c, x2, W_send, b_send, cbT):
    nsteps = CHUNKS[c] // T
    step0 = OFFSETS[c] // T
    return pl.pallas_call(
        functools.partial(_chunk_kernel, nsteps),
        grid=(nsteps,),
        in_specs=[
            pl.BlockSpec((T, C), lambda i, s=step0: (s + i, 0)),
            pl.BlockSpec((C, D), lambda i: (0, 0)),
            pl.BlockSpec((1, D), lambda i: (0, 0)),
            pl.BlockSpec((D, K), lambda i: (0, 0)),
        ],
        out_specs=[
            pl.BlockSpec((1, 1, T), lambda i: (i, 0, 0)),
            pl.BlockSpec(memory_space=pltpu.SMEM),
            pl.BlockSpec((1, K), lambda i: (0, 0)),
        ],
        out_shape=[
            jax.ShapeDtypeStruct((nsteps, 1, T), jnp.int32),
            jax.ShapeDtypeStruct((1, 1), jnp.float32),
            jax.ShapeDtypeStruct((1, K), jnp.float32),
        ],
        scratch_shapes=[
            pltpu.VMEM((1, K), jnp.float32),
            pltpu.VMEM((D, K), jnp.float32),
            pltpu.VMEM((1, K), jnp.float32),
            pltpu.SMEM((1, 1), jnp.float32),
            pltpu.VMEM((1, K), jnp.float32),
        ],
    )(x2, W_send, b_send, cbT)


GW = 128


def _sc_gather(table, idx2, out_rows, row0=0):
    nidx = idx2.shape[1]
    blk0 = row0 // GW
    mesh = plsc.VectorSubcoreMesh(core_axis_name="core",
                                  subcore_axis_name="subcore")

    @functools.partial(
        pl.kernel,
        out_type=jax.ShapeDtypeStruct((out_rows, C), jnp.float32),
        mesh=mesh,
    )
    def k(tab_hbm, idx_hbm, out_hbm):
        def body(idx_vmem, out_vmem):
            pltpu.sync_copy(tab_hbm.at[idx_vmem.at[0]], out_vmem)

        pltpu.emit_pipeline(
            body,
            grid=(nidx // GW,),
            in_specs=[pl.BlockSpec((1, GW), index_map=lambda i: (0, i))],
            out_specs=[pl.BlockSpec((GW, C),
                                    index_map=lambda i: (blk0 + i, 0))],
            core_axis_name=("core", "subcore"),
            dimension_semantics=(pltpu.PARALLEL,),
        )(idx_hbm, out_hbm)

    return k(table, idx2)


def kernel(input, W_send, b_send, codebook, W_recv, b_recv):
    x2 = input.reshape(N, C)
    cbT = codebook.T

    table = pl.pallas_call(
        _table_kernel,
        out_shape=jax.ShapeDtypeStruct((K, C), jnp.float32),
    )(codebook, W_recv, b_recv.reshape(1, C))

    codes_l, loss_l, cnt_l, x_l = [], [], [], []
    for c in range(CH):
        codes3, loss_c, cnt_c = _chunk_call(
            c, x2, W_send, b_send.reshape(1, D), cbT)
        codes_l.append(codes3.reshape(1, CHUNKS[c]))
        loss_l.append(loss_c)
        cnt_l.append(cnt_c)
        if c == FULL:
            x_l.append(_sc_gather(table, codes_l[c], N, row0=OFFSETS[c]))
        else:
            x_l.append(_sc_gather(table, codes_l[c], CHUNKS[c]))

    x = x_l[FULL]
    for c in range(CH):
        if c != FULL:
            x = lax.dynamic_update_slice(x, x_l[c], (OFFSETS[c], 0))

    loss, ent = pl.pallas_call(
        _fin_kernel,
        in_specs=[
            pl.BlockSpec((1, CH), lambda: (0, 0)),
            pl.BlockSpec((CH, K), lambda: (0, 0)),
        ],
        out_specs=[
            pl.BlockSpec(memory_space=pltpu.SMEM),
            pl.BlockSpec(memory_space=pltpu.SMEM),
        ],
        out_shape=[
            jax.ShapeDtypeStruct((1, 1), jnp.float32),
            jax.ShapeDtypeStruct((1, 1), jnp.float32),
        ],
    )(jnp.concatenate(loss_l, axis=1),
      jnp.concatenate(cnt_l, axis=0))

    codes = jnp.concatenate(codes_l, axis=1).reshape(64, 576)
    loss0 = loss.reshape(())
    return (x.reshape(64, 576, C), codes, loss0, loss0, ent.reshape(()))

# --- scband reference (transcript-rebuilt; emitter-appended) ---
"""Pipeline reference for scband-vqsend-recv-40312563040820 (READ-ONLY COPY).

The authoritative reference and input builder live on the scoring server;
editing this copy changes nothing except your own understanding.
"""

import jax, jax.numpy as jnp
import numpy as np

K = 1024

def setup_inputs(seed: int = 0) -> dict:
    key = jax.random.key(seed)
    ks = jax.random.split(key, 6)
    inp = jax.random.normal(ks[0], (64, 576, 256), dtype=jnp.float32)
    W_send = jax.random.normal(ks[1], (256, 64), dtype=jnp.float32) * (1.0 / np.sqrt(256.0))
    b_send = jnp.zeros((64,), dtype=jnp.float32)
    codebook = jax.random.normal(ks[2], (K, 64), dtype=jnp.float32)
    W_recv = jax.random.normal(ks[3], (64, 256), dtype=jnp.float32) * (1.0 / np.sqrt(64.0))
    b_recv = jnp.zeros((256,), dtype=jnp.float32)
    return {"input": inp, "W_send": W_send, "b_send": b_send, "codebook": codebook, "W_recv": W_recv, "b_recv": b_recv}

def reference(input, W_send, b_send, codebook, W_recv, b_recv):
    # send: Linear(256 -> 64)
    z = jnp.einsum('bnc,cd->bnd', input, W_send) + b_send
    # VQEmbedding.lookup: argmin_k ||e_k||^2 - 2 <z, e_k>
    sqr = jnp.sum(codebook * codebook, axis=1)
    cov = jnp.einsum('bnj,kj->bnk', z, codebook)
    codes = jnp.argmin(sqr - 2.0 * cov, axis=-1)
    # fetch embeddings
    vectors = jnp.take(codebook, codes, axis=0)
    # mse losses with reduction='sum'
    embedding = jnp.sum((vectors - jax.lax.stop_gradient(z)) ** 2)
    commitment = jnp.sum((z - jax.lax.stop_gradient(vectors)) ** 2)
    # straight-through estimator
    emb = z + jax.lax.stop_gradient(vectors - z)
    # recv: Linear(64 -> 256)
    x = jnp.einsum('bnd,dc->bnc', emb, W_recv) + b_recv
    # empirical binary entropy of codes
    prob = jnp.bincount(codes.reshape(-1), length=K).astype(jnp.float32) / codes.size
    ent = -jnp.sum(jnp.where(prob > 0, prob * jnp.log(prob), 0.0)) / jnp.log(2.0)
    return (x, codes, embedding, commitment, ent)

if __name__ == "__main__":
    import jax
    _d = setup_inputs()
    print(jax.jit(kernel)(*tuple(_d.values())))

</pallas_src>

<mosaic_0001>
#map = affine_map<(d0, d1) -> (0, 0)>
module attributes {stable_mosaic.version = 14 : i64} {
  func.func @k(%arg0: i32, %arg1: i32, %arg2: memref<1024x256xf32, #tpu.memory_space<hbm>>, %arg3: memref<1x12288xi32, #tpu.memory_space<hbm>>, %arg4: memref<12288x256xf32, #tpu.memory_space<hbm>>) attributes {dimension_semantics = [#tpu.dimension_semantics<core_parallel>, #tpu.dimension_semantics<subcore_parallel>], iteration_bounds = array<i64: 2, 16>, scalar_prefetch = 0 : i64, scratch_operands = 0 : i64, tpu.core_type = #tpu.core_type<sc_vector_subcore>, window_params = [{transform_indices = #map}, {transform_indices = #map}, {transform_indices = #map}]} {
    %mul3A = arith.constant 1 : i32
    %mul3A_0 = arith.muli %arg1, %mul3A : i32
    %add3A = arith.constant 0 : i32
    %add3A_1 = arith.addi %add3A, %mul3A_0 : i32
    %mul3A_2 = arith.constant 16 : i32
    %mul3A_3 = arith.muli %arg0, %mul3A_2 : i32
    %add3A_4 = arith.addi %add3A_1, %mul3A_3 : i32
    %mul3A_5 = arith.constant 3 : i32
    %mul3A_6 = arith.muli %add3A_4, %mul3A_5 : i32
    "tpu.region"() ({
      %run_scoped3A = memref.alloca() : memref<2x1x128xi32, #tpu.memory_space<vmem>>
      %run_scoped3A_7 = tpu.sem_alloc : memref<2x!tpu.dma_semaphore, #tpu.memory_space<semaphore_mem>>
      %run_scoped3A_8 = memref.alloca() : memref<2x128x256xf32, #tpu.memory_space<vmem>>
      %run_scoped3A_9 = tpu.sem_alloc : memref<2x!tpu.dma_semaphore, #tpu.memory_space<semaphore_mem>>
      %add3A_10 = arith.constant 0 : i32
      %add3A_11 = arith.addi %add3A_10, %mul3A_6 : i32
      %select_n3A = arith.constant true
      %select_n3A_12 = arith.constant 0 : i32
      %select_n3A_13 = arith.constant -1 : i32
      %select_n3A_14 = arith.select %select_n3A, %select_n3A_13, %select_n3A_12 : i32
      %eq3A = arith.constant -1 : i32
      %eq3A_15 = arith.cmpi eq, %select_n3A_14, %eq3A : i32
      %select_n3A_16 = arith.constant 2 : i32
      %select_n3A_17 = arith.select %eq3A_15, %select_n3A_16, %select_n3A_14 : i32
      %add3A_18 = arith.addi %select_n3A_17, %mul3A_6 : i32
      %select_n3A_19 = arith.constant true
      %select_n3A_20 = arith.constant 0 : i32
      %select_n3A_21 = arith.constant 1 : i32
      %select_n3A_22 = arith.select %select_n3A_19, %select_n3A_21, %select_n3A_20 : i32
      %eq3A_23 = arith.constant 3 : i32
      %eq3A_24 = arith.cmpi eq, %select_n3A_22, %eq3A_23 : i32
      %select_n3A_25 = arith.constant 0 : i32
      %select_n3A_26 = arith.select %eq3A_24, %select_n3A_25, %select_n3A_22 : i32
      %add3A_27 = arith.addi %select_n3A_26, %mul3A_6 : i32
      %add3A_28 = arith.constant 1 : i32
      %add3A_29 = arith.addi %select_n3A_26, %add3A_28 : i32
      %select_n3A_30 = arith.constant true
      %select_n3A_31 = arith.select %select_n3A_30, %add3A_29, %select_n3A_26 : i32
      %eq3A_32 = arith.constant 3 : i32
      %eq3A_33 = arith.cmpi eq, %select_n3A_31, %eq3A_32 : i32
      %select_n3A_34 = arith.constant 0 : i32
      %select_n3A_35 = arith.select %eq3A_33, %select_n3A_34, %select_n3A_31 : i32
      %add3A_36 = arith.addi %select_n3A_35, %mul3A_6 : i32
      "tpu.trace_start"() <{level = 10 : i32, message = "ep_initialize_0"}> : () -> ()
      %rem3A = arith.constant 0 : i32
      %rem3A_37 = arith.constant 2 : i32
      %rem3A_38 = arith.remui %rem3A, %rem3A_37 : i32
      %mul3A_39 = arith.constant 128 : i32
      %mul3A_40 = arith.muli %mul3A_39, %add3A_11 : i32
      %dma_start3A = arith.constant 0 : i32
      %dma_start3A_41 = arith.constant 0 : i32
      %dma_start3A_42 = tpu.memref_slice %run_scoped3A[%rem3A_38, %dma_start3A, %dma_start3A_41] : memref<2x1x128xi32, #tpu.memory_space<vmem>> -> memref<1x1x128xi32, #tpu.memory_space<vmem>>
      %dma_start3A_43 = tpu.memref_squeeze %dma_start3A_42 : memref<1x1x128xi32, #tpu.memory_space<vmem>> -> memref<1x128xi32, #tpu.memory_space<vmem>>
      %dma_start3A_44 = arith.constant 0 : i32
      %dma_start3A_45 = tpu.memref_slice %arg3[%dma_start3A_44, %mul3A_40] : memref<1x12288xi32, #tpu.memory_space<hbm>> -> memref<1x128xi32, #tpu.memory_space<hbm>>
      %dma_start3A_46 = tpu.memref_slice %run_scoped3A_7[%rem3A_38] : memref<2x!tpu.dma_semaphore, #tpu.memory_space<semaphore_mem>> -> memref<1x!tpu.dma_semaphore, #tpu.memory_space<semaphore_mem>>
      %dma_start3A_47 = tpu.memref_squeeze %dma_start3A_46 : memref<1x!tpu.dma_semaphore, #tpu.memory_space<semaphore_mem>> -> memref<!tpu.dma_semaphore, #tpu.memory_space<semaphore_mem>>
      %dma_start3A_48 = arith.constant 0 : i32
      %dma_start3A_49 = arith.constant 0 : i32
      %dma_start3A_50 = tpu.memref_slice %run_scoped3A[%rem3A_38, %dma_start3A_48, %dma_start3A_49] : memref<2x1x128xi32, #tpu.memory_space<vmem>> -> memref<1x1x128xi32, #tpu.memory_space<vmem>>
      %dma_start3A_51 = tpu.memref_squeeze %dma_start3A_50 : memref<1x1x128xi32, #tpu.memory_space<vmem>> -> memref<1x128xi32, #tpu.memory_space<vmem>>
      %dma_start3A_52 = arith.constant 0 : i32
      %dma_start3A_53 = tpu.memref_slice %arg3[%dma_start3A_52, %mul3A_40] : memref<1x12288xi32, #tpu.memory_space<hbm>> -> memref<1x128xi32, #tpu.memory_space<hbm>>
      tpu.enqueue_dma source(%dma_start3A_53 : memref<1x128xi32, #tpu.memory_space<hbm>>) target(%dma_start3A_51 : memref<1x128xi32, #tpu.memory_space<vmem>>) target_semaphore(%dma_start3A_47 : memref<!tpu.dma_semaphore, #tpu.memory_space<semaphore_mem>>)
      %add3A_54 = arith.constant 0 : i32
      %add3A_55 = arith.constant 1 : i32
      %add3A_56 = arith.addi %add3A_54, %add3A_55 : i32
      %select_n3A_57 = arith.constant true
      %select_n3A_58 = arith.constant 0 : i32
      %select_n3A_59 = arith.select %select_n3A_57, %add3A_56, %select_n3A_58 : i32
      "tpu.trace_stop"() : () -> ()
      %scan3A = arith.constant 0 : i32
      %scan3A_60 = arith.constant 0 : i32
      %scan3A_61 = arith.constant 0 : i32
      %scan3A_62 = arith.constant 0 : i32
      %scan3A_63 = arith.constant 0 : i32
      %scan3A_64 = arith.constant 3 : i32
      %scan3A_65 = arith.addi %scan3A_63, %scan3A_64 : i32
      %scan3A_66 = arith.constant 1 : i32
      %scan3A_67:5 = scf.for %scan3A_123 = %scan3A_63 to %scan3A_65 step %scan3A_66 iter_args(%scan3A_124 = %select_n3A_59, %scan3A_125 = %scan3A, %scan3A_126 = %scan3A_60, %scan3A_127 = %scan3A_61, %scan3A_128 = %scan3A_62) -> (i32, i32, i32, i32, i32)  : i32 {
        %eq3A_129 = arith.constant 0 : i32
        %eq3A_130 = arith.cmpi eq, %scan3A_123, %eq3A_129 : i32
        %eq3A_131 = arith.constant 2 : i32
        %eq3A_132 = arith.cmpi eq, %scan3A_123, %eq3A_131 : i32
        %add3A_133 = arith.addi %scan3A_128, %mul3A_6 : i32
        %sub3A_134 = arith.constant 1 : i32
        %sub3A_135 = arith.subi %scan3A_128, %sub3A_134 : i32
        %select_n3A_136 = arith.constant true
        %select_n3A_137 = arith.select %select_n3A_136, %sub3A_135, %scan3A_128 : i32
        %eq3A_138 = arith.constant -1 : i32
        %eq3A_139 = arith.cmpi eq, %select_n3A_137, %eq3A_138 : i32
        %select_n3A_140 = arith.constant 2 : i32
        %select_n3A_141 = arith.select %eq3A_139, %select_n3A_140, %select_n3A_137 : i32
        %add3A_142 = arith.addi %select_n3A_141, %mul3A_6 : i32
        %add3A_143 = arith.constant 1 : i32
        %add3A_144 = arith.addi %scan3A_128, %add3A_143 : i32
        %select_n3A_145 = arith.constant true
        %select_n3A_146 = arith.select %select_n3A_145, %add3A_144, %scan3A_128 : i32
        %eq3A_147 = arith.constant 3 : i32
        %eq3A_148 = arith.cmpi eq, %select_n3A_146, %eq3A_147 : i32
        %select_n3A_149 = arith.constant 0 : i32
        %select_n3A_150 = arith.select %eq3A_148, %select_n3A_149, %select_n3A_146 : i32
        %add3A_151 = arith.addi %select_n3A_150, %mul3A_6 : i32
        %add3A_152 = arith.constant 1 : i32
        %add3A_153 = arith.addi %select_n3A_150, %add3A_152 : i32
        %select_n3A_154 = arith.constant true
        %select_n3A_155 = arith.select %select_n3A_154, %add3A_153, %select_n3A_150 : i32
        %eq3A_156 = arith.constant 3 : i32
        %eq3A_157 = arith.cmpi eq, %select_n3A_155, %eq3A_156 : i32
        %select_n3A_158 = arith.constant 0 : i32
        %select_n3A_159 = arith.select %eq3A_157, %select_n3A_158, %select_n3A_155 : i32
        %add3A_160 = arith.addi %select_n3A_159, %mul3A_6 : i32
        %ne3A = arith.cmpi ne, %add3A_133, %add3A_151 : i32
        %or3A = arith.constant false
        %or3A_161 = arith.ori %or3A, %ne3A : i1
        %ge3A = arith.constant 2 : i32
        %ge3A_162 = arith.cmpi sge, %scan3A_123, %ge3A : i32
        %not3A = arith.constant true
        %not3A_163 = arith.xori %ge3A_162, %not3A : i1
        %and3A = arith.andi %or3A_161, %not3A_163 : i1
        %convert_element_type3A = arith.extui %and3A : i1 to i32
        %cond3A = arith.constant 0 : i32
        %cond3A_164 = arith.cmpi ne, %convert_element_type3A, %cond3A : i32
        scf.if %cond3A_164 {
          "tpu.trace_start"() <{level = 10 : i32, message = "ep_copy_in"}> : () -> ()
          %rem3A_282 = arith.constant 2 : i32
          %rem3A_283 = arith.remui %scan3A_124, %rem3A_282 : i32
          %mul3A_284 = arith.constant 128 : i32
          %mul3A_285 = arith.muli %mul3A_284, %add3A_151 : i32
          %dma_start3A_286 = arith.constant 0 : i32
          %dma_start3A_287 = arith.constant 0 : i32
          %dma_start3A_288 = tpu.memref_slice %run_scoped3A[%rem3A_283, %dma_start3A_286, %dma_start3A_287] : memref<2x1x128xi32, #tpu.memory_space<vmem>> -> memref<1x1x128xi32, #tpu.memory_space<vmem>>
          %dma_start3A_289 = tpu.memref_squeeze %dma_start3A_288 : memref<1x1x128xi32, #tpu.memory_space<vmem>> -> memref<1x128xi32, #tpu.memory_space<vmem>>
          %dma_start3A_290 = arith.constant 0 : i32
          %dma_start3A_291 = tpu.memref_slice %arg3[%dma_start3A_290, %mul3A_285] : memref<1x12288xi32, #tpu.memory_space<hbm>> -> memref<1x128xi32, #tpu.memory_space<hbm>>
          %dma_start3A_292 = tpu.memref_slice %run_scoped3A_7[%rem3A_283] : memref<2x!tpu.dma_semaphore, #tpu.memory_space<semaphore_mem>> -> memref<1x!tpu.dma_semaphore, #tpu.memory_space<semaphore_mem>>
          %dma_start3A_293 = tpu.memref_squeeze %dma_start3A_292 : memref<1x!tpu.dma_semaphore, #tpu.memory_space<semaphore_mem>> -> memref<!tpu.dma_semaphore, #tpu.memory_space<semaphore_mem>>
          %dma_start3A_294 = arith.constant 0 : i32
          %dma_start3A_295 = arith.constant 0 : i32
          %dma_start3A_296 = tpu.memref_slice %run_scoped3A[%rem3A_283, %dma_start3A_294, %dma_start3A_295] : memref<2x1x128xi32, #tpu.memory_space<vmem>> -> memref<1x1x128xi32, #tpu.memory_space<vmem>>
          %dma_start3A_297 = tpu.memref_squeeze %dma_start3A_296 : memref<1x1x128xi32, #tpu.memory_space<vmem>> -> memref<1x128xi32, #tpu.memory_space<vmem>>
          %dma_start3A_298 = arith.constant 0 : i32
          %dma_start3A_299 = tpu.memref_slice %arg3[%dma_start3A_298, %mul3A_285] : memref<1x12288xi32, #tpu.memory_space<hbm>> -> memref<1x128xi32, #tpu.memory_space<hbm>>
          tpu.enqueue_dma source(%dma_start3A_299 : memref<1x128xi32, #tpu.memory_space<hbm>>) target(%dma_start3A_297 : memref<1x128xi32, #tpu.memory_space<vmem>>) target_semaphore(%dma_start3A_293 : memref<!tpu.dma_semaphore, #tpu.memory_space<semaphore_mem>>)
          "tpu.trace_stop"() : () -> ()
        } else {
        }
        %and3A_165 = arith.constant true
        %and3A_166 = arith.andi %and3A, %and3A_165 : i1
        %add3A_167 = arith.constant 1 : i32
        %add3A_168 = arith.addi %scan3A_124, %add3A_167 : i32
        %select_n3A_169 = arith.select %and3A_166, %add3A_168, %scan3A_124 : i32
        %add3A_170 = arith.constant 0 : i32
        %add3A_171 = arith.addi %add3A_170, %add3A_133 : i32
        %add3A_172 = arith.constant 0 : i32
        %add3A_173 = arith.addi %add3A_172, %add3A_151 : i32
        %ne3A_174 = arith.cmpi ne, %add3A_171, %add3A_173 : i32
        %or3A_175 = arith.constant false
        %or3A_176 = arith.ori %or3A_175, %ne3A_174 : i1
        %or3A_177 = arith.constant false
        %or3A_178 = arith.ori %or3A_176, %or3A_177 : i1
        %ge3A_179 = arith.constant 2 : i32
        %ge3A_180 = arith.cmpi sge, %scan3A_123, %ge3A_179 : i32
        %not3A_181 = arith.constant true
        %not3A_182 = arith.xori %ge3A_180, %not3A_181 : i1
        %and3A_183 = arith.andi %or3A_178, %not3A_182 : i1
        %ne3A_184 = arith.cmpi ne, %add3A_133, %add3A_142 : i32
        %or3A_185 = arith.constant false
        %or3A_186 = arith.ori %or3A_185, %ne3A_184 : i1
        %or3A_187 = arith.ori %or3A_186, %eq3A_130 : i1
        %convert_element_type3A_188 = arith.extui %or3A_187 : i1 to i32
        %cond3A_189 = arith.constant 0 : i32
        %cond3A_190 = arith.cmpi ne, %convert_element_type3A_188, %cond3A_189 : i32
        scf.if %cond3A_190 {
          "tpu.trace_start"() <{level = 10 : i32, message = "ep_wait_in"}> : () -> ()
          %mul3A_282 = arith.constant 128 : i32
          %mul3A_283 = arith.muli %mul3A_282, %add3A_133 : i32
          %rem3A_284 = arith.constant 2 : i32
          %rem3A_285 = arith.remui %scan3A_125, %rem3A_284 : i32
          %dma_wait3A_286 = arith.constant 0 : i32
          %dma_wait3A_287 = arith.constant 0 : i32
          %dma_wait3A_288 = tpu.memref_slice %run_scoped3A[%rem3A_285, %dma_wait3A_286, %dma_wait3A_287] : memref<2x1x128xi32, #tpu.memory_space<vmem>> -> memref<1x1x128xi32, #tpu.memory_space<vmem>>
          %dma_wait3A_289 = tpu.memref_squeeze %dma_wait3A_288 : memref<1x1x128xi32, #tpu.memory_space<vmem>> -> memref<1x128xi32, #tpu.memory_space<vmem>>
          %dma_wait3A_290 = arith.constant 0 : i32
          %dma_wait3A_291 = tpu.memref_slice %arg3[%dma_wait3A_290, %mul3A_283] : memref<1x12288xi32, #tpu.memory_space<hbm>> -> memref<1x128xi32, #tpu.memory_space<hbm>>
          %dma_wait3A_292 = tpu.memref_slice %run_scoped3A_7[%rem3A_285] : memref<2x!tpu.dma_semaphore, #tpu.memory_space<semaphore_mem>> -> memref<1x!tpu.dma_semaphore, #tpu.memory_space<semaphore_mem>>
          %dma_wait3A_293 = tpu.memref_squeeze %dma_wait3A_292 : memref<1x!tpu.dma_semaphore, #tpu.memory_space<semaphore_mem>> -> memref<!tpu.dma_semaphore, #tpu.memory_space<semaphore_mem>>
          %dma_wait3A_294 = arith.constant 0 : i32
          %dma_wait3A_295 = arith.constant 0 : i32
          %dma_wait3A_296 = tpu.memref_slice %run_scoped3A[%rem3A_285, %dma_wait3A_294, %dma_wait3A_295] : memref<2x1x128xi32, #tpu.memory_space<vmem>> -> memref<1x1x128xi32, #tpu.memory_space<vmem>>
          %dma_wait3A_297 = tpu.memref_squeeze %dma_wait3A_296 : memref<1x1x128xi32, #tpu.memory_space<vmem>> -> memref<1x128xi32, #tpu.memory_space<vmem>>
          %dma_wait3A_298 = arith.constant 0 : i32
          %dma_wait3A_299 = tpu.memref_slice %arg3[%dma_wait3A_298, %mul3A_283] : memref<1x12288xi32, #tpu.memory_space<hbm>> -> memref<1x128xi32, #tpu.memory_space<hbm>>
          tpu.wait_dma2 semaphore(%dma_wait3A_293 : memref<!tpu.dma_semaphore, #tpu.memory_space<semaphore_mem>>) src(%dma_wait3A_299 : memref<1x128xi32, #tpu.memory_space<hbm>>) dst(%dma_wait3A_297 : memref<1x128xi32, #tpu.memory_space<vmem>>)
          "tpu.trace_stop"() : () -> ()
        } else {
        }
        %add3A_191 = arith.constant 0 : i32
        %add3A_192 = arith.addi %add3A_191, %add3A_133 : i32
        %add3A_193 = arith.constant 0 : i32
        %add3A_194 = arith.addi %add3A_193, %add3A_142 : i32
        %ne3A_195 = arith.cmpi ne, %add3A_192, %add3A_194 : i32
        %or3A_196 = arith.constant false
        %or3A_197 = arith.ori %or3A_196, %ne3A_195 : i1
        %or3A_198 = arith.constant false
        %or3A_199 = arith.ori %or3A_197, %or3A_198 : i1
        %or3A_200 = arith.ori %or3A_199, %eq3A_130 : i1
        %convert_element_type3A_201 = arith.extui %or3A_200 : i1 to i32
        %cond3A_202 = arith.constant 0 : i32
        %cond3A_203 = arith.cmpi ne, %convert_element_type3A_201, %cond3A_202 : i32
        scf.if %cond3A_203 {
        } else {
        }
        %rem3A_204 = arith.constant 2 : i32
        %rem3A_205 = arith.remui %scan3A_125, %rem3A_204 : i32
        %rem3A_206 = arith.constant 2 : i32
        %rem3A_207 = arith.remui %scan3A_126, %rem3A_206 : i32
        %run_scoped3A_208 = arith.constant 0 : i32
        "tpu.trace_start"() <{level = 10 : i32, message = "ep_run_kernel"}> : () -> ()
        "tpu.region"() ({
          %run_scoped3A_282 = tpu.sem_alloc : memref<!tpu.dma_semaphore, #tpu.memory_space<semaphore_mem>>
          %dma_start3A_283 = arith.constant 0 : i32
          %dma_start3A_284 = arith.constant 0 : i32
          %dma_start3A_285 = tpu.memref_slice %run_scoped3A_8[%rem3A_207, %dma_start3A_283, %dma_start3A_284] : memref<2x128x256xf32, #tpu.memory_space<vmem>> -> memref<1x128x256xf32, #tpu.memory_space<vmem>>
          %dma_start3A_286 = tpu.memref_squeeze %dma_start3A_285 : memref<1x128x256xf32, #tpu.memory_space<vmem>> -> memref<128x256xf32, #tpu.memory_space<vmem>>
          %dma_start3A_287 = arith.constant 0 : i32
          %dma_start3A_288 = arith.constant 0 : i32
          %dma_start3A_289 = tpu.memref_slice %run_scoped3A[%rem3A_205, %dma_start3A_287, %dma_start3A_288] : memref<2x1x128xi32, #tpu.memory_space<vmem>> -> memref<1x1x128xi32, #tpu.memory_space<vmem>>
          %dma_start3A_290 = tpu.memref_squeeze %dma_start3A_289 : memref<1x1x128xi32, #tpu.memory_space<vmem>> -> memref<1x128xi32, #tpu.memory_space<vmem>>
          %dma_start3A_291 = arith.constant 0 : i32
          %dma_start3A_292 = tpu.memref_slice %dma_start3A_290[%run_scoped3A_208, %dma_start3A_291] : memref<1x128xi32, #tpu.memory_space<vmem>> -> memref<1x128xi32, #tpu.memory_space<vmem>>
          %dma_start3A_293 = tpu.memref_squeeze %dma_start3A_292 : memref<1x128xi32, #tpu.memory_space<vmem>> -> memref<128xi32, #tpu.memory_space<vmem>>
          %dma_start3A_294 = arith.constant 0 : i32
          %dma_start3A_295 = arith.constant 0 : i32
          %dma_start3A_296 = tpu.memref_slice %arg2[%dma_start3A_294, %dma_start3A_295] : memref<1024x256xf32, #tpu.memory_space<hbm>> -> memref<1024x256xf32, #tpu.memory_space<hbm>>
          tpu.enqueue_indirect_dma source(%dma_start3A_296 : memref<1024x256xf32, #tpu.memory_space<hbm>>) target(%dma_start3A_286 : memref<128x256xf32, #tpu.memory_space<vmem>>) offsets(%dma_start3A_293 : memref<128xi32, #tpu.memory_space<vmem>>) semaphore(%run_scoped3A_282 : memref<!tpu.dma_semaphore, #tpu.memory_space<semaphore_mem>>)
          %dma_wait3A_297 = arith.constant 0 : i32
          %dma_wait3A_298 = arith.constant 0 : i32
          %dma_wait3A_299 = tpu.memref_slice %run_scoped3A_8[%rem3A_207, %dma_wait3A_297, %dma_wait3A_298] : memref<2x128x256xf32, #tpu.memory_space<vmem>> -> memref<1x128x256xf32, #tpu.memory_space<vmem>>
          %dma_wait3A_300 = tpu.memref_squeeze %dma_wait3A_299 : memref<1x128x256xf32, #tpu.memory_space<vmem>> -> memref<128x256xf32, #tpu.memory_space<vmem>>
          %dma_wait3A_301 = arith.constant 0 : i32
          %dma_wait3A_302 = arith.constant 0 : i32
          %dma_wait3A_303 = tpu.memref_slice %run_scoped3A[%rem3A_205, %dma_wait3A_301, %dma_wait3A_302] : memref<2x1x128xi32, #tpu.memory_space<vmem>> -> memref<1x1x128xi32, #tpu.memory_space<vmem>>
          %dma_wait3A_304 = tpu.memref_squeeze %dma_wait3A_303 : memref<1x1x128xi32, #tpu.memory_space<vmem>> -> memref<1x128xi32, #tpu.memory_space<vmem>>
          %dma_wait3A_305 = arith.constant 0 : i32
          %dma_wait3A_306 = tpu.memref_slice %dma_wait3A_304[%run_scoped3A_208, %dma_wait3A_305] : memref<1x128xi32, #tpu.memory_space<vmem>> -> memref<1x128xi32, #tpu.memory_space<vmem>>
          %dma_wait3A_307 = tpu.memref_squeeze %dma_wait3A_306 : memref<1x128xi32, #tpu.memory_space<vmem>> -> memref<128xi32, #tpu.memory_space<vmem>>
          %dma_wait3A_308 = arith.constant 0 : i32
          %dma_wait3A_309 = arith.constant 0 : i32
          %dma_wait3A_310 = tpu.memref_slice %arg2[%dma_wait3A_308, %dma_wait3A_309] : memref<1024x256xf32, #tpu.memory_space<hbm>> -> memref<1024x256xf32, #tpu.memory_space<hbm>>
          tpu.wait_indirect_dma semaphore(%run_scoped3A_282 : memref<!tpu.dma_semaphore, #tpu.memory_space<semaphore_mem>>) src(%dma_wait3A_310 : memref<1024x256xf32, #tpu.memory_space<hbm>>) dst(%dma_wait3A_300 : memref<128x256xf32, #tpu.memory_space<vmem>>)
          tpu.yield
        }) : () -> ()
        "tpu.trace_stop"() : () -> ()
        %ne3A_209 = arith.cmpi ne, %add3A_133, %add3A_151 : i32
        %or3A_210 = arith.constant false
        %or3A_211 = arith.ori %or3A_210, %ne3A_209 : i1
        %or3A_212 = arith.ori %or3A_211, %eq3A_132 : i1
        %convert_element_type3A_213 = arith.extui %or3A_212 : i1 to i32
        %cond3A_214 = arith.constant 0 : i32
        %cond3A_215 = arith.cmpi ne, %convert_element_type3A_213, %cond3A_214 : i32
        scf.if %cond3A_215 {
        } else {
        }
        %and3A_216 = arith.constant false
        %and3A_217 = arith.andi %or3A_212, %and3A_216 : i1
        %add3A_218 = arith.constant 0 : i32
        %add3A_219 = arith.addi %add3A_218, %add3A_133 : i32
        %add3A_220 = arith.constant 0 : i32
        %add3A_221 = arith.addi %add3A_220, %add3A_151 : i32
        %ne3A_222 = arith.cmpi ne, %add3A_219, %add3A_221 : i32
        %or3A_223 = arith.constant false
        %or3A_224 = arith.ori %or3A_223, %ne3A_222 : i1
        %or3A_225 = arith.constant false
        %or3A_226 = arith.ori %or3A_224, %or3A_225 : i1
        %or3A_227 = arith.ori %or3A_226, %eq3A_132 : i1
        %convert_element_type3A_228 = arith.extui %or3A_227 : i1 to i32
        %cond3A_229 = arith.constant 0 : i32
        %cond3A_230 = arith.cmpi ne, %convert_element_type3A_228, %cond3A_229 : i32
        scf.if %cond3A_230 {
          "tpu.trace_start"() <{level = 10 : i32, message = "ep_copy_out"}> : () -> ()
          %rem3A_282 = arith.constant 2 : i32
          %rem3A_283 = arith.remui %scan3A_126, %rem3A_282 : i32
          %add3A_284 = arith.constant 0 : i32
          %add3A_285 = arith.addi %add3A_284, %add3A_133 : i32
          %mul3A_286 = arith.constant 128 : i32
          %mul3A_287 = arith.muli %mul3A_286, %add3A_285 : i32
          %dma_start3A_288 = arith.constant 0 : i32
          %dma_start3A_289 = arith.constant 0 : i32
          %dma_start3A_290 = tpu.memref_slice %run_scoped3A_8[%rem3A_283, %dma_start3A_288, %dma_start3A_289] : memref<2x128x256xf32, #tpu.memory_space<vmem>> -> memref<1x128x256xf32, #tpu.memory_space<vmem>>
          %dma_start3A_291 = tpu.memref_squeeze %dma_start3A_290 : memref<1x128x256xf32, #tpu.memory_space<vmem>> -> memref<128x256xf32, #tpu.memory_space<vmem>>
          %dma_start3A_292 = arith.constant 0 : i32
          %dma_start3A_293 = tpu.memref_slice %arg4[%mul3A_287, %dma_start3A_292] : memref<12288x256xf32, #tpu.memory_space<hbm>> -> memref<128x256xf32, #tpu.memory_space<hbm>>
          %dma_start3A_294 = tpu.memref_slice %run_scoped3A_9[%rem3A_283] : memref<2x!tpu.dma_semaphore, #tpu.memory_space<semaphore_mem>> -> memref<1x!tpu.dma_semaphore, #tpu.memory_space<semaphore_mem>>
          %dma_start3A_295 = tpu.memref_squeeze %dma_start3A_294 : memref<1x!tpu.dma_semaphore, #tpu.memory_space<semaphore_mem>> -> memref<!tpu.dma_semaphore, #tpu.memory_space<semaphore_mem>>
          %dma_start3A_296 = arith.constant 0 : i32
          %dma_start3A_297 = tpu.memref_slice %arg4[%mul3A_287, %dma_start3A_296] : memref<12288x256xf32, #tpu.memory_space<hbm>> -> memref<128x256xf32, #tpu.memory_space<hbm>>
          %dma_start3A_298 = arith.constant 0 : i32
          %dma_start3A_299 = arith.constant 0 : i32
          %dma_start3A_300 = tpu.memref_slice %run_scoped3A_8[%rem3A_283, %dma_start3A_298, %dma_start3A_299] : memref<2x128x256xf32, #tpu.memory_space<vmem>> -> memref<1x128x256xf32, #tpu.memory_space<vmem>>
          %dma_start3A_301 = tpu.memref_squeeze %dma_start3A_300 : memref<1x128x256xf32, #tpu.memory_space<vmem>> -> memref<128x256xf32, #tpu.memory_space<vmem>>
          tpu.enqueue_dma source(%dma_start3A_301 : memref<128x256xf32, #tpu.memory_space<vmem>>) target(%dma_start3A_297 : memref<128x256xf32, #tpu.memory_space<hbm>>) target_semaphore(%dma_start3A_295 : memref<!tpu.dma_semaphore, #tpu.memory_space<semaphore_mem>>)
          "tpu.trace_stop"() : () -> ()
        } else {
        }
        %and3A_231 = arith.constant true
        %and3A_232 = arith.andi %or3A_227, %and3A_231 : i1
        %add3A_233 = arith.constant 1 : i32
        %add3A_234 = arith.addi %scan3A_126, %add3A_233 : i32
        %select_n3A_235 = arith.select %and3A_232, %add3A_234, %scan3A_126 : i32
        %ne3A_236 = arith.cmpi ne, %add3A_133, %add3A_142 : i32
        %or3A_237 = arith.constant false
        %or3A_238 = arith.ori %or3A_237, %ne3A_236 : i1
        %not3A_239 = arith.constant true
        %not3A_240 = arith.xori %eq3A_130, %not3A_239 : i1
        %and3A_241 = arith.andi %or3A_238, %not3A_240 : i1
        %convert_element_type3A_242 = arith.extui %and3A_241 : i1 to i32
        %cond3A_243 = arith.constant 0 : i32
        %cond3A_244 = arith.cmpi ne, %convert_element_type3A_242, %cond3A_243 : i32
        scf.if %cond3A_244 {
        } else {
        }
        %and3A_245 = arith.constant false
        %and3A_246 = arith.andi %and3A_241, %and3A_245 : i1
        %add3A_247 = arith.constant 0 : i32
        %add3A_248 = arith.addi %add3A_247, %add3A_133 : i32
        %add3A_249 = arith.constant 0 : i32
        %add3A_250 = arith.addi %add3A_249, %add3A_142 : i32
        %ne3A_251 = arith.cmpi ne, %add3A_248, %add3A_250 : i32
        %or3A_252 = arith.constant false
        %or3A_253 = arith.ori %or3A_252, %ne3A_251 : i1
        %or3A_254 = arith.constant false
        %or3A_255 = arith.ori %or3A_253, %or3A_254 : i1
        %not3A_256 = arith.constant true
        %not3A_257 = arith.xori %eq3A_130, %not3A_256 : i1
        %and3A_258 = arith.andi %or3A_255, %not3A_257 : i1
        %convert_element_type3A_259 = arith.extui %and3A_258 : i1 to i32
        %cond3A_260 = arith.constant 0 : i32
        %cond3A_261 = arith.cmpi ne, %convert_element_type3A_259, %cond3A_260 : i32
        scf.if %cond3A_261 {
          "tpu.trace_start"() <{level = 10 : i32, message = "ep_wait_out"}> : () -> ()
          %rem3A_282 = arith.constant 2 : i32
          %rem3A_283 = arith.remui %scan3A_127, %rem3A_282 : i32
          %add3A_284 = arith.constant 0 : i32
          %add3A_285 = arith.addi %add3A_284, %add3A_142 : i32
          %mul3A_286 = arith.constant 128 : i32
          %mul3A_287 = arith.muli %mul3A_286, %add3A_285 : i32
          %dma_wait3A_288 = arith.constant 0 : i32
          %dma_wait3A_289 = arith.constant 0 : i32
          %dma_wait3A_290 = tpu.memref_slice %run_scoped3A_8[%rem3A_283, %dma_wait3A_288, %dma_wait3A_289] : memref<2x128x256xf32, #tpu.memory_space<vmem>> -> memref<1x128x256xf32, #tpu.memory_space<vmem>>
          %dma_wait3A_291 = tpu.memref_squeeze %dma_wait3A_290 : memref<1x128x256xf32, #tpu.memory_space<vmem>> -> memref<128x256xf32, #tpu.memory_space<vmem>>
          %dma_wait3A_292 = arith.constant 0 : i32
          %dma_wait3A_293 = tpu.memref_slice %arg4[%mul3A_287, %dma_wait3A_292] : memref<12288x256xf32, #tpu.memory_space<hbm>> -> memref<128x256xf32, #tpu.memory_space<hbm>>
          %dma_wait3A_294 = tpu.memref_slice %run_scoped3A_9[%rem3A_283] : memref<2x!tpu.dma_semaphore, #tpu.memory_space<semaphore_mem>> -> memref<1x!tpu.dma_semaphore, #tpu.memory_space<semaphore_mem>>
          %dma_wait3A_295 = tpu.memref_squeeze %dma_wait3A_294 : memref<1x!tpu.dma_semaphore, #tpu.memory_space<semaphore_mem>> -> memref<!tpu.dma_semaphore, #tpu.memory_space<semaphore_mem>>
          %dma_wait3A_296 = arith.constant 0 : i32
          %dma_wait3A_297 = tpu.memref_slice %arg4[%mul3A_287, %dma_wait3A_296] : memref<12288x256xf32, #tpu.memory_space<hbm>> -> memref<128x256xf32, #tpu.memory_space<hbm>>
          %dma_wait3A_298 = arith.constant 0 : i32
          %dma_wait3A_299 = arith.constant 0 : i32
          %dma_wait3A_300 = tpu.memref_slice %run_scoped3A_8[%rem3A_283, %dma_wait3A_298, %dma_wait3A_299] : memref<2x128x256xf32, #tpu.memory_space<vmem>> -> memref<1x128x256xf32, #tpu.memory_space<vmem>>
          %dma_wait3A_301 = tpu.memref_squeeze %dma_wait3A_300 : memref<1x128x256xf32, #tpu.memory_space<vmem>> -> memref<128x256xf32, #tpu.memory_space<vmem>>
          tpu.wait_dma2 semaphore(%dma_wait3A_295 : memref<!tpu.dma_semaphore, #tpu.memory_space<semaphore_mem>>) src(%dma_wait3A_301 : memref<128x256xf32, #tpu.memory_space<vmem>>) dst(%dma_wait3A_297 : memref<128x256xf32, #tpu.memory_space<hbm>>)
          "tpu.trace_stop"() : () -> ()
        } else {
        }
        %and3A_262 = arith.constant true
        %and3A_263 = arith.andi %and3A_258, %and3A_262 : i1
        %add3A_264 = arith.constant 1 : i32
        %add3A_265 = arith.addi %scan3A_127, %add3A_264 : i32
        %select_n3A_266 = arith.select %and3A_263, %add3A_265, %scan3A_127 : i32
        %ne3A_267 = arith.cmpi ne, %add3A_133, %add3A_151 : i32
        %or3A_268 = arith.constant false
        %or3A_269 = arith.ori %or3A_268, %ne3A_267 : i1
        %or3A_270 = arith.ori %or3A_269, %eq3A_132 : i1
        %add3A_271 = arith.constant 1 : i32
        %add3A_272 = arith.addi %scan3A_125, %add3A_271 : i32
        %select_n3A_273 = arith.select %or3A_270, %add3A_272, %scan3A_125 : i32
        %add3A_274 = arith.constant 1 : i32
        %add3A_275 = arith.addi %scan3A_128, %add3A_274 : i32
        %select_n3A_276 = arith.constant true
        %select_n3A_277 = arith.select %select_n3A_276, %add3A_275, %scan3A_128 : i32
        %eq3A_278 = arith.constant 3 : i32
        %eq3A_279 = arith.cmpi eq, %select_n3A_277, %eq3A_278 : i32
        %select_n3A_280 = arith.constant 0 : i32
        %select_n3A_281 = arith.select %eq3A_279, %select_n3A_280, %select_n3A_277 : i32
        scf.yield %select_n3A_169, %select_n3A_273, %select_n3A_235, %select_n3A_266, %select_n3A_281 : i32, i32, i32, i32, i32
      }
      %scan3A_68 = arith.constant 3 : i32
      %sub3A = arith.constant 1 : i32
      %sub3A_69 = arith.subi %scan3A_67#4, %sub3A : i32
      %select_n3A_70 = arith.constant true
      %select_n3A_71 = arith.select %select_n3A_70, %sub3A_69, %scan3A_67#4 : i32
      %eq3A_72 = arith.constant -1 : i32
      %eq3A_73 = arith.cmpi eq, %select_n3A_71, %eq3A_72 : i32
      %select_n3A_74 = arith.constant 2 : i32
      %select_n3A_75 = arith.select %eq3A_73, %select_n3A_74, %select_n3A_71 : i32
      %add3A_76 = arith.addi %select_n3A_75, %mul3A_6 : i32
      %sub3A_77 = arith.constant 1 : i32
      %sub3A_78 = arith.subi %select_n3A_75, %sub3A_77 : i32
      %select_n3A_79 = arith.constant true
      %select_n3A_80 = arith.select %select_n3A_79, %sub3A_78, %select_n3A_75 : i32
      %eq3A_81 = arith.constant -1 : i32
      %eq3A_82 = arith.cmpi eq, %select_n3A_80, %eq3A_81 : i32
      %select_n3A_83 = arith.constant 2 : i32
      %select_n3A_84 = arith.select %eq3A_82, %select_n3A_83, %select_n3A_80 : i32
      %add3A_85 = arith.addi %select_n3A_84, %mul3A_6 : i32
      %add3A_86 = arith.constant 1 : i32
      %add3A_87 = arith.addi %select_n3A_75, %add3A_86 : i32
      %select_n3A_88 = arith.constant true
      %select_n3A_89 = arith.select %select_n3A_88, %add3A_87, %select_n3A_75 : i32
      %eq3A_90 = arith.constant 3 : i32
      %eq3A_91 = arith.cmpi eq, %select_n3A_89, %eq3A_90 : i32
      %select_n3A_92 = arith.constant 0 : i32
      %select_n3A_93 = arith.select %eq3A_91, %select_n3A_92, %select_n3A_89 : i32
      %add3A_94 = arith.addi %select_n3A_93, %mul3A_6 : i32
      %add3A_95 = arith.constant 1 : i32
      %add3A_96 = arith.addi %select_n3A_93, %add3A_95 : i32
      %select_n3A_97 = arith.constant true
      %select_n3A_98 = arith.select %select_n3A_97, %add3A_96, %select_n3A_93 : i32
      %eq3A_99 = arith.constant 3 : i32
      %eq3A_100 = arith.cmpi eq, %select_n3A_98, %eq3A_99 : i32
      %select_n3A_101 = arith.constant 0 : i32
      %select_n3A_102 = arith.select %eq3A_100, %select_n3A_101, %select_n3A_98 : i32
      %add3A_103 = arith.addi %select_n3A_102, %mul3A_6 : i32
      "tpu.trace_start"() <{level = 10 : i32, message = "ep_finalize"}> : () -> ()
      %rem3A_104 = arith.constant 2 : i32
      %rem3A_105 = arith.remui %scan3A_67#3, %rem3A_104 : i32
      %add3A_106 = arith.constant 0 : i32
      %add3A_107 = arith.addi %add3A_106, %add3A_76 : i32
      %mul3A_108 = arith.constant 128 : i32
      %mul3A_109 = arith.muli %mul3A_108, %add3A_107 : i32
      %dma_wait3A = arith.constant 0 : i32
      %dma_wait3A_110 = arith.constant 0 : i32
      %dma_wait3A_111 = tpu.memref_slice %run_scoped3A_8[%rem3A_105, %dma_wait3A, %dma_wait3A_110] : memref<2x128x256xf32, #tpu.memory_space<vmem>> -> memref<1x128x256xf32, #tpu.memory_space<vmem>>
      %dma_wait3A_112 = tpu.memref_squeeze %dma_wait3A_111 : memref<1x128x256xf32, #tpu.memory_space<vmem>> -> memref<128x256xf32, #tpu.memory_space<vmem>>
      %dma_wait3A_113 = arith.constant 0 : i32
      %dma_wait3A_114 = tpu.memref_slice %arg4[%mul3A_109, %dma_wait3A_113] : memref<12288x256xf32, #tpu.memory_space<hbm>> -> memref<128x256xf32, #tpu.memory_space<hbm>>
      %dma_wait3A_115 = tpu.memref_slice %run_scoped3A_9[%rem3A_105] : memref<2x!tpu.dma_semaphore, #tpu.memory_space<semaphore_mem>> -> memref<1x!tpu.dma_semaphore, #tpu.memory_space<semaphore_mem>>
      %dma_wait3A_116 = tpu.memref_squeeze %dma_wait3A_115 : memref<1x!tpu.dma_semaphore, #tpu.memory_space<semaphore_mem>> -> memref<!tpu.dma_semaphore, #tpu.memory_space<semaphore_mem>>
      %dma_wait3A_117 = arith.constant 0 : i32
      %dma_wait3A_118 = tpu.memref_slice %arg4[%mul3A_109, %dma_wait3A_117] : memref<12288x256xf32, #tpu.memory_space<hbm>> -> memref<128x256xf32, #tpu.memory_space<hbm>>
      %dma_wait3A_119 = arith.constant 0 : i32
      %dma_wait3A_120 = arith.constant 0 : i32
      %dma_wait3A_121 = tpu.memref_slice %run_scoped3A_8[%rem3A_105, %dma_wait3A_119, %dma_wait3A_120] : memref<2x128x256xf32, #tpu.memory_space<vmem>> -> memref<1x128x256xf32, #tpu.memory_space<vmem>>
      %dma_wait3A_122 = tpu.memref_squeeze %dma_wait3A_121 : memref<1x128x256xf32, #tpu.memory_space<vmem>> -> memref<128x256xf32, #tpu.memory_space<vmem>>
      tpu.wait_dma2 semaphore(%dma_wait3A_116 : memref<!tpu.dma_semaphore, #tpu.memory_space<semaphore_mem>>) src(%dma_wait3A_122 : memref<128x256xf32, #tpu.memory_space<vmem>>) dst(%dma_wait3A_118 : memref<128x256xf32, #tpu.memory_space<hbm>>)
      "tpu.trace_stop"() : () -> ()
      tpu.yield
    }) : () -> ()
    return
  }
}

#map = affine_map<(d0, d1) -> (0, 0)>
module attributes {stable_mosaic.version = 14 : i64} {
  func.func @k(%arg0: i32, %arg1: i32, %arg2: memref<1024x256xf32, #tpu.memory_space<hbm>>, %arg3: memref<1x16384xi32, #tpu.memory_space<hbm>>, %arg4: memref<36864x256xf32, #tpu.memory_space<hbm>>) attributes {dimension_semantics = [#tpu.dimension_semantics<core_parallel>, #tpu.dimension_semantics<subcore_parallel>], iteration_bounds = array<i64: 2, 16>, scalar_prefetch = 0 : i64, scratch_operands = 0 : i64, tpu.core_type = #tpu.core_type<sc_vector_subcore>, window_params = [{transform_indices = #map}, {transform_indices = #map}, {transform_indices = #map}]} {
    %mul3A = arith.constant 1 : i32
    %mul3A_0 = arith.muli %arg1, %mul3A : i32
    %add3A = arith.constant 0 : i32
    %add3A_1 = arith.addi %add3A, %mul3A_0 : i32
    %mul3A_2 = arith.constant 16 : i32
    %mul3A_3 = arith.muli %arg0, %mul3A_2 : i32
    %add3A_4 = arith.addi %add3A_1, %mul3A_3 : i32
    %mul3A_5 = arith.constant 4 : i32
    %mul3A_6 = arith.muli %add3A_4, %mul3A_5 : i32
    "tpu.region"() ({
      %run_scoped3A = memref.alloca() : memref<2x1x128xi32, #tpu.memory_space<vmem>>
      %run_scoped3A_7 = tpu.sem_alloc : memref<2x!tpu.dma_semaphore, #tpu.memory_space<semaphore_mem>>
      %run_scoped3A_8 = memref.alloca() : memref<2x128x256xf32, #tpu.memory_space<vmem>>
      %run_scoped3A_9 = tpu.sem_alloc : memref<2x!tpu.dma_semaphore, #tpu.memory_space<semaphore_mem>>
      %add3A_10 = arith.constant 0 : i32
      %add3A_11 = arith.addi %add3A_10, %mul3A_6 : i32
      %select_n3A = arith.constant true
      %select_n3A_12 = arith.constant 0 : i32
      %select_n3A_13 = arith.constant -1 : i32
      %select_n3A_14 = arith.select %select_n3A, %select_n3A_13, %select_n3A_12 : i32
      %eq3A = arith.constant -1 : i32
      %eq3A_15 = arith.cmpi eq, %select_n3A_14, %eq3A : i32
      %select_n3A_16 = arith.constant 3 : i32
      %select_n3A_17 = arith.select %eq3A_15, %select_n3A_16, %select_n3A_14 : i32
      %add3A_18 = arith.addi %select_n3A_17, %mul3A_6 : i32
      %select_n3A_19 = arith.constant true
      %select_n3A_20 = arith.constant 0 : i32
      %select_n3A_21 = arith.constant 1 : i32
      %select_n3A_22 = arith.select %select_n3A_19, %select_n3A_21, %select_n3A_20 : i32
      %eq3A_23 = arith.constant 4 : i32
      %eq3A_24 = arith.cmpi eq, %select_n3A_22, %eq3A_23 : i32
      %select_n3A_25 = arith.constant 0 : i32
      %select_n3A_26 = arith.select %eq3A_24, %select_n3A_25, %select_n3A_22 : i32
      %add3A_27 = arith.addi %select_n3A_26, %mul3A_6 : i32
      %add3A_28 = arith.constant 1 : i32
      %add3A_29 = arith.addi %select_n3A_26, %add3A_28 : i32
      %select_n3A_30 = arith.constant true
      %select_n3A_31 = arith.select %select_n3A_30, %add3A_29, %select_n3A_26 : i32
      %eq3A_32 = arith.constant 4 : i32
      %eq3A_33 = arith.cmpi eq, %select_n3A_31, %eq3A_32 : i32
      %select_n3A_34 = arith.constant 0 : i32
      %select_n3A_35 = arith.select %eq3A_33, %select_n3A_34, %select_n3A_31 : i32
      %add3A_36 = arith.addi %select_n3A_35, %mul3A_6 : i32
      "tpu.trace_start"() <{level = 10 : i32, message = "ep_initialize_0"}> : () -> ()
      %rem3A = arith.constant 0 : i32
      %rem3A_37 = arith.constant 2 : i32
      %rem3A_38 = arith.remui %rem3A, %rem3A_37 : i32
      %mul3A_39 = arith.constant 128 : i32
      %mul3A_40 = arith.muli %mul3A_39, %add3A_11 : i32
      %dma_start3A = arith.constant 0 : i32
      %dma_start3A_41 = arith.constant 0 : i32
      %dma_start3A_42 = tpu.memref_slice %run_scoped3A[%rem3A_38, %dma_start3A, %dma_start3A_41] : memref<2x1x128xi32, #tpu.memory_space<vmem>> -> memref<1x1x128xi32, #tpu.memory_space<vmem>>
      %dma_start3A_43 = tpu.memref_squeeze %dma_start3A_42 : memref<1x1x128xi32, #tpu.memory_space<vmem>> -> memref<1x128xi32, #tpu.memory_space<vmem>>
      %dma_start3A_44 = arith.constant 0 : i32
      %dma_start3A_45 = tpu.memref_slice %arg3[%dma_start3A_44, %mul3A_40] : memref<1x16384xi32, #tpu.memory_space<hbm>> -> memref<1x128xi32, #tpu.memory_space<hbm>>
      %dma_start3A_46 = tpu.memref_slice %run_scoped3A_7[%rem3A_38] : memref<2x!tpu.dma_semaphore, #tpu.memory_space<semaphore_mem>> -> memref<1x!tpu.dma_semaphore, #tpu.memory_space<semaphore_mem>>
      %dma_start3A_47 = tpu.memref_squeeze %dma_start3A_46 : memref<1x!tpu.dma_semaphore, #tpu.memory_space<semaphore_mem>> -> memref<!tpu.dma_semaphore, #tpu.memory_space<semaphore_mem>>
      %dma_start3A_48 = arith.constant 0 : i32
      %dma_start3A_49 = arith.constant 0 : i32
      %dma_start3A_50 = tpu.memref_slice %run_scoped3A[%rem3A_38, %dma_start3A_48, %dma_start3A_49] : memref<2x1x128xi32, #tpu.memory_space<vmem>> -> memref<1x1x128xi32, #tpu.memory_space<vmem>>
      %dma_start3A_51 = tpu.memref_squeeze %dma_start3A_50 : memref<1x1x128xi32, #tpu.memory_space<vmem>> -> memref<1x128xi32, #tpu.memory_space<vmem>>
      %dma_start3A_52 = arith.constant 0 : i32
      %dma_start3A_53 = tpu.memref_slice %arg3[%dma_start3A_52, %mul3A_40] : memref<1x16384xi32, #tpu.memory_space<hbm>> -> memref<1x128xi32, #tpu.memory_space<hbm>>
      tpu.enqueue_dma source(%dma_start3A_53 : memref<1x128xi32, #tpu.memory_space<hbm>>) target(%dma_start3A_51 : memref<1x128xi32, #tpu.memory_space<vmem>>) target_semaphore(%dma_start3A_47 : memref<!tpu.dma_semaphore, #tpu.memory_space<semaphore_mem>>)
      %add3A_54 = arith.constant 0 : i32
      %add3A_55 = arith.constant 1 : i32
      %add3A_56 = arith.addi %add3A_54, %add3A_55 : i32
      %select_n3A_57 = arith.constant true
      %select_n3A_58 = arith.constant 0 : i32
      %select_n3A_59 = arith.select %select_n3A_57, %add3A_56, %select_n3A_58 : i32
      "tpu.trace_stop"() : () -> ()
      %scan3A = arith.constant 0 : i32
      %scan3A_60 = arith.constant 0 : i32
      %scan3A_61 = arith.constant 0 : i32
      %scan3A_62 = arith.constant 0 : i32
      %scan3A_63 = arith.constant 0 : i32
      %scan3A_64 = arith.constant 4 : i32
      %scan3A_65 = arith.addi %scan3A_63, %scan3A_64 : i32
      %scan3A_66 = arith.constant 1 : i32
      %scan3A_67:5 = scf.for %scan3A_123 = %scan3A_63 to %scan3A_65 step %scan3A_66 iter_args(%scan3A_124 = %select_n3A_59, %scan3A_125 = %scan3A, %scan3A_126 = %scan3A_60, %scan3A_127 = %scan3A_61, %scan3A_128 = %scan3A_62) -> (i32, i32, i32, i32, i32)  : i32 {
        %eq3A_129 = arith.constant 0 : i32
        %eq3A_130 = arith.cmpi eq, %scan3A_123, %eq3A_129 : i32
        %eq3A_131 = arith.constant 3 : i32
        %eq3A_132 = arith.cmpi eq, %scan3A_123, %eq3A_131 : i32
        %add3A_133 = arith.addi %scan3A_128, %mul3A_6 : i32
        %sub3A_134 = arith.constant 1 : i32
        %sub3A_135 = arith.subi %scan3A_128, %sub3A_134 : i32
        %select_n3A_136 = arith.constant true
        %select_n3A_137 = arith.select %select_n3A_136, %sub3A_135, %scan3A_128 : i32
        %eq3A_138 = arith.constant -1 : i32
        %eq3A_139 = arith.cmpi eq, %select_n3A_137, %eq3A_138 : i32
        %select_n3A_140 = arith.constant 3 : i32
        %select_n3A_141 = arith.select %eq3A_139, %select_n3A_140, %select_n3A_137 : i32
        %add3A_142 = arith.addi %select_n3A_141, %mul3A_6 : i32
        %add3A_143 = arith.constant 1 : i32
        %add3A_144 = arith.addi %scan3A_128, %add3A_143 : i32
        %select_n3A_145 = arith.constant true
        %select_n3A_146 = arith.select %select_n3A_145, %add3A_144, %scan3A_128 : i32
        %eq3A_147 = arith.constant 4 : i32
        %eq3A_148 = arith.cmpi eq, %select_n3A_146, %eq3A_147 : i32
        %select_n3A_149 = arith.constant 0 : i32
        %select_n3A_150 = arith.select %eq3A_148, %select_n3A_149, %select_n3A_146 : i32
        %add3A_151 = arith.addi %select_n3A_150, %mul3A_6 : i32
        %add3A_152 = arith.constant 1 : i32
        %add3A_153 = arith.addi %select_n3A_150, %add3A_152 : i32
        %select_n3A_154 = arith.constant true
        %select_n3A_155 = arith.select %select_n3A_154, %add3A_153, %select_n3A_150 : i32
        %eq3A_156 = arith.constant 4 : i32
        %eq3A_157 = arith.cmpi eq, %select_n3A_155, %eq3A_156 : i32
        %select_n3A_158 = arith.constant 0 : i32
        %select_n3A_159 = arith.select %eq3A_157, %select_n3A_158, %select_n3A_155 : i32
        %add3A_160 = arith.addi %select_n3A_159, %mul3A_6 : i32
        %ne3A = arith.cmpi ne, %add3A_133, %add3A_151 : i32
        %or3A = arith.constant false
        %or3A_161 = arith.ori %or3A, %ne3A : i1
        %ge3A = arith.constant 3 : i32
        %ge3A_162 = arith.cmpi sge, %scan3A_123, %ge3A : i32
        %not3A = arith.constant true
        %not3A_163 = arith.xori %ge3A_162, %not3A : i1
        %and3A = arith.andi %or3A_161, %not3A_163 : i1
        %convert_element_type3A = arith.extui %and3A : i1 to i32
        %cond3A = arith.constant 0 : i32
        %cond3A_164 = arith.cmpi ne, %convert_element_type3A, %cond3A : i32
        scf.if %cond3A_164 {
          "tpu.trace_start"() <{level = 10 : i32, message = "ep_copy_in"}> : () -> ()
          %rem3A_282 = arith.constant 2 : i32
          %rem3A_283 = arith.remui %scan3A_124, %rem3A_282 : i32
          %mul3A_284 = arith.constant 128 : i32
          %mul3A_285 = arith.muli %mul3A_284, %add3A_151 : i32
          %dma_start3A_286 = arith.constant 0 : i32
          %dma_start3A_287 = arith.constant 0 : i32
          %dma_start3A_288 = tpu.memref_slice %run_scoped3A[%rem3A_283, %dma_start3A_286, %dma_start3A_287] : memref<2x1x128xi32, #tpu.memory_space<vmem>> -> memref<1x1x128xi32, #tpu.memory_space<vmem>>
          %dma_start3A_289 = tpu.memref_squeeze %dma_start3A_288 : memref<1x1x128xi32, #tpu.memory_space<vmem>> -> memref<1x128xi32, #tpu.memory_space<vmem>>
          %dma_start3A_290 = arith.constant 0 : i32
          %dma_start3A_291 = tpu.memref_slice %arg3[%dma_start3A_290, %mul3A_285] : memref<1x16384xi32, #tpu.memory_space<hbm>> -> memref<1x128xi32, #tpu.memory_space<hbm>>
          %dma_start3A_292 = tpu.memref_slice %run_scoped3A_7[%rem3A_283] : memref<2x!tpu.dma_semaphore, #tpu.memory_space<semaphore_mem>> -> memref<1x!tpu.dma_semaphore, #tpu.memory_space<semaphore_mem>>
          %dma_start3A_293 = tpu.memref_squeeze %dma_start3A_292 : memref<1x!tpu.dma_semaphore, #tpu.memory_space<semaphore_mem>> -> memref<!tpu.dma_semaphore, #tpu.memory_space<semaphore_mem>>
          %dma_start3A_294 = arith.constant 0 : i32
          %dma_start3A_295 = arith.constant 0 : i32
          %dma_start3A_296 = tpu.memref_slice %run_scoped3A[%rem3A_283, %dma_start3A_294, %dma_start3A_295] : memref<2x1x128xi32, #tpu.memory_space<vmem>> -> memref<1x1x128xi32, #tpu.memory_space<vmem>>
          %dma_start3A_297 = tpu.memref_squeeze %dma_start3A_296 : memref<1x1x128xi32, #tpu.memory_space<vmem>> -> memref<1x128xi32, #tpu.memory_space<vmem>>
          %dma_start3A_298 = arith.constant 0 : i32
          %dma_start3A_299 = tpu.memref_slice %arg3[%dma_start3A_298, %mul3A_285] : memref<1x16384xi32, #tpu.memory_space<hbm>> -> memref<1x128xi32, #tpu.memory_space<hbm>>
          tpu.enqueue_dma source(%dma_start3A_299 : memref<1x128xi32, #tpu.memory_space<hbm>>) target(%dma_start3A_297 : memref<1x128xi32, #tpu.memory_space<vmem>>) target_semaphore(%dma_start3A_293 : memref<!tpu.dma_semaphore, #tpu.memory_space<semaphore_mem>>)
          "tpu.trace_stop"() : () -> ()
        } else {
        }
        %and3A_165 = arith.constant true
        %and3A_166 = arith.andi %and3A, %and3A_165 : i1
        %add3A_167 = arith.constant 1 : i32
        %add3A_168 = arith.addi %scan3A_124, %add3A_167 : i32
        %select_n3A_169 = arith.select %and3A_166, %add3A_168, %scan3A_124 : i32
        %add3A_170 = arith.constant 0 : i32
        %add3A_171 = arith.addi %add3A_170, %add3A_133 : i32
        %add3A_172 = arith.constant 0 : i32
        %add3A_173 = arith.addi %add3A_172, %add3A_151 : i32
        %ne3A_174 = arith.cmpi ne, %add3A_171, %add3A_173 : i32
        %or3A_175 = arith.constant false
        %or3A_176 = arith.ori %or3A_175, %ne3A_174 : i1
        %or3A_177 = arith.constant false
        %or3A_178 = arith.ori %or3A_176, %or3A_177 : i1
        %ge3A_179 = arith.constant 3 : i32
        %ge3A_180 = arith.cmpi sge, %scan3A_123, %ge3A_179 : i32
        %not3A_181 = arith.constant true
        %not3A_182 = arith.xori %ge3A_180, %not3A_181 : i1
        %and3A_183 = arith.andi %or3A_178, %not3A_182 : i1
        %ne3A_184 = arith.cmpi ne, %add3A_133, %add3A_142 : i32
        %or3A_185 = arith.constant false
        %or3A_186 = arith.ori %or3A_185, %ne3A_184 : i1
        %or3A_187 = arith.ori %or3A_186, %eq3A_130 : i1
        %convert_element_type3A_188 = arith.extui %or3A_187 : i1 to i32
        %cond3A_189 = arith.constant 0 : i32
        %cond3A_190 = arith.cmpi ne, %convert_element_type3A_188, %cond3A_189 : i32
        scf.if %cond3A_190 {
          "tpu.trace_start"() <{level = 10 : i32, message = "ep_wait_in"}> : () -> ()
          %mul3A_282 = arith.constant 128 : i32
          %mul3A_283 = arith.muli %mul3A_282, %add3A_133 : i32
          %rem3A_284 = arith.constant 2 : i32
          %rem3A_285 = arith.remui %scan3A_125, %rem3A_284 : i32
          %dma_wait3A_286 = arith.constant 0 : i32
          %dma_wait3A_287 = arith.constant 0 : i32
          %dma_wait3A_288 = tpu.memref_slice %run_scoped3A[%rem3A_285, %dma_wait3A_286, %dma_wait3A_287] : memref<2x1x128xi32, #tpu.memory_space<vmem>> -> memref<1x1x128xi32, #tpu.memory_space<vmem>>
          %dma_wait3A_289 = tpu.memref_squeeze %dma_wait3A_288 : memref<1x1x128xi32, #tpu.memory_space<vmem>> -> memref<1x128xi32, #tpu.memory_space<vmem>>
          %dma_wait3A_290 = arith.constant 0 : i32
          %dma_wait3A_291 = tpu.memref_slice %arg3[%dma_wait3A_290, %mul3A_283] : memref<1x16384xi32, #tpu.memory_space<hbm>> -> memref<1x128xi32, #tpu.memory_space<hbm>>
          %dma_wait3A_292 = tpu.memref_slice %run_scoped3A_7[%rem3A_285] : memref<2x!tpu.dma_semaphore, #tpu.memory_space<semaphore_mem>> -> memref<1x!tpu.dma_semaphore, #tpu.memory_space<semaphore_mem>>
          %dma_wait3A_293 = tpu.memref_squeeze %dma_wait3A_292 : memref<1x!tpu.dma_semaphore, #tpu.memory_space<semaphore_mem>> -> memref<!tpu.dma_semaphore, #tpu.memory_space<semaphore_mem>>
          %dma_wait3A_294 = arith.constant 0 : i32
          %dma_wait3A_295 = arith.constant 0 : i32
          %dma_wait3A_296 = tpu.memref_slice %run_scoped3A[%rem3A_285, %dma_wait3A_294, %dma_wait3A_295] : memref<2x1x128xi32, #tpu.memory_space<vmem>> -> memref<1x1x128xi32, #tpu.memory_space<vmem>>
          %dma_wait3A_297 = tpu.memref_squeeze %dma_wait3A_296 : memref<1x1x128xi32, #tpu.memory_space<vmem>> -> memref<1x128xi32, #tpu.memory_space<vmem>>
          %dma_wait3A_298 = arith.constant 0 : i32
          %dma_wait3A_299 = tpu.memref_slice %arg3[%dma_wait3A_298, %mul3A_283] : memref<1x16384xi32, #tpu.memory_space<hbm>> -> memref<1x128xi32, #tpu.memory_space<hbm>>
          tpu.wait_dma2 semaphore(%dma_wait3A_293 : memref<!tpu.dma_semaphore, #tpu.memory_space<semaphore_mem>>) src(%dma_wait3A_299 : memref<1x128xi32, #tpu.memory_space<hbm>>) dst(%dma_wait3A_297 : memref<1x128xi32, #tpu.memory_space<vmem>>)
          "tpu.trace_stop"() : () -> ()
        } else {
        }
        %add3A_191 = arith.constant 0 : i32
        %add3A_192 = arith.addi %add3A_191, %add3A_133 : i32
        %add3A_193 = arith.constant 0 : i32
        %add3A_194 = arith.addi %add3A_193, %add3A_142 : i32
        %ne3A_195 = arith.cmpi ne, %add3A_192, %add3A_194 : i32
        %or3A_196 = arith.constant false
        %or3A_197 = arith.ori %or3A_196, %ne3A_195 : i1
        %or3A_198 = arith.constant false
        %or3A_199 = arith.ori %or3A_197, %or3A_198 : i1
        %or3A_200 = arith.ori %or3A_199, %eq3A_130 : i1
        %convert_element_type3A_201 = arith.extui %or3A_200 : i1 to i32
        %cond3A_202 = arith.constant 0 : i32
        %cond3A_203 = arith.cmpi ne, %convert_element_type3A_201, %cond3A_202 : i32
        scf.if %cond3A_203 {
        } else {
        }
        %rem3A_204 = arith.constant 2 : i32
        %rem3A_205 = arith.remui %scan3A_125, %rem3A_204 : i32
        %rem3A_206 = arith.constant 2 : i32
        %rem3A_207 = arith.remui %scan3A_126, %rem3A_206 : i32
        %run_scoped3A_208 = arith.constant 0 : i32
        "tpu.trace_start"() <{level = 10 : i32, message = "ep_run_kernel"}> : () -> ()
        "tpu.region"() ({
          %run_scoped3A_282 = tpu.sem_alloc : memref<!tpu.dma_semaphore, #tpu.memory_space<semaphore_mem>>
          %dma_start3A_283 = arith.constant 0 : i32
          %dma_start3A_284 = arith.constant 0 : i32
          %dma_start3A_285 = tpu.memref_slice %run_scoped3A_8[%rem3A_207, %dma_start3A_283, %dma_start3A_284] : memref<2x128x256xf32, #tpu.memory_space<vmem>> -> memref<1x128x256xf32, #tpu.memory_space<vmem>>
          %dma_start3A_286 = tpu.memref_squeeze %dma_start3A_285 : memref<1x128x256xf32, #tpu.memory_space<vmem>> -> memref<128x256xf32, #tpu.memory_space<vmem>>
          %dma_start3A_287 = arith.constant 0 : i32
          %dma_start3A_288 = arith.constant 0 : i32
          %dma_start3A_289 = tpu.memref_slice %run_scoped3A[%rem3A_205, %dma_start3A_287, %dma_start3A_288] : memref<2x1x128xi32, #tpu.memory_space<vmem>> -> memref<1x1x128xi32, #tpu.memory_space<vmem>>
          %dma_start3A_290 = tpu.memref_squeeze %dma_start3A_289 : memref<1x1x128xi32, #tpu.memory_space<vmem>> -> memref<1x128xi32, #tpu.memory_space<vmem>>
          %dma_start3A_291 = arith.constant 0 : i32
          %dma_start3A_292 = tpu.memref_slice %dma_start3A_290[%run_scoped3A_208, %dma_start3A_291] : memref<1x128xi32, #tpu.memory_space<vmem>> -> memref<1x128xi32, #tpu.memory_space<vmem>>
          %dma_start3A_293 = tpu.memref_squeeze %dma_start3A_292 : memref<1x128xi32, #tpu.memory_space<vmem>> -> memref<128xi32, #tpu.memory_space<vmem>>
          %dma_start3A_294 = arith.constant 0 : i32
          %dma_start3A_295 = arith.constant 0 : i32
          %dma_start3A_296 = tpu.memref_slice %arg2[%dma_start3A_294, %dma_start3A_295] : memref<1024x256xf32, #tpu.memory_space<hbm>> -> memref<1024x256xf32, #tpu.memory_space<hbm>>
          tpu.enqueue_indirect_dma source(%dma_start3A_296 : memref<1024x256xf32, #tpu.memory_space<hbm>>) target(%dma_start3A_286 : memref<128x256xf32, #tpu.memory_space<vmem>>) offsets(%dma_start3A_293 : memref<128xi32, #tpu.memory_space<vmem>>) semaphore(%run_scoped3A_282 : memref<!tpu.dma_semaphore, #tpu.memory_space<semaphore_mem>>)
          %dma_wait3A_297 = arith.constant 0 : i32
          %dma_wait3A_298 = arith.constant 0 : i32
          %dma_wait3A_299 = tpu.memref_slice %run_scoped3A_8[%rem3A_207, %dma_wait3A_297, %dma_wait3A_298] : memref<2x128x256xf32, #tpu.memory_space<vmem>> -> memref<1x128x256xf32, #tpu.memory_space<vmem>>
          %dma_wait3A_300 = tpu.memref_squeeze %dma_wait3A_299 : memref<1x128x256xf32, #tpu.memory_space<vmem>> -> memref<128x256xf32, #tpu.memory_space<vmem>>
          %dma_wait3A_301 = arith.constant 0 : i32
          %dma_wait3A_302 = arith.constant 0 : i32
          %dma_wait3A_303 = tpu.memref_slice %run_scoped3A[%rem3A_205, %dma_wait3A_301, %dma_wait3A_302] : memref<2x1x128xi32, #tpu.memory_space<vmem>> -> memref<1x1x128xi32, #tpu.memory_space<vmem>>
          %dma_wait3A_304 = tpu.memref_squeeze %dma_wait3A_303 : memref<1x1x128xi32, #tpu.memory_space<vmem>> -> memref<1x128xi32, #tpu.memory_space<vmem>>
          %dma_wait3A_305 = arith.constant 0 : i32
          %dma_wait3A_306 = tpu.memref_slice %dma_wait3A_304[%run_scoped3A_208, %dma_wait3A_305] : memref<1x128xi32, #tpu.memory_space<vmem>> -> memref<1x128xi32, #tpu.memory_space<vmem>>
          %dma_wait3A_307 = tpu.memref_squeeze %dma_wait3A_306 : memref<1x128xi32, #tpu.memory_space<vmem>> -> memref<128xi32, #tpu.memory_space<vmem>>
          %dma_wait3A_308 = arith.constant 0 : i32
          %dma_wait3A_309 = arith.constant 0 : i32
          %dma_wait3A_310 = tpu.memref_slice %arg2[%dma_wait3A_308, %dma_wait3A_309] : memref<1024x256xf32, #tpu.memory_space<hbm>> -> memref<1024x256xf32, #tpu.memory_space<hbm>>
          tpu.wait_indirect_dma semaphore(%run_scoped3A_282 : memref<!tpu.dma_semaphore, #tpu.memory_space<semaphore_mem>>) src(%dma_wait3A_310 : memref<1024x256xf32, #tpu.memory_space<hbm>>) dst(%dma_wait3A_300 : memref<128x256xf32, #tpu.memory_space<vmem>>)
          tpu.yield
        }) : () -> ()
        "tpu.trace_stop"() : () -> ()
        %ne3A_209 = arith.cmpi ne, %add3A_133, %add3A_151 : i32
        %or3A_210 = arith.constant false
        %or3A_211 = arith.ori %or3A_210, %ne3A_209 : i1
        %or3A_212 = arith.ori %or3A_211, %eq3A_132 : i1
        %convert_element_type3A_213 = arith.extui %or3A_212 : i1 to i32
        %cond3A_214 = arith.constant 0 : i32
        %cond3A_215 = arith.cmpi ne, %convert_element_type3A_213, %cond3A_214 : i32
        scf.if %cond3A_215 {
        } else {
        }
        %and3A_216 = arith.constant false
        %and3A_217 = arith.andi %or3A_212, %and3A_216 : i1
        %add3A_218 = arith.constant 0 : i32
        %add3A_219 = arith.addi %add3A_218, %add3A_133 : i32
        %add3A_220 = arith.constant 0 : i32
        %add3A_221 = arith.addi %add3A_220, %add3A_151 : i32
        %ne3A_222 = arith.cmpi ne, %add3A_219, %add3A_221 : i32
        %or3A_223 = arith.constant false
        %or3A_224 = arith.ori %or3A_223, %ne3A_222 : i1
        %or3A_225 = arith.constant false
        %or3A_226 = arith.ori %or3A_224, %or3A_225 : i1
        %or3A_227 = arith.ori %or3A_226, %eq3A_132 : i1
        %convert_element_type3A_228 = arith.extui %or3A_227 : i1 to i32
        %cond3A_229 = arith.constant 0 : i32
        %cond3A_230 = arith.cmpi ne, %convert_element_type3A_228, %cond3A_229 : i32
        scf.if %cond3A_230 {
          "tpu.trace_start"() <{level = 10 : i32, message = "ep_copy_out"}> : () -> ()
          %rem3A_282 = arith.constant 2 : i32
          %rem3A_283 = arith.remui %scan3A_126, %rem3A_282 : i32
          %add3A_284 = arith.constant 0 : i32
          %add3A_285 = arith.addi %add3A_284, %add3A_133 : i32
          %mul3A_286 = arith.constant 128 : i32
          %mul3A_287 = arith.muli %mul3A_286, %add3A_285 : i32
          %dma_start3A_288 = arith.constant 0 : i32
          %dma_start3A_289 = arith.constant 0 : i32
          %dma_start3A_290 = tpu.memref_slice %run_scoped3A_8[%rem3A_283, %dma_start3A_288, %dma_start3A_289] : memref<2x128x256xf32, #tpu.memory_space<vmem>> -> memref<1x128x256xf32, #tpu.memory_space<vmem>>
          %dma_start3A_291 = tpu.memref_squeeze %dma_start3A_290 : memref<1x128x256xf32, #tpu.memory_space<vmem>> -> memref<128x256xf32, #tpu.memory_space<vmem>>
          %dma_start3A_292 = arith.constant 0 : i32
          %dma_start3A_293 = tpu.memref_slice %arg4[%mul3A_287, %dma_start3A_292] : memref<36864x256xf32, #tpu.memory_space<hbm>> -> memref<128x256xf32, #tpu.memory_space<hbm>>
          %dma_start3A_294 = tpu.memref_slice %run_scoped3A_9[%rem3A_283] : memref<2x!tpu.dma_semaphore, #tpu.memory_space<semaphore_mem>> -> memref<1x!tpu.dma_semaphore, #tpu.memory_space<semaphore_mem>>
          %dma_start3A_295 = tpu.memref_squeeze %dma_start3A_294 : memref<1x!tpu.dma_semaphore, #tpu.memory_space<semaphore_mem>> -> memref<!tpu.dma_semaphore, #tpu.memory_space<semaphore_mem>>
          %dma_start3A_296 = arith.constant 0 : i32
          %dma_start3A_297 = tpu.memref_slice %arg4[%mul3A_287, %dma_start3A_296] : memref<36864x256xf32, #tpu.memory_space<hbm>> -> memref<128x256xf32, #tpu.memory_space<hbm>>
          %dma_start3A_298 = arith.constant 0 : i32
          %dma_start3A_299 = arith.constant 0 : i32
          %dma_start3A_300 = tpu.memref_slice %run_scoped3A_8[%rem3A_283, %dma_start3A_298, %dma_start3A_299] : memref<2x128x256xf32, #tpu.memory_space<vmem>> -> memref<1x128x256xf32, #tpu.memory_space<vmem>>
          %dma_start3A_301 = tpu.memref_squeeze %dma_start3A_300 : memref<1x128x256xf32, #tpu.memory_space<vmem>> -> memref<128x256xf32, #tpu.memory_space<vmem>>
          tpu.enqueue_dma source(%dma_start3A_301 : memref<128x256xf32, #tpu.memory_space<vmem>>) target(%dma_start3A_297 : memref<128x256xf32, #tpu.memory_space<hbm>>) target_semaphore(%dma_start3A_295 : memref<!tpu.dma_semaphore, #tpu.memory_space<semaphore_mem>>)
          "tpu.trace_stop"() : () -> ()
        } else {
        }
        %and3A_231 = arith.constant true
        %and3A_232 = arith.andi %or3A_227, %and3A_231 : i1
        %add3A_233 = arith.constant 1 : i32
        %add3A_234 = arith.addi %scan3A_126, %add3A_233 : i32
        %select_n3A_235 = arith.select %and3A_232, %add3A_234, %scan3A_126 : i32
        %ne3A_236 = arith.cmpi ne, %add3A_133, %add3A_142 : i32
        %or3A_237 = arith.constant false
        %or3A_238 = arith.ori %or3A_237, %ne3A_236 : i1
        %not3A_239 = arith.constant true
        %not3A_240 = arith.xori %eq3A_130, %not3A_239 : i1
        %and3A_241 = arith.andi %or3A_238, %not3A_240 : i1
        %convert_element_type3A_242 = arith.extui %and3A_241 : i1 to i32
        %cond3A_243 = arith.constant 0 : i32
        %cond3A_244 = arith.cmpi ne, %convert_element_type3A_242, %cond3A_243 : i32
        scf.if %cond3A_244 {
        } else {
        }
        %and3A_245 = arith.constant false
        %and3A_246 = arith.andi %and3A_241, %and3A_245 : i1
        %add3A_247 = arith.constant 0 : i32
        %add3A_248 = arith.addi %add3A_247, %add3A_133 : i32
        %add3A_249 = arith.constant 0 : i32
        %add3A_250 = arith.addi %add3A_249, %add3A_142 : i32
        %ne3A_251 = arith.cmpi ne, %add3A_248, %add3A_250 : i32
        %or3A_252 = arith.constant false
        %or3A_253 = arith.ori %or3A_252, %ne3A_251 : i1
        %or3A_254 = arith.constant false
        %or3A_255 = arith.ori %or3A_253, %or3A_254 : i1
        %not3A_256 = arith.constant true
        %not3A_257 = arith.xori %eq3A_130, %not3A_256 : i1
        %and3A_258 = arith.andi %or3A_255, %not3A_257 : i1
        %convert_element_type3A_259 = arith.extui %and3A_258 : i1 to i32
        %cond3A_260 = arith.constant 0 : i32
        %cond3A_261 = arith.cmpi ne, %convert_element_type3A_259, %cond3A_260 : i32
        scf.if %cond3A_261 {
          "tpu.trace_start"() <{level = 10 : i32, message = "ep_wait_out"}> : () -> ()
          %rem3A_282 = arith.constant 2 : i32
          %rem3A_283 = arith.remui %scan3A_127, %rem3A_282 : i32
          %add3A_284 = arith.constant 0 : i32
          %add3A_285 = arith.addi %add3A_284, %add3A_142 : i32
          %mul3A_286 = arith.constant 128 : i32
          %mul3A_287 = arith.muli %mul3A_286, %add3A_285 : i32
          %dma_wait3A_288 = arith.constant 0 : i32
          %dma_wait3A_289 = arith.constant 0 : i32
          %dma_wait3A_290 = tpu.memref_slice %run_scoped3A_8[%rem3A_283, %dma_wait3A_288, %dma_wait3A_289] : memref<2x128x256xf32, #tpu.memory_space<vmem>> -> memref<1x128x256xf32, #tpu.memory_space<vmem>>
          %dma_wait3A_291 = tpu.memref_squeeze %dma_wait3A_290 : memref<1x128x256xf32, #tpu.memory_space<vmem>> -> memref<128x256xf32, #tpu.memory_space<vmem>>
          %dma_wait3A_292 = arith.constant 0 : i32
          %dma_wait3A_293 = tpu.memref_slice %arg4[%mul3A_287, %dma_wait3A_292] : memref<36864x256xf32, #tpu.memory_space<hbm>> -> memref<128x256xf32, #tpu.memory_space<hbm>>
          %dma_wait3A_294 = tpu.memref_slice %run_scoped3A_9[%rem3A_283] : memref<2x!tpu.dma_semaphore, #tpu.memory_space<semaphore_mem>> -> memref<1x!tpu.dma_semaphore, #tpu.memory_space<semaphore_mem>>
          %dma_wait3A_295 = tpu.memref_squeeze %dma_wait3A_294 : memref<1x!tpu.dma_semaphore, #tpu.memory_space<semaphore_mem>> -> memref<!tpu.dma_semaphore, #tpu.memory_space<semaphore_mem>>
          %dma_wait3A_296 = arith.constant 0 : i32
          %dma_wait3A_297 = tpu.memref_slice %arg4[%mul3A_287, %dma_wait3A_296] : memref<36864x256xf32, #tpu.memory_space<hbm>> -> memref<128x256xf32, #tpu.memory_space<hbm>>
          %dma_wait3A_298 = arith.constant 0 : i32
          %dma_wait3A_299 = arith.constant 0 : i32
          %dma_wait3A_300 = tpu.memref_slice %run_scoped3A_8[%rem3A_283, %dma_wait3A_298, %dma_wait3A_299] : memref<2x128x256xf32, #tpu.memory_space<vmem>> -> memref<1x128x256xf32, #tpu.memory_space<vmem>>
          %dma_wait3A_301 = tpu.memref_squeeze %dma_wait3A_300 : memref<1x128x256xf32, #tpu.memory_space<vmem>> -> memref<128x256xf32, #tpu.memory_space<vmem>>
          tpu.wait_dma2 semaphore(%dma_wait3A_295 : memref<!tpu.dma_semaphore, #tpu.memory_space<semaphore_mem>>) src(%dma_wait3A_301 : memref<128x256xf32, #tpu.memory_space<vmem>>) dst(%dma_wait3A_297 : memref<128x256xf32, #tpu.memory_space<hbm>>)
          "tpu.trace_stop"() : () -> ()
        } else {
        }
        %and3A_262 = arith.constant true
        %and3A_263 = arith.andi %and3A_258, %and3A_262 : i1
        %add3A_264 = arith.constant 1 : i32
        %add3A_265 = arith.addi %scan3A_127, %add3A_264 : i32
        %select_n3A_266 = arith.select %and3A_263, %add3A_265, %scan3A_127 : i32
        %ne3A_267 = arith.cmpi ne, %add3A_133, %add3A_151 : i32
        %or3A_268 = arith.constant false
        %or3A_269 = arith.ori %or3A_268, %ne3A_267 : i1
        %or3A_270 = arith.ori %or3A_269, %eq3A_132 : i1
        %add3A_271 = arith.constant 1 : i32
        %add3A_272 = arith.addi %scan3A_125, %add3A_271 : i32
        %select_n3A_273 = arith.select %or3A_270, %add3A_272, %scan3A_125 : i32
        %add3A_274 = arith.constant 1 : i32
        %add3A_275 = arith.addi %scan3A_128, %add3A_274 : i32
        %select_n3A_276 = arith.constant true
        %select_n3A_277 = arith.select %select_n3A_276, %add3A_275, %scan3A_128 : i32
        %eq3A_278 = arith.constant 4 : i32
        %eq3A_279 = arith.cmpi eq, %select_n3A_277, %eq3A_278 : i32
        %select_n3A_280 = arith.constant 0 : i32
        %select_n3A_281 = arith.select %eq3A_279, %select_n3A_280, %select_n3A_277 : i32
        scf.yield %select_n3A_169, %select_n3A_273, %select_n3A_235, %select_n3A_266, %select_n3A_281 : i32, i32, i32, i32, i32
      }
      %scan3A_68 = arith.constant 4 : i32
      %sub3A = arith.constant 1 : i32
      %sub3A_69 = arith.subi %scan3A_67#4, %sub3A : i32
      %select_n3A_70 = arith.constant true
      %select_n3A_71 = arith.select %select_n3A_70, %sub3A_69, %scan3A_67#4 : i32
      %eq3A_72 = arith.constant -1 : i32
      %eq3A_73 = arith.cmpi eq, %select_n3A_71, %eq3A_72 : i32
      %select_n3A_74 = arith.constant 3 : i32
      %select_n3A_75 = arith.select %eq3A_73, %select_n3A_74, %select_n3A_71 : i32
      %add3A_76 = arith.addi %select_n3A_75, %mul3A_6 : i32
      %sub3A_77 = arith.constant 1 : i32
      %sub3A_78 = arith.subi %select_n3A_75, %sub3A_77 : i32
      %select_n3A_79 = arith.constant true
      %select_n3A_80 = arith.select %select_n3A_79, %sub3A_78, %select_n3A_75 : i32
      %eq3A_81 = arith.constant -1 : i32
      %eq3A_82 = arith.cmpi eq, %select_n3A_80, %eq3A_81 : i32
      %select_n3A_83 = arith.constant 3 : i32
      %select_n3A_84 = arith.select %eq3A_82, %select_n3A_83, %select_n3A_80 : i32
      %add3A_85 = arith.addi %select_n3A_84, %mul3A_6 : i32
      %add3A_86 = arith.constant 1 : i32
      %add3A_87 = arith.addi %select_n3A_75, %add3A_86 : i32
      %select_n3A_88 = arith.constant true
      %select_n3A_89 = arith.select %select_n3A_88, %add3A_87, %select_n3A_75 : i32
      %eq3A_90 = arith.constant 4 : i32
      %eq3A_91 = arith.cmpi eq, %select_n3A_89, %eq3A_90 : i32
      %select_n3A_92 = arith.constant 0 : i32
      %select_n3A_93 = arith.select %eq3A_91, %select_n3A_92, %select_n3A_89 : i32
      %add3A_94 = arith.addi %select_n3A_93, %mul3A_6 : i32
      %add3A_95 = arith.constant 1 : i32
      %add3A_96 = arith.addi %select_n3A_93, %add3A_95 : i32
      %select_n3A_97 = arith.constant true
      %select_n3A_98 = arith.select %select_n3A_97, %add3A_96, %select_n3A_93 : i32
      %eq3A_99 = arith.constant 4 : i32
      %eq3A_100 = arith.cmpi eq, %select_n3A_98, %eq3A_99 : i32
      %select_n3A_101 = arith.constant 0 : i32
      %select_n3A_102 = arith.select %eq3A_100, %select_n3A_101, %select_n3A_98 : i32
      %add3A_103 = arith.addi %select_n3A_102, %mul3A_6 : i32
      "tpu.trace_start"() <{level = 10 : i32, message = "ep_finalize"}> : () -> ()
      %rem3A_104 = arith.constant 2 : i32
      %rem3A_105 = arith.remui %scan3A_67#3, %rem3A_104 : i32
      %add3A_106 = arith.constant 0 : i32
      %add3A_107 = arith.addi %add3A_106, %add3A_76 : i32
      %mul3A_108 = arith.constant 128 : i32
      %mul3A_109 = arith.muli %mul3A_108, %add3A_107 : i32
      %dma_wait3A = arith.constant 0 : i32
      %dma_wait3A_110 = arith.constant 0 : i32
      %dma_wait3A_111 = tpu.memref_slice %run_scoped3A_8[%rem3A_105, %dma_wait3A, %dma_wait3A_110] : memref<2x128x256xf32, #tpu.memory_space<vmem>> -> memref<1x128x256xf32, #tpu.memory_space<vmem>>
      %dma_wait3A_112 = tpu.memref_squeeze %dma_wait3A_111 : memref<1x128x256xf32, #tpu.memory_space<vmem>> -> memref<128x256xf32, #tpu.memory_space<vmem>>
      %dma_wait3A_113 = arith.constant 0 : i32
      %dma_wait3A_114 = tpu.memref_slice %arg4[%mul3A_109, %dma_wait3A_113] : memref<36864x256xf32, #tpu.memory_space<hbm>> -> memref<128x256xf32, #tpu.memory_space<hbm>>
      %dma_wait3A_115 = tpu.memref_slice %run_scoped3A_9[%rem3A_105] : memref<2x!tpu.dma_semaphore, #tpu.memory_space<semaphore_mem>> -> memref<1x!tpu.dma_semaphore, #tpu.memory_space<semaphore_mem>>
      %dma_wait3A_116 = tpu.memref_squeeze %dma_wait3A_115 : memref<1x!tpu.dma_semaphore, #tpu.memory_space<semaphore_mem>> -> memref<!tpu.dma_semaphore, #tpu.memory_space<semaphore_mem>>
      %dma_wait3A_117 = arith.constant 0 : i32
      %dma_wait3A_118 = tpu.memref_slice %arg4[%mul3A_109, %dma_wait3A_117] : memref<36864x256xf32, #tpu.memory_space<hbm>> -> memref<128x256xf32, #tpu.memory_space<hbm>>
      %dma_wait3A_119 = arith.constant 0 : i32
      %dma_wait3A_120 = arith.constant 0 : i32
      %dma_wait3A_121 = tpu.memref_slice %run_scoped3A_8[%rem3A_105, %dma_wait3A_119, %dma_wait3A_120] : memref<2x128x256xf32, #tpu.memory_space<vmem>> -> memref<1x128x256xf32, #tpu.memory_space<vmem>>
      %dma_wait3A_122 = tpu.memref_squeeze %dma_wait3A_121 : memref<1x128x256xf32, #tpu.memory_space<vmem>> -> memref<128x256xf32, #tpu.memory_space<vmem>>
      tpu.wait_dma2 semaphore(%dma_wait3A_116 : memref<!tpu.dma_semaphore, #tpu.memory_space<semaphore_mem>>) src(%dma_wait3A_122 : memref<128x256xf32, #tpu.memory_space<vmem>>) dst(%dma_wait3A_118 : memref<128x256xf32, #tpu.memory_space<hbm>>)
      "tpu.trace_stop"() : () -> ()
      tpu.yield
    }) : () -> ()
    return
  }
}

#map = affine_map<(d0, d1) -> (0, 0)>
module attributes {stable_mosaic.version = 14 : i64} {
  func.func @k(%arg0: i32, %arg1: i32, %arg2: memref<1024x256xf32, #tpu.memory_space<hbm>>, %arg3: memref<1x8192xi32, #tpu.memory_space<hbm>>, %arg4: memref<8192x256xf32, #tpu.memory_space<hbm>>) attributes {dimension_semantics = [#tpu.dimension_semantics<core_parallel>, #tpu.dimension_semantics<subcore_parallel>], iteration_bounds = array<i64: 2, 16>, scalar_prefetch = 0 : i64, scratch_operands = 0 : i64, tpu.core_type = #tpu.core_type<sc_vector_subcore>, window_params = [{transform_indices = #map}, {transform_indices = #map}, {transform_indices = #map}]} {
    %mul3A = arith.constant 1 : i32
    %mul3A_0 = arith.muli %arg1, %mul3A : i32
    %add3A = arith.constant 0 : i32
    %add3A_1 = arith.addi %add3A, %mul3A_0 : i32
    %mul3A_2 = arith.constant 16 : i32
    %mul3A_3 = arith.muli %arg0, %mul3A_2 : i32
    %add3A_4 = arith.addi %add3A_1, %mul3A_3 : i32
    %mul3A_5 = arith.constant 2 : i32
    %mul3A_6 = arith.muli %add3A_4, %mul3A_5 : i32
    "tpu.region"() ({
      %run_scoped3A = memref.alloca() : memref<2x1x128xi32, #tpu.memory_space<vmem>>
      %run_scoped3A_7 = tpu.sem_alloc : memref<2x!tpu.dma_semaphore, #tpu.memory_space<semaphore_mem>>
      %run_scoped3A_8 = memref.alloca() : memref<2x128x256xf32, #tpu.memory_space<vmem>>
      %run_scoped3A_9 = tpu.sem_alloc : memref<2x!tpu.dma_semaphore, #tpu.memory_space<semaphore_mem>>
      %add3A_10 = arith.constant 0 : i32
      %add3A_11 = arith.addi %add3A_10, %mul3A_6 : i32
      %select_n3A = arith.constant true
      %select_n3A_12 = arith.constant 0 : i32
      %select_n3A_13 = arith.constant -1 : i32
      %select_n3A_14 = arith.select %select_n3A, %select_n3A_13, %select_n3A_12 : i32
      %eq3A = arith.constant -1 : i32
      %eq3A_15 = arith.cmpi eq, %select_n3A_14, %eq3A : i32
      %select_n3A_16 = arith.constant 1 : i32
      %select_n3A_17 = arith.select %eq3A_15, %select_n3A_16, %select_n3A_14 : i32
      %add3A_18 = arith.addi %select_n3A_17, %mul3A_6 : i32
      %select_n3A_19 = arith.constant true
      %select_n3A_20 = arith.constant 0 : i32
      %select_n3A_21 = arith.constant 1 : i32
      %select_n3A_22 = arith.select %select_n3A_19, %select_n3A_21, %select_n3A_20 : i32
      %eq3A_23 = arith.constant 2 : i32
      %eq3A_24 = arith.cmpi eq, %select_n3A_22, %eq3A_23 : i32
      %select_n3A_25 = arith.constant 0 : i32
      %select_n3A_26 = arith.select %eq3A_24, %select_n3A_25, %select_n3A_22 : i32
      %add3A_27 = arith.addi %select_n3A_26, %mul3A_6 : i32
      %add3A_28 = arith.constant 1 : i32
      %add3A_29 = arith.addi %select_n3A_26, %add3A_28 : i32
      %select_n3A_30 = arith.constant true
      %select_n3A_31 = arith.select %select_n3A_30, %add3A_29, %select_n3A_26 : i32
      %eq3A_32 = arith.constant 2 : i32
      %eq3A_33 = arith.cmpi eq, %select_n3A_31, %eq3A_32 : i32
      %select_n3A_34 = arith.constant 0 : i32
      %select_n3A_35 = arith.select %eq3A_33, %select_n3A_34, %select_n3A_31 : i32
      %add3A_36 = arith.addi %select_n3A_35, %mul3A_6 : i32
      "tpu.trace_start"() <{level = 10 : i32, message = "ep_initialize_0"}> : () -> ()
      %rem3A = arith.constant 0 : i32
      %rem3A_37 = arith.constant 2 : i32
      %rem3A_38 = arith.remui %rem3A, %rem3A_37 : i32
      %mul3A_39 = arith.constant 128 : i32
      %mul3A_40 = arith.muli %mul3A_39, %add3A_11 : i32
      %dma_start3A = arith.constant 0 : i32
      %dma_start3A_41 = arith.constant 0 : i32
      %dma_start3A_42 = tpu.memref_slice %run_scoped3A[%rem3A_38, %dma_start3A, %dma_start3A_41] : memref<2x1x128xi32, #tpu.memory_space<vmem>> -> memref<1x1x128xi32, #tpu.memory_space<vmem>>
      %dma_start3A_43 = tpu.memref_squeeze %dma_start3A_42 : memref<1x1x128xi32, #tpu.memory_space<vmem>> -> memref<1x128xi32, #tpu.memory_space<vmem>>
      %dma_start3A_44 = arith.constant 0 : i32
      %dma_start3A_45 = tpu.memref_slice %arg3[%dma_start3A_44, %mul3A_40] : memref<1x8192xi32, #tpu.memory_space<hbm>> -> memref<1x128xi32, #tpu.memory_space<hbm>>
      %dma_start3A_46 = tpu.memref_slice %run_scoped3A_7[%rem3A_38] : memref<2x!tpu.dma_semaphore, #tpu.memory_space<semaphore_mem>> -> memref<1x!tpu.dma_semaphore, #tpu.memory_space<semaphore_mem>>
      %dma_start3A_47 = tpu.memref_squeeze %dma_start3A_46 : memref<1x!tpu.dma_semaphore, #tpu.memory_space<semaphore_mem>> -> memref<!tpu.dma_semaphore, #tpu.memory_space<semaphore_mem>>
      %dma_start3A_48 = arith.constant 0 : i32
      %dma_start3A_49 = arith.constant 0 : i32
      %dma_start3A_50 = tpu.memref_slice %run_scoped3A[%rem3A_38, %dma_start3A_48, %dma_start3A_49] : memref<2x1x128xi32, #tpu.memory_space<vmem>> -> memref<1x1x128xi32, #tpu.memory_space<vmem>>
      %dma_start3A_51 = tpu.memref_squeeze %dma_start3A_50 : memref<1x1x128xi32, #tpu.memory_space<vmem>> -> memref<1x128xi32, #tpu.memory_space<vmem>>
      %dma_start3A_52 = arith.constant 0 : i32
      %dma_start3A_53 = tpu.memref_slice %arg3[%dma_start3A_52, %mul3A_40] : memref<1x8192xi32, #tpu.memory_space<hbm>> -> memref<1x128xi32, #tpu.memory_space<hbm>>
      tpu.enqueue_dma source(%dma_start3A_53 : memref<1x128xi32, #tpu.memory_space<hbm>>) target(%dma_start3A_51 : memref<1x128xi32, #tpu.memory_space<vmem>>) target_semaphore(%dma_start3A_47 : memref<!tpu.dma_semaphore, #tpu.memory_space<semaphore_mem>>)
      %add3A_54 = arith.constant 0 : i32
      %add3A_55 = arith.constant 1 : i32
      %add3A_56 = arith.addi %add3A_54, %add3A_55 : i32
      %select_n3A_57 = arith.constant true
      %select_n3A_58 = arith.constant 0 : i32
      %select_n3A_59 = arith.select %select_n3A_57, %add3A_56, %select_n3A_58 : i32
      "tpu.trace_stop"() : () -> ()
      %scan3A = arith.constant 0 : i32
      %scan3A_60 = arith.constant 0 : i32
      %scan3A_61 = arith.constant 0 : i32
      %scan3A_62 = arith.constant 0 : i32
      %scan3A_63 = arith.constant 0 : i32
      %scan3A_64 = arith.constant 2 : i32
      %scan3A_65 = arith.addi %scan3A_63, %scan3A_64 : i32
      %scan3A_66 = arith.constant 1 : i32
      %scan3A_67:5 = scf.for %scan3A_123 = %scan3A_63 to %scan3A_65 step %scan3A_66 iter_args(%scan3A_124 = %select_n3A_59, %scan3A_125 = %scan3A, %scan3A_126 = %scan3A_60, %scan3A_127 = %scan3A_61, %scan3A_128 = %scan3A_62) -> (i32, i32, i32, i32, i32)  : i32 {
        %eq3A_129 = arith.constant 0 : i32
        %eq3A_130 = arith.cmpi eq, %scan3A_123, %eq3A_129 : i32
        %eq3A_131 = arith.constant 1 : i32
        %eq3A_132 = arith.cmpi eq, %scan3A_123, %eq3A_131 : i32
        %add3A_133 = arith.addi %scan3A_128, %mul3A_6 : i32
        %sub3A_134 = arith.constant 1 : i32
        %sub3A_135 = arith.subi %scan3A_128, %sub3A_134 : i32
        %select_n3A_136 = arith.constant true
        %select_n3A_137 = arith.select %select_n3A_136, %sub3A_135, %scan3A_128 : i32
        %eq3A_138 = arith.constant -1 : i32
        %eq3A_139 = arith.cmpi eq, %select_n3A_137, %eq3A_138 : i32
        %select_n3A_140 = arith.constant 1 : i32
        %select_n3A_141 = arith.select %eq3A_139, %select_n3A_140, %select_n3A_137 : i32
        %add3A_142 = arith.addi %select_n3A_141, %mul3A_6 : i32
        %add3A_143 = arith.constant 1 : i32
        %add3A_144 = arith.addi %scan3A_128, %add3A_143 : i32
        %select_n3A_145 = arith.constant true
        %select_n3A_146 = arith.select %select_n3A_145, %add3A_144, %scan3A_128 : i32
        %eq3A_147 = arith.constant 2 : i32
        %eq3A_148 = arith.cmpi eq, %select_n3A_146, %eq3A_147 : i32
        %select_n3A_149 = arith.constant 0 : i32
        %select_n3A_150 = arith.select %eq3A_148, %select_n3A_149, %select_n3A_146 : i32
        %add3A_151 = arith.addi %select_n3A_150, %mul3A_6 : i32
        %add3A_152 = arith.constant 1 : i32
        %add3A_153 = arith.addi %select_n3A_150, %add3A_152 : i32
        %select_n3A_154 = arith.constant true
        %select_n3A_155 = arith.select %select_n3A_154, %add3A_153, %select_n3A_150 : i32
        %eq3A_156 = arith.constant 2 : i32
        %eq3A_157 = arith.cmpi eq, %select_n3A_155, %eq3A_156 : i32
        %select_n3A_158 = arith.constant 0 : i32
        %select_n3A_159 = arith.select %eq3A_157, %select_n3A_158, %select_n3A_155 : i32
        %add3A_160 = arith.addi %select_n3A_159, %mul3A_6 : i32
        %ne3A = arith.cmpi ne, %add3A_133, %add3A_151 : i32
        %or3A = arith.constant false
        %or3A_161 = arith.ori %or3A, %ne3A : i1
        %ge3A = arith.constant 1 : i32
        %ge3A_162 = arith.cmpi sge, %scan3A_123, %ge3A : i32
        %not3A = arith.constant true
        %not3A_163 = arith.xori %ge3A_162, %not3A : i1
        %and3A = arith.andi %or3A_161, %not3A_163 : i1
        %convert_element_type3A = arith.extui %and3A : i1 to i32
        %cond3A = arith.constant 0 : i32
        %cond3A_164 = arith.cmpi ne, %convert_element_type3A, %cond3A : i32
        scf.if %cond3A_164 {
          "tpu.trace_start"() <{level = 10 : i32, message = "ep_copy_in"}> : () -> ()
          %rem3A_282 = arith.constant 2 : i32
          %rem3A_283 = arith.remui %scan3A_124, %rem3A_282 : i32
          %mul3A_284 = arith.constant 128 : i32
          %mul3A_285 = arith.muli %mul3A_284, %add3A_151 : i32
          %dma_start3A_286 = arith.constant 0 : i32
          %dma_start3A_287 = arith.constant 0 : i32
          %dma_start3A_288 = tpu.memref_slice %run_scoped3A[%rem3A_283, %dma_start3A_286, %dma_start3A_287] : memref<2x1x128xi32, #tpu.memory_space<vmem>> -> memref<1x1x128xi32, #tpu.memory_space<vmem>>
          %dma_start3A_289 = tpu.memref_squeeze %dma_start3A_288 : memref<1x1x128xi32, #tpu.memory_space<vmem>> -> memref<1x128xi32, #tpu.memory_space<vmem>>
          %dma_start3A_290 = arith.constant 0 : i32
          %dma_start3A_291 = tpu.memref_slice %arg3[%dma_start3A_290, %mul3A_285] : memref<1x8192xi32, #tpu.memory_space<hbm>> -> memref<1x128xi32, #tpu.memory_space<hbm>>
          %dma_start3A_292 = tpu.memref_slice %run_scoped3A_7[%rem3A_283] : memref<2x!tpu.dma_semaphore, #tpu.memory_space<semaphore_mem>> -> memref<1x!tpu.dma_semaphore, #tpu.memory_space<semaphore_mem>>
          %dma_start3A_293 = tpu.memref_squeeze %dma_start3A_292 : memref<1x!tpu.dma_semaphore, #tpu.memory_space<semaphore_mem>> -> memref<!tpu.dma_semaphore, #tpu.memory_space<semaphore_mem>>
          %dma_start3A_294 = arith.constant 0 : i32
          %dma_start3A_295 = arith.constant 0 : i32
          %dma_start3A_296 = tpu.memref_slice %run_scoped3A[%rem3A_283, %dma_start3A_294, %dma_start3A_295] : memref<2x1x128xi32, #tpu.memory_space<vmem>> -> memref<1x1x128xi32, #tpu.memory_space<vmem>>
          %dma_start3A_297 = tpu.memref_squeeze %dma_start3A_296 : memref<1x1x128xi32, #tpu.memory_space<vmem>> -> memref<1x128xi32, #tpu.memory_space<vmem>>
          %dma_start3A_298 = arith.constant 0 : i32
          %dma_start3A_299 = tpu.memref_slice %arg3[%dma_start3A_298, %mul3A_285] : memref<1x8192xi32, #tpu.memory_space<hbm>> -> memref<1x128xi32, #tpu.memory_space<hbm>>
          tpu.enqueue_dma source(%dma_start3A_299 : memref<1x128xi32, #tpu.memory_space<hbm>>) target(%dma_start3A_297 : memref<1x128xi32, #tpu.memory_space<vmem>>) target_semaphore(%dma_start3A_293 : memref<!tpu.dma_semaphore, #tpu.memory_space<semaphore_mem>>)
          "tpu.trace_stop"() : () -> ()
        } else {
        }
        %and3A_165 = arith.constant true
        %and3A_166 = arith.andi %and3A, %and3A_165 : i1
        %add3A_167 = arith.constant 1 : i32
        %add3A_168 = arith.addi %scan3A_124, %add3A_167 : i32
        %select_n3A_169 = arith.select %and3A_166, %add3A_168, %scan3A_124 : i32
        %add3A_170 = arith.constant 0 : i32
        %add3A_171 = arith.addi %add3A_170, %add3A_133 : i32
        %add3A_172 = arith.constant 0 : i32
        %add3A_173 = arith.addi %add3A_172, %add3A_151 : i32
        %ne3A_174 = arith.cmpi ne, %add3A_171, %add3A_173 : i32
        %or3A_175 = arith.constant false
        %or3A_176 = arith.ori %or3A_175, %ne3A_174 : i1
        %or3A_177 = arith.constant false
        %or3A_178 = arith.ori %or3A_176, %or3A_177 : i1
        %ge3A_179 = arith.constant 1 : i32
        %ge3A_180 = arith.cmpi sge, %scan3A_123, %ge3A_179 : i32
        %not3A_181 = arith.constant true
        %not3A_182 = arith.xori %ge3A_180, %not3A_181 : i1
        %and3A_183 = arith.andi %or3A_178, %not3A_182 : i1
        %ne3A_184 = arith.cmpi ne, %add3A_133, %add3A_142 : i32
        %or3A_185 = arith.constant false
        %or3A_186 = arith.ori %or3A_185, %ne3A_184 : i1
        %or3A_187 = arith.ori %or3A_186, %eq3A_130 : i1
        %convert_element_type3A_188 = arith.extui %or3A_187 : i1 to i32
        %cond3A_189 = arith.constant 0 : i32
        %cond3A_190 = arith.cmpi ne, %convert_element_type3A_188, %cond3A_189 : i32
        scf.if %cond3A_190 {
          "tpu.trace_start"() <{level = 10 : i32, message = "ep_wait_in"}> : () -> ()
          %mul3A_282 = arith.constant 128 : i32
          %mul3A_283 = arith.muli %mul3A_282, %add3A_133 : i32
          %rem3A_284 = arith.constant 2 : i32
          %rem3A_285 = arith.remui %scan3A_125, %rem3A_284 : i32
          %dma_wait3A_286 = arith.constant 0 : i32
          %dma_wait3A_287 = arith.constant 0 : i32
          %dma_wait3A_288 = tpu.memref_slice %run_scoped3A[%rem3A_285, %dma_wait3A_286, %dma_wait3A_287] : memref<2x1x128xi32, #tpu.memory_space<vmem>> -> memref<1x1x128xi32, #tpu.memory_space<vmem>>
          %dma_wait3A_289 = tpu.memref_squeeze %dma_wait3A_288 : memref<1x1x128xi32, #tpu.memory_space<vmem>> -> memref<1x128xi32, #tpu.memory_space<vmem>>
          %dma_wait3A_290 = arith.constant 0 : i32
          %dma_wait3A_291 = tpu.memref_slice %arg3[%dma_wait3A_290, %mul3A_283] : memref<1x8192xi32, #tpu.memory_space<hbm>> -> memref<1x128xi32, #tpu.memory_space<hbm>>
          %dma_wait3A_292 = tpu.memref_slice %run_scoped3A_7[%rem3A_285] : memref<2x!tpu.dma_semaphore, #tpu.memory_space<semaphore_mem>> -> memref<1x!tpu.dma_semaphore, #tpu.memory_space<semaphore_mem>>
          %dma_wait3A_293 = tpu.memref_squeeze %dma_wait3A_292 : memref<1x!tpu.dma_semaphore, #tpu.memory_space<semaphore_mem>> -> memref<!tpu.dma_semaphore, #tpu.memory_space<semaphore_mem>>
          %dma_wait3A_294 = arith.constant 0 : i32
          %dma_wait3A_295 = arith.constant 0 : i32
          %dma_wait3A_296 = tpu.memref_slice %run_scoped3A[%rem3A_285, %dma_wait3A_294, %dma_wait3A_295] : memref<2x1x128xi32, #tpu.memory_space<vmem>> -> memref<1x1x128xi32, #tpu.memory_space<vmem>>
          %dma_wait3A_297 = tpu.memref_squeeze %dma_wait3A_296 : memref<1x1x128xi32, #tpu.memory_space<vmem>> -> memref<1x128xi32, #tpu.memory_space<vmem>>
          %dma_wait3A_298 = arith.constant 0 : i32
          %dma_wait3A_299 = tpu.memref_slice %arg3[%dma_wait3A_298, %mul3A_283] : memref<1x8192xi32, #tpu.memory_space<hbm>> -> memref<1x128xi32, #tpu.memory_space<hbm>>
          tpu.wait_dma2 semaphore(%dma_wait3A_293 : memref<!tpu.dma_semaphore, #tpu.memory_space<semaphore_mem>>) src(%dma_wait3A_299 : memref<1x128xi32, #tpu.memory_space<hbm>>) dst(%dma_wait3A_297 : memref<1x128xi32, #tpu.memory_space<vmem>>)
          "tpu.trace_stop"() : () -> ()
        } else {
        }
        %add3A_191 = arith.constant 0 : i32
        %add3A_192 = arith.addi %add3A_191, %add3A_133 : i32
        %add3A_193 = arith.constant 0 : i32
        %add3A_194 = arith.addi %add3A_193, %add3A_142 : i32
        %ne3A_195 = arith.cmpi ne, %add3A_192, %add3A_194 : i32
        %or3A_196 = arith.constant false
        %or3A_197 = arith.ori %or3A_196, %ne3A_195 : i1
        %or3A_198 = arith.constant false
        %or3A_199 = arith.ori %or3A_197, %or3A_198 : i1
        %or3A_200 = arith.ori %or3A_199, %eq3A_130 : i1
        %convert_element_type3A_201 = arith.extui %or3A_200 : i1 to i32
        %cond3A_202 = arith.constant 0 : i32
        %cond3A_203 = arith.cmpi ne, %convert_element_type3A_201, %cond3A_202 : i32
        scf.if %cond3A_203 {
        } else {
        }
        %rem3A_204 = arith.constant 2 : i32
        %rem3A_205 = arith.remui %scan3A_125, %rem3A_204 : i32
        %rem3A_206 = arith.constant 2 : i32
        %rem3A_207 = arith.remui %scan3A_126, %rem3A_206 : i32
        %run_scoped3A_208 = arith.constant 0 : i32
        "tpu.trace_start"() <{level = 10 : i32, message = "ep_run_kernel"}> : () -> ()
        "tpu.region"() ({
          %run_scoped3A_282 = tpu.sem_alloc : memref<!tpu.dma_semaphore, #tpu.memory_space<semaphore_mem>>
          %dma_start3A_283 = arith.constant 0 : i32
          %dma_start3A_284 = arith.constant 0 : i32
          %dma_start3A_285 = tpu.memref_slice %run_scoped3A_8[%rem3A_207, %dma_start3A_283, %dma_start3A_284] : memref<2x128x256xf32, #tpu.memory_space<vmem>> -> memref<1x128x256xf32, #tpu.memory_space<vmem>>
          %dma_start3A_286 = tpu.memref_squeeze %dma_start3A_285 : memref<1x128x256xf32, #tpu.memory_space<vmem>> -> memref<128x256xf32, #tpu.memory_space<vmem>>
          %dma_start3A_287 = arith.constant 0 : i32
          %dma_start3A_288 = arith.constant 0 : i32
          %dma_start3A_289 = tpu.memref_slice %run_scoped3A[%rem3A_205, %dma_start3A_287, %dma_start3A_288] : memref<2x1x128xi32, #tpu.memory_space<vmem>> -> memref<1x1x128xi32, #tpu.memory_space<vmem>>
          %dma_start3A_290 = tpu.memref_squeeze %dma_start3A_289 : memref<1x1x128xi32, #tpu.memory_space<vmem>> -> memref<1x128xi32, #tpu.memory_space<vmem>>
          %dma_start3A_291 = arith.constant 0 : i32
          %dma_start3A_292 = tpu.memref_slice %dma_start3A_290[%run_scoped3A_208, %dma_start3A_291] : memref<1x128xi32, #tpu.memory_space<vmem>> -> memref<1x128xi32, #tpu.memory_space<vmem>>
          %dma_start3A_293 = tpu.memref_squeeze %dma_start3A_292 : memref<1x128xi32, #tpu.memory_space<vmem>> -> memref<128xi32, #tpu.memory_space<vmem>>
          %dma_start3A_294 = arith.constant 0 : i32
          %dma_start3A_295 = arith.constant 0 : i32
          %dma_start3A_296 = tpu.memref_slice %arg2[%dma_start3A_294, %dma_start3A_295] : memref<1024x256xf32, #tpu.memory_space<hbm>> -> memref<1024x256xf32, #tpu.memory_space<hbm>>
          tpu.enqueue_indirect_dma source(%dma_start3A_296 : memref<1024x256xf32, #tpu.memory_space<hbm>>) target(%dma_start3A_286 : memref<128x256xf32, #tpu.memory_space<vmem>>) offsets(%dma_start3A_293 : memref<128xi32, #tpu.memory_space<vmem>>) semaphore(%run_scoped3A_282 : memref<!tpu.dma_semaphore, #tpu.memory_space<semaphore_mem>>)
          %dma_wait3A_297 = arith.constant 0 : i32
          %dma_wait3A_298 = arith.constant 0 : i32
          %dma_wait3A_299 = tpu.memref_slice %run_scoped3A_8[%rem3A_207, %dma_wait3A_297, %dma_wait3A_298] : memref<2x128x256xf32, #tpu.memory_space<vmem>> -> memref<1x128x256xf32, #tpu.memory_space<vmem>>
          %dma_wait3A_300 = tpu.memref_squeeze %dma_wait3A_299 : memref<1x128x256xf32, #tpu.memory_space<vmem>> -> memref<128x256xf32, #tpu.memory_space<vmem>>
          %dma_wait3A_301 = arith.constant 0 : i32
          %dma_wait3A_302 = arith.constant 0 : i32
          %dma_wait3A_303 = tpu.memref_slice %run_scoped3A[%rem3A_205, %dma_wait3A_301, %dma_wait3A_302] : memref<2x1x128xi32, #tpu.memory_space<vmem>> -> memref<1x1x128xi32, #tpu.memory_space<vmem>>
          %dma_wait3A_304 = tpu.memref_squeeze %dma_wait3A_303 : memref<1x1x128xi32, #tpu.memory_space<vmem>> -> memref<1x128xi32, #tpu.memory_space<vmem>>
          %dma_wait3A_305 = arith.constant 0 : i32
          %dma_wait3A_306 = tpu.memref_slice %dma_wait3A_304[%run_scoped3A_208, %dma_wait3A_305] : memref<1x128xi32, #tpu.memory_space<vmem>> -> memref<1x128xi32, #tpu.memory_space<vmem>>
          %dma_wait3A_307 = tpu.memref_squeeze %dma_wait3A_306 : memref<1x128xi32, #tpu.memory_space<vmem>> -> memref<128xi32, #tpu.memory_space<vmem>>
          %dma_wait3A_308 = arith.constant 0 : i32
          %dma_wait3A_309 = arith.constant 0 : i32
          %dma_wait3A_310 = tpu.memref_slice %arg2[%dma_wait3A_308, %dma_wait3A_309] : memref<1024x256xf32, #tpu.memory_space<hbm>> -> memref<1024x256xf32, #tpu.memory_space<hbm>>
          tpu.wait_indirect_dma semaphore(%run_scoped3A_282 : memref<!tpu.dma_semaphore, #tpu.memory_space<semaphore_mem>>) src(%dma_wait3A_310 : memref<1024x256xf32, #tpu.memory_space<hbm>>) dst(%dma_wait3A_300 : memref<128x256xf32, #tpu.memory_space<vmem>>)
          tpu.yield
        }) : () -> ()
        "tpu.trace_stop"() : () -> ()
        %ne3A_209 = arith.cmpi ne, %add3A_133, %add3A_151 : i32
        %or3A_210 = arith.constant false
        %or3A_211 = arith.ori %or3A_210, %ne3A_209 : i1
        %or3A_212 = arith.ori %or3A_211, %eq3A_132 : i1
        %convert_element_type3A_213 = arith.extui %or3A_212 : i1 to i32
        %cond3A_214 = arith.constant 0 : i32
        %cond3A_215 = arith.cmpi ne, %convert_element_type3A_213, %cond3A_214 : i32
        scf.if %cond3A_215 {
        } else {
        }
        %and3A_216 = arith.constant false
        %and3A_217 = arith.andi %or3A_212, %and3A_216 : i1
        %add3A_218 = arith.constant 0 : i32
        %add3A_219 = arith.addi %add3A_218, %add3A_133 : i32
        %add3A_220 = arith.constant 0 : i32
        %add3A_221 = arith.addi %add3A_220, %add3A_151 : i32
        %ne3A_222 = arith.cmpi ne, %add3A_219, %add3A_221 : i32
        %or3A_223 = arith.constant false
        %or3A_224 = arith.ori %or3A_223, %ne3A_222 : i1
        %or3A_225 = arith.constant false
        %or3A_226 = arith.ori %or3A_224, %or3A_225 : i1
        %or3A_227 = arith.ori %or3A_226, %eq3A_132 : i1
        %convert_element_type3A_228 = arith.extui %or3A_227 : i1 to i32
        %cond3A_229 = arith.constant 0 : i32
        %cond3A_230 = arith.cmpi ne, %convert_element_type3A_228, %cond3A_229 : i32
        scf.if %cond3A_230 {
          "tpu.trace_start"() <{level = 10 : i32, message = "ep_copy_out"}> : () -> ()
          %rem3A_282 = arith.constant 2 : i32
          %rem3A_283 = arith.remui %scan3A_126, %rem3A_282 : i32
          %add3A_284 = arith.constant 0 : i32
          %add3A_285 = arith.addi %add3A_284, %add3A_133 : i32
          %mul3A_286 = arith.constant 128 : i32
          %mul3A_287 = arith.muli %mul3A_286, %add3A_285 : i32
          %dma_start3A_288 = arith.constant 0 : i32
          %dma_start3A_289 = arith.constant 0 : i32
          %dma_start3A_290 = tpu.memref_slice %run_scoped3A_8[%rem3A_283, %dma_start3A_288, %dma_start3A_289] : memref<2x128x256xf32, #tpu.memory_space<vmem>> -> memref<1x128x256xf32, #tpu.memory_space<vmem>>
          %dma_start3A_291 = tpu.memref_squeeze %dma_start3A_290 : memref<1x128x256xf32, #tpu.memory_space<vmem>> -> memref<128x256xf32, #tpu.memory_space<vmem>>
          %dma_start3A_292 = arith.constant 0 : i32
          %dma_start3A_293 = tpu.memref_slice %arg4[%mul3A_287, %dma_start3A_292] : memref<8192x256xf32, #tpu.memory_space<hbm>> -> memref<128x256xf32, #tpu.memory_space<hbm>>
          %dma_start3A_294 = tpu.memref_slice %run_scoped3A_9[%rem3A_283] : memref<2x!tpu.dma_semaphore, #tpu.memory_space<semaphore_mem>> -> memref<1x!tpu.dma_semaphore, #tpu.memory_space<semaphore_mem>>
          %dma_start3A_295 = tpu.memref_squeeze %dma_start3A_294 : memref<1x!tpu.dma_semaphore, #tpu.memory_space<semaphore_mem>> -> memref<!tpu.dma_semaphore, #tpu.memory_space<semaphore_mem>>
          %dma_start3A_296 = arith.constant 0 : i32
          %dma_start3A_297 = tpu.memref_slice %arg4[%mul3A_287, %dma_start3A_296] : memref<8192x256xf32, #tpu.memory_space<hbm>> -> memref<128x256xf32, #tpu.memory_space<hbm>>
          %dma_start3A_298 = arith.constant 0 : i32
          %dma_start3A_299 = arith.constant 0 : i32
          %dma_start3A_300 = tpu.memref_slice %run_scoped3A_8[%rem3A_283, %dma_start3A_298, %dma_start3A_299] : memref<2x128x256xf32, #tpu.memory_space<vmem>> -> memref<1x128x256xf32, #tpu.memory_space<vmem>>
          %dma_start3A_301 = tpu.memref_squeeze %dma_start3A_300 : memref<1x128x256xf32, #tpu.memory_space<vmem>> -> memref<128x256xf32, #tpu.memory_space<vmem>>
          tpu.enqueue_dma source(%dma_start3A_301 : memref<128x256xf32, #tpu.memory_space<vmem>>) target(%dma_start3A_297 : memref<128x256xf32, #tpu.memory_space<hbm>>) target_semaphore(%dma_start3A_295 : memref<!tpu.dma_semaphore, #tpu.memory_space<semaphore_mem>>)
          "tpu.trace_stop"() : () -> ()
        } else {
        }
        %and3A_231 = arith.constant true
        %and3A_232 = arith.andi %or3A_227, %and3A_231 : i1
        %add3A_233 = arith.constant 1 : i32
        %add3A_234 = arith.addi %scan3A_126, %add3A_233 : i32
        %select_n3A_235 = arith.select %and3A_232, %add3A_234, %scan3A_126 : i32
        %ne3A_236 = arith.cmpi ne, %add3A_133, %add3A_142 : i32
        %or3A_237 = arith.constant false
        %or3A_238 = arith.ori %or3A_237, %ne3A_236 : i1
        %not3A_239 = arith.constant true
        %not3A_240 = arith.xori %eq3A_130, %not3A_239 : i1
        %and3A_241 = arith.andi %or3A_238, %not3A_240 : i1
        %convert_element_type3A_242 = arith.extui %and3A_241 : i1 to i32
        %cond3A_243 = arith.constant 0 : i32
        %cond3A_244 = arith.cmpi ne, %convert_element_type3A_242, %cond3A_243 : i32
        scf.if %cond3A_244 {
        } else {
        }
        %and3A_245 = arith.constant false
        %and3A_246 = arith.andi %and3A_241, %and3A_245 : i1
        %add3A_247 = arith.constant 0 : i32
        %add3A_248 = arith.addi %add3A_247, %add3A_133 : i32
        %add3A_249 = arith.constant 0 : i32
        %add3A_250 = arith.addi %add3A_249, %add3A_142 : i32
        %ne3A_251 = arith.cmpi ne, %add3A_248, %add3A_250 : i32
        %or3A_252 = arith.constant false
        %or3A_253 = arith.ori %or3A_252, %ne3A_251 : i1
        %or3A_254 = arith.constant false
        %or3A_255 = arith.ori %or3A_253, %or3A_254 : i1
        %not3A_256 = arith.constant true
        %not3A_257 = arith.xori %eq3A_130, %not3A_256 : i1
        %and3A_258 = arith.andi %or3A_255, %not3A_257 : i1
        %convert_element_type3A_259 = arith.extui %and3A_258 : i1 to i32
        %cond3A_260 = arith.constant 0 : i32
        %cond3A_261 = arith.cmpi ne, %convert_element_type3A_259, %cond3A_260 : i32
        scf.if %cond3A_261 {
          "tpu.trace_start"() <{level = 10 : i32, message = "ep_wait_out"}> : () -> ()
          %rem3A_282 = arith.constant 2 : i32
          %rem3A_283 = arith.remui %scan3A_127, %rem3A_282 : i32
          %add3A_284 = arith.constant 0 : i32
          %add3A_285 = arith.addi %add3A_284, %add3A_142 : i32
          %mul3A_286 = arith.constant 128 : i32
          %mul3A_287 = arith.muli %mul3A_286, %add3A_285 : i32
          %dma_wait3A_288 = arith.constant 0 : i32
          %dma_wait3A_289 = arith.constant 0 : i32
          %dma_wait3A_290 = tpu.memref_slice %run_scoped3A_8[%rem3A_283, %dma_wait3A_288, %dma_wait3A_289] : memref<2x128x256xf32, #tpu.memory_space<vmem>> -> memref<1x128x256xf32, #tpu.memory_space<vmem>>
          %dma_wait3A_291 = tpu.memref_squeeze %dma_wait3A_290 : memref<1x128x256xf32, #tpu.memory_space<vmem>> -> memref<128x256xf32, #tpu.memory_space<vmem>>
          %dma_wait3A_292 = arith.constant 0 : i32
          %dma_wait3A_293 = tpu.memref_slice %arg4[%mul3A_287, %dma_wait3A_292] : memref<8192x256xf32, #tpu.memory_space<hbm>> -> memref<128x256xf32, #tpu.memory_space<hbm>>
          %dma_wait3A_294 = tpu.memref_slice %run_scoped3A_9[%rem3A_283] : memref<2x!tpu.dma_semaphore, #tpu.memory_space<semaphore_mem>> -> memref<1x!tpu.dma_semaphore, #tpu.memory_space<semaphore_mem>>
          %dma_wait3A_295 = tpu.memref_squeeze %dma_wait3A_294 : memref<1x!tpu.dma_semaphore, #tpu.memory_space<semaphore_mem>> -> memref<!tpu.dma_semaphore, #tpu.memory_space<semaphore_mem>>
          %dma_wait3A_296 = arith.constant 0 : i32
          %dma_wait3A_297 = tpu.memref_slice %arg4[%mul3A_287, %dma_wait3A_296] : memref<8192x256xf32, #tpu.memory_space<hbm>> -> memref<128x256xf32, #tpu.memory_space<hbm>>
          %dma_wait3A_298 = arith.constant 0 : i32
          %dma_wait3A_299 = arith.constant 0 : i32
          %dma_wait3A_300 = tpu.memref_slice %run_scoped3A_8[%rem3A_283, %dma_wait3A_298, %dma_wait3A_299] : memref<2x128x256xf32, #tpu.memory_space<vmem>> -> memref<1x128x256xf32, #tpu.memory_space<vmem>>
          %dma_wait3A_301 = tpu.memref_squeeze %dma_wait3A_300 : memref<1x128x256xf32, #tpu.memory_space<vmem>> -> memref<128x256xf32, #tpu.memory_space<vmem>>
          tpu.wait_dma2 semaphore(%dma_wait3A_295 : memref<!tpu.dma_semaphore, #tpu.memory_space<semaphore_mem>>) src(%dma_wait3A_301 : memref<128x256xf32, #tpu.memory_space<vmem>>) dst(%dma_wait3A_297 : memref<128x256xf32, #tpu.memory_space<hbm>>)
          "tpu.trace_stop"() : () -> ()
        } else {
        }
        %and3A_262 = arith.constant true
        %and3A_263 = arith.andi %and3A_258, %and3A_262 : i1
        %add3A_264 = arith.constant 1 : i32
        %add3A_265 = arith.addi %scan3A_127, %add3A_264 : i32
        %select_n3A_266 = arith.select %and3A_263, %add3A_265, %scan3A_127 : i32
        %ne3A_267 = arith.cmpi ne, %add3A_133, %add3A_151 : i32
        %or3A_268 = arith.constant false
        %or3A_269 = arith.ori %or3A_268, %ne3A_267 : i1
        %or3A_270 = arith.ori %or3A_269, %eq3A_132 : i1
        %add3A_271 = arith.constant 1 : i32
        %add3A_272 = arith.addi %scan3A_125, %add3A_271 : i32
        %select_n3A_273 = arith.select %or3A_270, %add3A_272, %scan3A_125 : i32
        %add3A_274 = arith.constant 1 : i32
        %add3A_275 = arith.addi %scan3A_128, %add3A_274 : i32
        %select_n3A_276 = arith.constant true
        %select_n3A_277 = arith.select %select_n3A_276, %add3A_275, %scan3A_128 : i32
        %eq3A_278 = arith.constant 2 : i32
        %eq3A_279 = arith.cmpi eq, %select_n3A_277, %eq3A_278 : i32
        %select_n3A_280 = arith.constant 0 : i32
        %select_n3A_281 = arith.select %eq3A_279, %select_n3A_280, %select_n3A_277 : i32
        scf.yield %select_n3A_169, %select_n3A_273, %select_n3A_235, %select_n3A_266, %select_n3A_281 : i32, i32, i32, i32, i32
      }
      %scan3A_68 = arith.constant 2 : i32
      %sub3A = arith.constant 1 : i32
      %sub3A_69 = arith.subi %scan3A_67#4, %sub3A : i32
      %select_n3A_70 = arith.constant true
      %select_n3A_71 = arith.select %select_n3A_70, %sub3A_69, %scan3A_67#4 : i32
      %eq3A_72 = arith.constant -1 : i32
      %eq3A_73 = arith.cmpi eq, %select_n3A_71, %eq3A_72 : i32
      %select_n3A_74 = arith.constant 1 : i32
      %select_n3A_75 = arith.select %eq3A_73, %select_n3A_74, %select_n3A_71 : i32
      %add3A_76 = arith.addi %select_n3A_75, %mul3A_6 : i32
      %sub3A_77 = arith.constant 1 : i32
      %sub3A_78 = arith.subi %select_n3A_75, %sub3A_77 : i32
      %select_n3A_79 = arith.constant true
      %select_n3A_80 = arith.select %select_n3A_79, %sub3A_78, %select_n3A_75 : i32
      %eq3A_81 = arith.constant -1 : i32
      %eq3A_82 = arith.cmpi eq, %select_n3A_80, %eq3A_81 : i32
      %select_n3A_83 = arith.constant 1 : i32
      %select_n3A_84 = arith.select %eq3A_82, %select_n3A_83, %select_n3A_80 : i32
      %add3A_85 = arith.addi %select_n3A_84, %mul3A_6 : i32
      %add3A_86 = arith.constant 1 : i32
      %add3A_87 = arith.addi %select_n3A_75, %add3A_86 : i32
      %select_n3A_88 = arith.constant true
      %select_n3A_89 = arith.select %select_n3A_88, %add3A_87, %select_n3A_75 : i32
      %eq3A_90 = arith.constant 2 : i32
      %eq3A_91 = arith.cmpi eq, %select_n3A_89, %eq3A_90 : i32
      %select_n3A_92 = arith.constant 0 : i32
      %select_n3A_93 = arith.select %eq3A_91, %select_n3A_92, %select_n3A_89 : i32
      %add3A_94 = arith.addi %select_n3A_93, %mul3A_6 : i32
      %add3A_95 = arith.constant 1 : i32
      %add3A_96 = arith.addi %select_n3A_93, %add3A_95 : i32
      %select_n3A_97 = arith.constant true
      %select_n3A_98 = arith.select %select_n3A_97, %add3A_96, %select_n3A_93 : i32
      %eq3A_99 = arith.constant 2 : i32
      %eq3A_100 = arith.cmpi eq, %select_n3A_98, %eq3A_99 : i32
      %select_n3A_101 = arith.constant 0 : i32
      %select_n3A_102 = arith.select %eq3A_100, %select_n3A_101, %select_n3A_98 : i32
      %add3A_103 = arith.addi %select_n3A_102, %mul3A_6 : i32
      "tpu.trace_start"() <{level = 10 : i32, message = "ep_finalize"}> : () -> ()
      %rem3A_104 = arith.constant 2 : i32
      %rem3A_105 = arith.remui %scan3A_67#3, %rem3A_104 : i32
      %add3A_106 = arith.constant 0 : i32
      %add3A_107 = arith.addi %add3A_106, %add3A_76 : i32
      %mul3A_108 = arith.constant 128 : i32
      %mul3A_109 = arith.muli %mul3A_108, %add3A_107 : i32
      %dma_wait3A = arith.constant 0 : i32
      %dma_wait3A_110 = arith.constant 0 : i32
      %dma_wait3A_111 = tpu.memref_slice %run_scoped3A_8[%rem3A_105, %dma_wait3A, %dma_wait3A_110] : memref<2x128x256xf32, #tpu.memory_space<vmem>> -> memref<1x128x256xf32, #tpu.memory_space<vmem>>
      %dma_wait3A_112 = tpu.memref_squeeze %dma_wait3A_111 : memref<1x128x256xf32, #tpu.memory_space<vmem>> -> memref<128x256xf32, #tpu.memory_space<vmem>>
      %dma_wait3A_113 = arith.constant 0 : i32
      %dma_wait3A_114 = tpu.memref_slice %arg4[%mul3A_109, %dma_wait3A_113] : memref<8192x256xf32, #tpu.memory_space<hbm>> -> memref<128x256xf32, #tpu.memory_space<hbm>>
      %dma_wait3A_115 = tpu.memref_slice %run_scoped3A_9[%rem3A_105] : memref<2x!tpu.dma_semaphore, #tpu.memory_space<semaphore_mem>> -> memref<1x!tpu.dma_semaphore, #tpu.memory_space<semaphore_mem>>
      %dma_wait3A_116 = tpu.memref_squeeze %dma_wait3A_115 : memref<1x!tpu.dma_semaphore, #tpu.memory_space<semaphore_mem>> -> memref<!tpu.dma_semaphore, #tpu.memory_space<semaphore_mem>>
      %dma_wait3A_117 = arith.constant 0 : i32
      %dma_wait3A_118 = tpu.memref_slice %arg4[%mul3A_109, %dma_wait3A_117] : memref<8192x256xf32, #tpu.memory_space<hbm>> -> memref<128x256xf32, #tpu.memory_space<hbm>>
      %dma_wait3A_119 = arith.constant 0 : i32
      %dma_wait3A_120 = arith.constant 0 : i32
      %dma_wait3A_121 = tpu.memref_slice %run_scoped3A_8[%rem3A_105, %dma_wait3A_119, %dma_wait3A_120] : memref<2x128x256xf32, #tpu.memory_space<vmem>> -> memref<1x128x256xf32, #tpu.memory_space<vmem>>
      %dma_wait3A_122 = tpu.memref_squeeze %dma_wait3A_121 : memref<1x128x256xf32, #tpu.memory_space<vmem>> -> memref<128x256xf32, #tpu.memory_space<vmem>>
      tpu.wait_dma2 semaphore(%dma_wait3A_116 : memref<!tpu.dma_semaphore, #tpu.memory_space<semaphore_mem>>) src(%dma_wait3A_122 : memref<128x256xf32, #tpu.memory_space<vmem>>) dst(%dma_wait3A_118 : memref<128x256xf32, #tpu.memory_space<hbm>>)
      "tpu.trace_stop"() : () -> ()
      tpu.yield
    }) : () -> ()
    return
  }
}

module attributes {stable_mosaic.version = 14 : i64} {
  func.func @_table_kernel(%arg0: memref<1024x64xf32, #tpu.memory_space<vmem>>, %arg1: memref<64x256xf32, #tpu.memory_space<vmem>>, %arg2: memref<1x256xf32, #tpu.memory_space<vmem>>, %arg3: memref<1024x256xf32, #tpu.memory_space<vmem>>) attributes {dimension_semantics = [], scalar_prefetch = 0 : i64, scratch_operands = 0 : i64, tpu.core_type = #tpu.core_type<tc>} {
    %get3A = arith.constant 0 : index
    %get3A_0 = arith.constant 0 : index
    %get3A_1 = vector.load %arg0[%get3A, %get3A_0] : memref<1024x64xf32, #tpu.memory_space<vmem>>, vector<1024x64xf32>
    %get3A_2 = arith.constant 0 : index
    %get3A_3 = arith.constant 0 : index
    %get3A_4 = vector.load %arg1[%get3A_2, %get3A_3] : memref<64x256xf32, #tpu.memory_space<vmem>>, vector<64x256xf32>
    %dot_general3A = arith.constant dense<0.000000e+00> : vector<1024x256xf32>
    %dot_general3A_5 = tpu.matmul %get3A_1, %get3A_4, %dot_general3A {dimension_numbers = #tpu.dot_dimension_numbers<[1], [0], [0], [1], [0, 0, 1, 1], [], []>, transpose_lhs_hint = false} : vector<1024x64xf32>, vector<64x256xf32>, vector<1024x256xf32> -> vector<1024x256xf32>
    %get3A_6 = arith.constant 0 : index
    %get3A_7 = arith.constant 0 : index
    %get3A_8 = vector.load %arg2[%get3A_6, %get3A_7] : memref<1x256xf32, #tpu.memory_space<vmem>>, vector<1x256xf32>
    %add3A = vector.broadcast %get3A_8 : vector<1x256xf32> to vector<1024x256xf32>
    %add3A_9 = arith.addf %dot_general3A_5, %add3A : vector<1024x256xf32>
    %swap3A = arith.constant 0 : index
    %swap3A_10 = arith.constant 0 : index
    %swap3A_11 = vector.load %arg3[%swap3A, %swap3A_10] : memref<1024x256xf32, #tpu.memory_space<vmem>>, vector<1024x256xf32>
    tpu.vector_store %arg3[%swap3A, %swap3A_10], %add3A_9 {strides = array<i32>} : memref<1024x256xf32, #tpu.memory_space<vmem>>, vector<1024x256xf32>,
    return
  }
}

module attributes {stable_mosaic.version = 14 : i64} {
  func.func @_chunk_kernel(%arg0: i32, %arg1: memref<4096x256xf32, #tpu.memory_space<vmem>>, %arg2: memref<256x64xf32, #tpu.memory_space<vmem>>, %arg3: memref<1x64xf32, #tpu.memory_space<vmem>>, %arg4: memref<64x1024xf32, #tpu.memory_space<vmem>>, %arg5: memref<1x1x4096xi32, #tpu.memory_space<vmem>>, %arg6: memref<1x1xf32, #tpu.memory_space<smem>>, %arg7: memref<1x1024xf32, #tpu.memory_space<vmem>>, %arg8: memref<1x1024xf32, #tpu.memory_space<vmem>>, %arg9: memref<64x1024xf32, #tpu.memory_space<vmem>>, %arg10: memref<1x1024xf32, #tpu.memory_space<vmem>>, %arg11: memref<1x1xf32, #tpu.memory_space<smem>>, %arg12: memref<1x1024xf32, #tpu.memory_space<vmem>>) attributes {dimension_semantics = [#tpu.dimension_semantics<arbitrary>], iteration_bounds = array<i64: 2>, scalar_prefetch = 0 : i64, scratch_operands = 5 : i64, tpu.core_type = #tpu.core_type<tc>, window_params = [{transform_indices = @transform_0, window_bounds = array<i64: 4096, 256>}, {pipeline_mode = #tpu.pipeline_mode<synchronous>, transform_indices = @transform_1, window_bounds = array<i64: 256, 64>}, {pipeline_mode = #tpu.pipeline_mode<synchronous>, transform_indices = @transform_2, window_bounds = array<i64: 1, 64>}, {pipeline_mode = #tpu.pipeline_mode<synchronous>, transform_indices = @transform_3, window_bounds = array<i64: 64, 1024>}, {transform_indices = @transform_4, window_bounds = array<i64: 1, 1, 4096>}, {transform_indices = @transform_5, window_bounds = array<i64: 1, 1>}, {pipeline_mode = #tpu.pipeline_mode<synchronous>, transform_indices = @transform_6, window_bounds = array<i64: 1, 1024>}]} {
    %eq3A = arith.constant 0 : i32
    %eq3A_0 = arith.cmpi eq, %arg0, %eq3A : i32
    %convert_element_type3A = arith.extui %eq3A_0 : i1 to i32
    %cond3A = arith.constant 0 : i32
    %cond3A_1 = arith.cmpi ne, %convert_element_type3A, %cond3A : i32
    scf.if %cond3A_1 {
      %get3A_76 = arith.constant 0 : index
      %get3A_77 = arith.constant 0 : index
      %get3A_78 = vector.load %arg4[%get3A_76, %get3A_77] : memref<64x1024xf32, #tpu.memory_space<vmem>>, vector<64x1024xf32>
      %mul3A_79 = arith.mulf %get3A_78, %get3A_78 : vector<64x1024xf32>
      %reduce_sum3A_80 = arith.constant dense<0.000000e+00> : vector<1024xf32>
      %reduce_sum3A_81 = vector.multi_reduction <add>, %mul3A_79, %reduce_sum3A_80 [0] : vector<64x1024xf32> to vector<1024xf32>
      %broadcast_in_dim3A_82 = vector.shape_cast %reduce_sum3A_81 : vector<1024xf32> to vector<1x1024xf32>
      %swap3A_83 = arith.constant 0 : index
      %swap3A_84 = arith.constant 0 : index
      %swap3A_85 = vector.load %arg8[%swap3A_83, %swap3A_84] : memref<1x1024xf32, #tpu.memory_space<vmem>>, vector<1x1024xf32>
      tpu.vector_store %arg8[%swap3A_83, %swap3A_84], %broadcast_in_dim3A_82 {strides = array<i32>} : memref<1x1024xf32, #tpu.memory_space<vmem>>, vector<1x1024xf32>,
      %mul3A_86 = arith.constant -2.000000e+00 : f32
      %mul3A_87 = vector.broadcast %mul3A_86 : f32 to vector<64x1024xf32>
      %mul3A_88 = arith.mulf %get3A_78, %mul3A_87 : vector<64x1024xf32>
      %swap3A_89 = arith.constant 0 : index
      %swap3A_90 = arith.constant 0 : index
      %swap3A_91 = vector.load %arg9[%swap3A_89, %swap3A_90] : memref<64x1024xf32, #tpu.memory_space<vmem>>, vector<64x1024xf32>
      tpu.vector_store %arg9[%swap3A_89, %swap3A_90], %mul3A_88 {strides = array<i32>} : memref<64x1024xf32, #tpu.memory_space<vmem>>, vector<64x1024xf32>,
      %iota3A = tpu.iota {dimensions = array<i32: 1>} : vector<1x1024xi32>
      %convert_element_type3A_92 = arith.sitofp %iota3A : vector<1x1024xi32> to vector<1x1024xf32>
      %swap3A_93 = arith.constant 0 : index
      %swap3A_94 = arith.constant 0 : index
      %swap3A_95 = vector.load %arg10[%swap3A_93, %swap3A_94] : memref<1x1024xf32, #tpu.memory_space<vmem>>, vector<1x1024xf32>
      tpu.vector_store %arg10[%swap3A_93, %swap3A_94], %convert_element_type3A_92 {strides = array<i32>} : memref<1x1024xf32, #tpu.memory_space<vmem>>, vector<1x1024xf32>,
      %swap3A_96 = arith.constant 0.000000e+00 : f32
      %swap3A_97 = arith.constant 0 : index
      %swap3A_98 = arith.constant 0 : index
      %swap3A_99 = memref.load %arg11[%swap3A_97, %swap3A_98] : memref<1x1xf32, #tpu.memory_space<smem>>
      memref.store %swap3A_96, %arg11[%swap3A_97, %swap3A_98] : memref<1x1xf32, #tpu.memory_space<smem>>
      %broadcast_in_dim3A_100 = arith.constant 0.000000e+00 : f32
      %broadcast_in_dim3A_101 = vector.broadcast %broadcast_in_dim3A_100 : f32 to vector<1x1024xf32>
      %swap3A_102 = arith.constant 0 : index
      %swap3A_103 = arith.constant 0 : index
      %swap3A_104 = vector.load %arg12[%swap3A_102, %swap3A_103] : memref<1x1024xf32, #tpu.memory_space<vmem>>, vector<1x1024xf32>
      tpu.vector_store %arg12[%swap3A_102, %swap3A_103], %broadcast_in_dim3A_101 {strides = array<i32>} : memref<1x1024xf32, #tpu.memory_space<vmem>>, vector<1x1024xf32>,
    } else {
    }
    %get3A = arith.constant 0 : index
    %get3A_2 = arith.constant 0 : index
    %get3A_3 = vector.load %arg1[%get3A, %get3A_2] : memref<4096x256xf32, #tpu.memory_space<vmem>>, vector<4096x256xf32>
    %get3A_4 = arith.constant 0 : index
    %get3A_5 = arith.constant 0 : index
    %get3A_6 = vector.load %arg2[%get3A_4, %get3A_5] : memref<256x64xf32, #tpu.memory_space<vmem>>, vector<256x64xf32>
    %dot_general3A = arith.constant dense<0.000000e+00> : vector<4096x64xf32>
    %dot_general3A_7 = tpu.matmul %get3A_3, %get3A_6, %dot_general3A {dimension_numbers = #tpu.dot_dimension_numbers<[1], [0], [0], [1], [0, 0, 1, 1], [], []>, transpose_lhs_hint = false} : vector<4096x256xf32>, vector<256x64xf32>, vector<4096x64xf32> -> vector<4096x64xf32>
    %get3A_8 = arith.constant 0 : index
    %get3A_9 = arith.constant 0 : index
    %get3A_10 = vector.load %arg3[%get3A_8, %get3A_9] : memref<1x64xf32, #tpu.memory_space<vmem>>, vector<1x64xf32>
    %add3A = vector.broadcast %get3A_10 : vector<1x64xf32> to vector<4096x64xf32>
    %add3A_11 = arith.addf %dot_general3A_7, %add3A : vector<4096x64xf32>
    %get3A_12 = arith.constant 0 : index
    %get3A_13 = arith.constant 0 : index
    %get3A_14 = vector.load %arg8[%get3A_12, %get3A_13] : memref<1x1024xf32, #tpu.memory_space<vmem>>, vector<1x1024xf32>
    %get3A_15 = arith.constant 0 : index
    %get3A_16 = arith.constant 0 : index
    %get3A_17 = vector.load %arg9[%get3A_15, %get3A_16] : memref<64x1024xf32, #tpu.memory_space<vmem>>, vector<64x1024xf32>
    %dot_general3A_18 = arith.constant dense<0.000000e+00> : vector<4096x1024xf32>
    %dot_general3A_19 = tpu.matmul %add3A_11, %get3A_17, %dot_general3A_18 {dimension_numbers = #tpu.dot_dimension_numbers<[1], [0], [0], [1], [0, 0, 1, 1], [], []>, transpose_lhs_hint = false} : vector<4096x64xf32>, vector<64x1024xf32>, vector<4096x1024xf32> -> vector<4096x1024xf32>
    %add3A_20 = vector.broadcast %get3A_14 : vector<1x1024xf32> to vector<4096x1024xf32>
    %add3A_21 = arith.addf %add3A_20, %dot_general3A_19 : vector<4096x1024xf32>
    %reduce_min3A = arith.constant dense<0x7F800000> : vector<4096xf32>
    %reduce_min3A_22 = vector.multi_reduction <minimumf>, %add3A_21, %reduce_min3A [1] : vector<4096x1024xf32> to vector<4096xf32>
    %broadcast_in_dim3A = vector.shape_cast %reduce_min3A_22 : vector<4096xf32> to vector<4096x1xf32>
    %eq3A_23 = vector.broadcast %broadcast_in_dim3A : vector<4096x1xf32> to vector<4096x1024xf32>
    %eq3A_24 = arith.cmpf oeq, %add3A_21, %eq3A_23 : vector<4096x1024xf32>
    %get3A_25 = arith.constant 0 : index
    %get3A_26 = arith.constant 0 : index
    %get3A_27 = vector.load %arg10[%get3A_25, %get3A_26] : memref<1x1024xf32, #tpu.memory_space<vmem>>, vector<1x1024xf32>
    %jit3A = arith.constant 1.024000e+03 : f32
    %broadcast_in_dim3A_28 = vector.shape_cast %get3A_27 : vector<1x1024xf32> to vector<1x1024xf32>
    %broadcast_in_dim3A_29 = vector.broadcast %broadcast_in_dim3A_28 : vector<1x1024xf32> to vector<4096x1024xf32>
    %broadcast_in_dim3A_30 = vector.broadcast %jit3A : f32 to vector<4096x1024xf32>
    %select_n3A = arith.select %eq3A_24, %broadcast_in_dim3A_29, %broadcast_in_dim3A_30 : vector<4096x1024xi1>, vector<4096x1024xf32>
    %reduce_min3A_31 = arith.constant dense<0x7F800000> : vector<4096xf32>
    %reduce_min3A_32 = vector.multi_reduction <minimumf>, %select_n3A, %reduce_min3A_31 [1] : vector<4096x1024xf32> to vector<4096xf32>
    %convert_element_type3A_33 = arith.fptosi %reduce_min3A_32 : vector<4096xf32> to vector<4096xi32>
    %swap3A = arith.constant 0 : index
    %swap3A_34 = arith.constant 0 : index
    %swap3A_35 = arith.constant 0 : index
    %swap3A_36 = vector.load %arg5[%swap3A, %swap3A_34, %swap3A_35] : memref<1x1x4096xi32, #tpu.memory_space<vmem>>, vector<1x1x4096xi32>
    %swap3A_37 = vector.shape_cast %swap3A_36 : vector<1x1x4096xi32> to vector<4096xi32>
    %swap3A_38 = vector.shape_cast %convert_element_type3A_33 : vector<4096xi32> to vector<1x1x4096xi32>
    tpu.vector_store %arg5[%swap3A, %swap3A_34, %swap3A_35], %swap3A_38 {strides = array<i32>} : memref<1x1x4096xi32, #tpu.memory_space<vmem>>, vector<1x1x4096xi32>,
    %get3A_39 = arith.constant 0 : index
    %get3A_40 = arith.constant 0 : index
    %get3A_41 = memref.load %arg11[%get3A_39, %get3A_40] : memref<1x1xf32, #tpu.memory_space<smem>>
    %reduce_sum3A = vector.shape_cast %broadcast_in_dim3A : vector<4096x1xf32> to vector<1x4096x1xf32>
    %reduce_sum3A_42 = arith.constant dense<0.000000e+00> : vector<1xf32>
    %reduce_sum3A_43 = vector.multi_reduction <add>, %reduce_sum3A, %reduce_sum3A_42 [1, 2] : vector<1x4096x1xf32> to vector<1xf32>
    %reduce_sum3A_44 = vector.shape_cast %reduce_sum3A_43 : vector<1xf32> to vector<1x1x1xf32>
    %reduce_sum3A_45 = vector.extract %reduce_sum3A_44[0, 0, 0] : f32 from vector<1x1x1xf32>
    %mul3A = arith.mulf %add3A_11, %add3A_11 : vector<4096x64xf32>
    %reduce_sum3A_46 = vector.shape_cast %mul3A : vector<4096x64xf32> to vector<1x4096x64xf32>
    %reduce_sum3A_47 = arith.constant dense<0.000000e+00> : vector<1xf32>
    %reduce_sum3A_48 = vector.multi_reduction <add>, %reduce_sum3A_46, %reduce_sum3A_47 [1, 2] : vector<1x4096x64xf32> to vector<1xf32>
    %reduce_sum3A_49 = vector.shape_cast %reduce_sum3A_48 : vector<1xf32> to vector<1x1x1xf32>
    %reduce_sum3A_50 = vector.extract %reduce_sum3A_49[0, 0, 0] : f32 from vector<1x1x1xf32>
    %add3A_51 = arith.addf %reduce_sum3A_45, %reduce_sum3A_50 : f32
    %add3A_52 = arith.addf %get3A_41, %add3A_51 : f32
    %swap3A_53 = arith.constant 0 : index
    %swap3A_54 = arith.constant 0 : index
    %swap3A_55 = memref.load %arg11[%swap3A_53, %swap3A_54] : memref<1x1xf32, #tpu.memory_space<smem>>
    memref.store %add3A_52, %arg11[%swap3A_53, %swap3A_54] : memref<1x1xf32, #tpu.memory_space<smem>>
    %jit3A_56 = arith.constant 1.000000e+00 : f32
    %jit3A_57 = arith.constant 0.000000e+00 : f32
    %broadcast_in_dim3A_58 = vector.broadcast %jit3A_56 : f32 to vector<4096x1024xf32>
    %broadcast_in_dim3A_59 = vector.broadcast %jit3A_57 : f32 to vector<4096x1024xf32>
    %select_n3A_60 = arith.select %eq3A_24, %broadcast_in_dim3A_58, %broadcast_in_dim3A_59 : vector<4096x1024xi1>, vector<4096x1024xf32>
    %get3A_61 = arith.constant 0 : index
    %get3A_62 = arith.constant 0 : index
    %get3A_63 = vector.load %arg12[%get3A_61, %get3A_62] : memref<1x1024xf32, #tpu.memory_space<vmem>>, vector<1x1024xf32>
    %reduce_sum3A_64 = arith.constant dense<0.000000e+00> : vector<1024xf32>
    %reduce_sum3A_65 = vector.multi_reduction <add>, %select_n3A_60, %reduce_sum3A_64 [0] : vector<4096x1024xf32> to vector<1024xf32>
    %broadcast_in_dim3A_66 = vector.shape_cast %reduce_sum3A_65 : vector<1024xf32> to vector<1x1024xf32>
    %add3A_67 = arith.addf %get3A_63, %broadcast_in_dim3A_66 : vector<1x1024xf32>
    %swap3A_68 = arith.constant 0 : index
    %swap3A_69 = arith.constant 0 : index
    %swap3A_70 = vector.load %arg12[%swap3A_68, %swap3A_69] : memref<1x1024xf32, #tpu.memory_space<vmem>>, vector<1x1024xf32>
    tpu.vector_store %arg12[%swap3A_68, %swap3A_69], %add3A_67 {strides = array<i32>} : memref<1x1024xf32, #tpu.memory_space<vmem>>, vector<1x1024xf32>,
    %eq3A_71 = arith.constant 1 : i32
    %eq3A_72 = arith.cmpi eq, %arg0, %eq3A_71 : i32
    %convert_element_type3A_73 = arith.extui %eq3A_72 : i1 to i32
    %cond3A_74 = arith.constant 0 : i32
    %cond3A_75 = arith.cmpi ne, %convert_element_type3A_73, %cond3A_74 : i32
    scf.if %cond3A_75 {
      %get3A_76 = arith.constant 0 : index
      %get3A_77 = arith.constant 0 : index
      %get3A_78 = memref.load %arg11[%get3A_76, %get3A_77] : memref<1x1xf32, #tpu.memory_space<smem>>
      %swap3A_79 = arith.constant 0 : index
      %swap3A_80 = arith.constant 0 : index
      %swap3A_81 = memref.load %arg6[%swap3A_79, %swap3A_80] : memref<1x1xf32, #tpu.memory_space<smem>>
      memref.store %get3A_78, %arg6[%swap3A_79, %swap3A_80] : memref<1x1xf32, #tpu.memory_space<smem>>
      %get3A_82 = arith.constant 0 : index
      %get3A_83 = arith.constant 0 : index
      %get3A_84 = vector.load %arg12[%get3A_82, %get3A_83] : memref<1x1024xf32, #tpu.memory_space<vmem>>, vector<1x1024xf32>
      %swap3A_85 = arith.constant 0 : index
      %swap3A_86 = arith.constant 0 : index
      %swap3A_87 = vector.load %arg7[%swap3A_85, %swap3A_86] : memref<1x1024xf32, #tpu.memory_space<vmem>>, vector<1x1024xf32>
      tpu.vector_store %arg7[%swap3A_85, %swap3A_86], %get3A_84 {strides = array<i32>} : memref<1x1024xf32, #tpu.memory_space<vmem>>, vector<1x1024xf32>,
    } else {
    }
    return
  }
  func.func @transform_0(%arg0: i32) -> (i32, i32) {
    %add3A = arith.constant 7 : i32
    %add3A_0 = arith.addi %add3A, %arg0 : i32
    %c0_i32 = arith.constant 0 : i32
    %c0_i32_1 = arith.constant 0 : i32
    return %add3A_0, %c0_i32 : i32, i32
  }
  func.func @transform_1(%arg0: i32) -> (i32, i32) {
    %c0_i32 = arith.constant 0 : i32
    %c0_i32_0 = arith.constant 0 : i32
    %c0_i32_1 = arith.constant 0 : i32
    return %c0_i32, %c0_i32_0 : i32, i32
  }
  func.func @transform_2(%arg0: i32) -> (i32, i32) {
    %c0_i32 = arith.constant 0 : i32
    %c0_i32_0 = arith.constant 0 : i32
    %c0_i32_1 = arith.constant 0 : i32
    return %c0_i32, %c0_i32_0 : i32, i32
  }
  func.func @transform_3(%arg0: i32) -> (i32, i32) {
    %c0_i32 = arith.constant 0 : i32
    %c0_i32_0 = arith.constant 0 : i32
    %c0_i32_1 = arith.constant 0 : i32
    return %c0_i32, %c0_i32_0 : i32, i32
  }
  func.func @transform_4(%arg0: i32) -> (i32, i32, i32) {
    %c0_i32 = arith.constant 0 : i32
    %c0_i32_0 = arith.constant 0 : i32
    %c0_i32_1 = arith.constant 0 : i32
    return %arg0, %c0_i32, %c0_i32_0 : i32, i32, i32
  }
  func.func @transform_5(%arg0: i32) -> (i32, i32) {
    %c0_i32 = arith.constant 0 : i32
    %c0_i32_0 = arith.constant 0 : i32
    %c0_i32_1 = arith.constant 0 : i32
    return %c0_i32, %c0_i32_0 : i32, i32
  }
  func.func @transform_6(%arg0: i32) -> (i32, i32) {
    %c0_i32 = arith.constant 0 : i32
    %c0_i32_0 = arith.constant 0 : i32
    %c0_i32_1 = arith.constant 0 : i32
    return %c0_i32, %c0_i32_0 : i32, i32
  }
}

module attributes {stable_mosaic.version = 14 : i64} {
  func.func @_chunk_kernel(%arg0: i32, %arg1: memref<4096x256xf32, #tpu.memory_space<vmem>>, %arg2: memref<256x64xf32, #tpu.memory_space<vmem>>, %arg3: memref<1x64xf32, #tpu.memory_space<vmem>>, %arg4: memref<64x1024xf32, #tpu.memory_space<vmem>>, %arg5: memref<1x1x4096xi32, #tpu.memory_space<vmem>>, %arg6: memref<1x1xf32, #tpu.memory_space<smem>>, %arg7: memref<1x1024xf32, #tpu.memory_space<vmem>>, %arg8: memref<1x1024xf32, #tpu.memory_space<vmem>>, %arg9: memref<64x1024xf32, #tpu.memory_space<vmem>>, %arg10: memref<1x1024xf32, #tpu.memory_space<vmem>>, %arg11: memref<1x1xf32, #tpu.memory_space<smem>>, %arg12: memref<1x1024xf32, #tpu.memory_space<vmem>>) attributes {dimension_semantics = [#tpu.dimension_semantics<arbitrary>], iteration_bounds = array<i64: 4>, scalar_prefetch = 0 : i64, scratch_operands = 5 : i64, tpu.core_type = #tpu.core_type<tc>, window_params = [{transform_indices = @transform_0, window_bounds = array<i64: 4096, 256>}, {pipeline_mode = #tpu.pipeline_mode<synchronous>, transform_indices = @transform_1, window_bounds = array<i64: 256, 64>}, {pipeline_mode = #tpu.pipeline_mode<synchronous>, transform_indices = @transform_2, window_bounds = array<i64: 1, 64>}, {pipeline_mode = #tpu.pipeline_mode<synchronous>, transform_indices = @transform_3, window_bounds = array<i64: 64, 1024>}, {transform_indices = @transform_4, window_bounds = array<i64: 1, 1, 4096>}, {transform_indices = @transform_5, window_bounds = array<i64: 1, 1>}, {pipeline_mode = #tpu.pipeline_mode<synchronous>, transform_indices = @transform_6, window_bounds = array<i64: 1, 1024>}]} {
    %eq3A = arith.constant 0 : i32
    %eq3A_0 = arith.cmpi eq, %arg0, %eq3A : i32
    %convert_element_type3A = arith.extui %eq3A_0 : i1 to i32
    %cond3A = arith.constant 0 : i32
    %cond3A_1 = arith.cmpi ne, %convert_element_type3A, %cond3A : i32
    scf.if %cond3A_1 {
      %get3A_76 = arith.constant 0 : index
      %get3A_77 = arith.constant 0 : index
      %get3A_78 = vector.load %arg4[%get3A_76, %get3A_77] : memref<64x1024xf32, #tpu.memory_space<vmem>>, vector<64x1024xf32>
      %mul3A_79 = arith.mulf %get3A_78, %get3A_78 : vector<64x1024xf32>
      %reduce_sum3A_80 = arith.constant dense<0.000000e+00> : vector<1024xf32>
      %reduce_sum3A_81 = vector.multi_reduction <add>, %mul3A_79, %reduce_sum3A_80 [0] : vector<64x1024xf32> to vector<1024xf32>
      %broadcast_in_dim3A_82 = vector.shape_cast %reduce_sum3A_81 : vector<1024xf32> to vector<1x1024xf32>
      %swap3A_83 = arith.constant 0 : index
      %swap3A_84 = arith.constant 0 : index
      %swap3A_85 = vector.load %arg8[%swap3A_83, %swap3A_84] : memref<1x1024xf32, #tpu.memory_space<vmem>>, vector<1x1024xf32>
      tpu.vector_store %arg8[%swap3A_83, %swap3A_84], %broadcast_in_dim3A_82 {strides = array<i32>} : memref<1x1024xf32, #tpu.memory_space<vmem>>, vector<1x1024xf32>,
      %mul3A_86 = arith.constant -2.000000e+00 : f32
      %mul3A_87 = vector.broadcast %mul3A_86 : f32 to vector<64x1024xf32>
      %mul3A_88 = arith.mulf %get3A_78, %mul3A_87 : vector<64x1024xf32>
      %swap3A_89 = arith.constant 0 : index
      %swap3A_90 = arith.constant 0 : index
      %swap3A_91 = vector.load %arg9[%swap3A_89, %swap3A_90] : memref<64x1024xf32, #tpu.memory_space<vmem>>, vector<64x1024xf32>
      tpu.vector_store %arg9[%swap3A_89, %swap3A_90], %mul3A_88 {strides = array<i32>} : memref<64x1024xf32, #tpu.memory_space<vmem>>, vector<64x1024xf32>,
      %iota3A = tpu.iota {dimensions = array<i32: 1>} : vector<1x1024xi32>
      %convert_element_type3A_92 = arith.sitofp %iota3A : vector<1x1024xi32> to vector<1x1024xf32>
      %swap3A_93 = arith.constant 0 : index
      %swap3A_94 = arith.constant 0 : index
      %swap3A_95 = vector.load %arg10[%swap3A_93, %swap3A_94] : memref<1x1024xf32, #tpu.memory_space<vmem>>, vector<1x1024xf32>
      tpu.vector_store %arg10[%swap3A_93, %swap3A_94], %convert_element_type3A_92 {strides = array<i32>} : memref<1x1024xf32, #tpu.memory_space<vmem>>, vector<1x1024xf32>,
      %swap3A_96 = arith.constant 0.000000e+00 : f32
      %swap3A_97 = arith.constant 0 : index
      %swap3A_98 = arith.constant 0 : index
      %swap3A_99 = memref.load %arg11[%swap3A_97, %swap3A_98] : memref<1x1xf32, #tpu.memory_space<smem>>
      memref.store %swap3A_96, %arg11[%swap3A_97, %swap3A_98] : memref<1x1xf32, #tpu.memory_space<smem>>
      %broadcast_in_dim3A_100 = arith.constant 0.000000e+00 : f32
      %broadcast_in_dim3A_101 = vector.broadcast %broadcast_in_dim3A_100 : f32 to vector<1x1024xf32>
      %swap3A_102 = arith.constant 0 : index
      %swap3A_103 = arith.constant 0 : index
      %swap3A_104 = vector.load %arg12[%swap3A_102, %swap3A_103] : memref<1x1024xf32, #tpu.memory_space<vmem>>, vector<1x1024xf32>
      tpu.vector_store %arg12[%swap3A_102, %swap3A_103], %broadcast_in_dim3A_101 {strides = array<i32>} : memref<1x1024xf32, #tpu.memory_space<vmem>>, vector<1x1024xf32>,
    } else {
    }
    %get3A = arith.constant 0 : index
    %get3A_2 = arith.constant 0 : index
    %get3A_3 = vector.load %arg1[%get3A, %get3A_2] : memref<4096x256xf32, #tpu.memory_space<vmem>>, vector<4096x256xf32>
    %get3A_4 = arith.constant 0 : index
    %get3A_5 = arith.constant 0 : index
    %get3A_6 = vector.load %arg2[%get3A_4, %get3A_5] : memref<256x64xf32, #tpu.memory_space<vmem>>, vector<256x64xf32>
    %dot_general3A = arith.constant dense<0.000000e+00> : vector<4096x64xf32>
    %dot_general3A_7 = tpu.matmul %get3A_3, %get3A_6, %dot_general3A {dimension_numbers = #tpu.dot_dimension_numbers<[1], [0], [0], [1], [0, 0, 1, 1], [], []>, transpose_lhs_hint = false} : vector<4096x256xf32>, vector<256x64xf32>, vector<4096x64xf32> -> vector<4096x64xf32>
    %get3A_8 = arith.constant 0 : index
    %get3A_9 = arith.constant 0 : index
    %get3A_10 = vector.load %arg3[%get3A_8, %get3A_9] : memref<1x64xf32, #tpu.memory_space<vmem>>, vector<1x64xf32>
    %add3A = vector.broadcast %get3A_10 : vector<1x64xf32> to vector<4096x64xf32>
    %add3A_11 = arith.addf %dot_general3A_7, %add3A : vector<4096x64xf32>
    %get3A_12 = arith.constant 0 : index
    %get3A_13 = arith.constant 0 : index
    %get3A_14 = vector.load %arg8[%get3A_12, %get3A_13] : memref<1x1024xf32, #tpu.memory_space<vmem>>, vector<1x1024xf32>
    %get3A_15 = arith.constant 0 : index
    %get3A_16 = arith.constant 0 : index
    %get3A_17 = vector.load %arg9[%get3A_15, %get3A_16] : memref<64x1024xf32, #tpu.memory_space<vmem>>, vector<64x1024xf32>
    %dot_general3A_18 = arith.constant dense<0.000000e+00> : vector<4096x1024xf32>
    %dot_general3A_19 = tpu.matmul %add3A_11, %get3A_17, %dot_general3A_18 {dimension_numbers = #tpu.dot_dimension_numbers<[1], [0], [0], [1], [0, 0, 1, 1], [], []>, transpose_lhs_hint = false} : vector<4096x64xf32>, vector<64x1024xf32>, vector<4096x1024xf32> -> vector<4096x1024xf32>
    %add3A_20 = vector.broadcast %get3A_14 : vector<1x1024xf32> to vector<4096x1024xf32>
    %add3A_21 = arith.addf %add3A_20, %dot_general3A_19 : vector<4096x1024xf32>
    %reduce_min3A = arith.constant dense<0x7F800000> : vector<4096xf32>
    %reduce_min3A_22 = vector.multi_reduction <minimumf>, %add3A_21, %reduce_min3A [1] : vector<4096x1024xf32> to vector<4096xf32>
    %broadcast_in_dim3A = vector.shape_cast %reduce_min3A_22 : vector<4096xf32> to vector<4096x1xf32>
    %eq3A_23 = vector.broadcast %broadcast_in_dim3A : vector<4096x1xf32> to vector<4096x1024xf32>
    %eq3A_24 = arith.cmpf oeq, %add3A_21, %eq3A_23 : vector<4096x1024xf32>
    %get3A_25 = arith.constant 0 : index
    %get3A_26 = arith.constant 0 : index
    %get3A_27 = vector.load %arg10[%get3A_25, %get3A_26] : memref<1x1024xf32, #tpu.memory_space<vmem>>, vector<1x1024xf32>
    %jit3A = arith.constant 1.024000e+03 : f32
    %broadcast_in_dim3A_28 = vector.shape_cast %get3A_27 : vector<1x1024xf32> to vector<1x1024xf32>
    %broadcast_in_dim3A_29 = vector.broadcast %broadcast_in_dim3A_28 : vector<1x1024xf32> to vector<4096x1024xf32>
    %broadcast_in_dim3A_30 = vector.broadcast %jit3A : f32 to vector<4096x1024xf32>
    %select_n3A = arith.select %eq3A_24, %broadcast_in_dim3A_29, %broadcast_in_dim3A_30 : vector<4096x1024xi1>, vector<4096x1024xf32>
    %reduce_min3A_31 = arith.constant dense<0x7F800000> : vector<4096xf32>
    %reduce_min3A_32 = vector.multi_reduction <minimumf>, %select_n3A, %reduce_min3A_31 [1] : vector<4096x1024xf32> to vector<4096xf32>
    %convert_element_type3A_33 = arith.fptosi %reduce_min3A_32 : vector<4096xf32> to vector<4096xi32>
    %swap3A = arith.constant 0 : index
    %swap3A_34 = arith.constant 0 : index
    %swap3A_35 = arith.constant 0 : index
    %swap3A_36 = vector.load %arg5[%swap3A, %swap3A_34, %swap3A_35] : memref<1x1x4096xi32, #tpu.memory_space<vmem>>, vector<1x1x4096xi32>
    %swap3A_37 = vector.shape_cast %swap3A_36 : vector<1x1x4096xi32> to vector<4096xi32>
    %swap3A_38 = vector.shape_cast %convert_element_type3A_33 : vector<4096xi32> to vector<1x1x4096xi32>
    tpu.vector_store %arg5[%swap3A, %swap3A_34, %swap3A_35], %swap3A_38 {strides = array<i32>} : memref<1x1x4096xi32, #tpu.memory_space<vmem>>, vector<1x1x4096xi32>,
    %get3A_39 = arith.constant 0 : index
    %get3A_40 = arith.constant 0 : index
    %get3A_41 = memref.load %arg11[%get3A_39, %get3A_40] : memref<1x1xf32, #tpu.memory_space<smem>>
    %reduce_sum3A = vector.shape_cast %broadcast_in_dim3A : vector<4096x1xf32> to vector<1x4096x1xf32>
    %reduce_sum3A_42 = arith.constant dense<0.000000e+00> : vector<1xf32>
    %reduce_sum3A_43 = vector.multi_reduction <add>, %reduce_sum3A, %reduce_sum3A_42 [1, 2] : vector<1x4096x1xf32> to vector<1xf32>
    %reduce_sum3A_44 = vector.shape_cast %reduce_sum3A_43 : vector<1xf32> to vector<1x1x1xf32>
    %reduce_sum3A_45 = vector.extract %reduce_sum3A_44[0, 0, 0] : f32 from vector<1x1x1xf32>
    %mul3A = arith.mulf %add3A_11, %add3A_11 : vector<4096x64xf32>
    %reduce_sum3A_46 = vector.shape_cast %mul3A : vector<4096x64xf32> to vector<1x4096x64xf32>
    %reduce_sum3A_47 = arith.constant dense<0.000000e+00> : vector<1xf32>
    %reduce_sum3A_48 = vector.multi_reduction <add>, %reduce_sum3A_46, %reduce_sum3A_47 [1, 2] : vector<1x4096x64xf32> to vector<1xf32>
    %reduce_sum3A_49 = vector.shape_cast %reduce_sum3A_48 : vector<1xf32> to vector<1x1x1xf32>
    %reduce_sum3A_50 = vector.extract %reduce_sum3A_49[0, 0, 0] : f32 from vector<1x1x1xf32>
    %add3A_51 = arith.addf %reduce_sum3A_45, %reduce_sum3A_50 : f32
    %add3A_52 = arith.addf %get3A_41, %add3A_51 : f32
    %swap3A_53 = arith.constant 0 : index
    %swap3A_54 = arith.constant 0 : index
    %swap3A_55 = memref.load %arg11[%swap3A_53, %swap3A_54] : memref<1x1xf32, #tpu.memory_space<smem>>
    memref.store %add3A_52, %arg11[%swap3A_53, %swap3A_54] : memref<1x1xf32, #tpu.memory_space<smem>>
    %jit3A_56 = arith.constant 1.000000e+00 : f32
    %jit3A_57 = arith.constant 0.000000e+00 : f32
    %broadcast_in_dim3A_58 = vector.broadcast %jit3A_56 : f32 to vector<4096x1024xf32>
    %broadcast_in_dim3A_59 = vector.broadcast %jit3A_57 : f32 to vector<4096x1024xf32>
    %select_n3A_60 = arith.select %eq3A_24, %broadcast_in_dim3A_58, %broadcast_in_dim3A_59 : vector<4096x1024xi1>, vector<4096x1024xf32>
    %get3A_61 = arith.constant 0 : index
    %get3A_62 = arith.constant 0 : index
    %get3A_63 = vector.load %arg12[%get3A_61, %get3A_62] : memref<1x1024xf32, #tpu.memory_space<vmem>>, vector<1x1024xf32>
    %reduce_sum3A_64 = arith.constant dense<0.000000e+00> : vector<1024xf32>
    %reduce_sum3A_65 = vector.multi_reduction <add>, %select_n3A_60, %reduce_sum3A_64 [0] : vector<4096x1024xf32> to vector<1024xf32>
    %broadcast_in_dim3A_66 = vector.shape_cast %reduce_sum3A_65 : vector<1024xf32> to vector<1x1024xf32>
    %add3A_67 = arith.addf %get3A_63, %broadcast_in_dim3A_66 : vector<1x1024xf32>
    %swap3A_68 = arith.constant 0 : index
    %swap3A_69 = arith.constant 0 : index
    %swap3A_70 = vector.load %arg12[%swap3A_68, %swap3A_69] : memref<1x1024xf32, #tpu.memory_space<vmem>>, vector<1x1024xf32>
    tpu.vector_store %arg12[%swap3A_68, %swap3A_69], %add3A_67 {strides = array<i32>} : memref<1x1024xf32, #tpu.memory_space<vmem>>, vector<1x1024xf32>,
    %eq3A_71 = arith.constant 3 : i32
    %eq3A_72 = arith.cmpi eq, %arg0, %eq3A_71 : i32
    %convert_element_type3A_73 = arith.extui %eq3A_72 : i1 to i32
    %cond3A_74 = arith.constant 0 : i32
    %cond3A_75 = arith.cmpi ne, %convert_element_type3A_73, %cond3A_74 : i32
    scf.if %cond3A_75 {
      %get3A_76 = arith.constant 0 : index
      %get3A_77 = arith.constant 0 : index
      %get3A_78 = memref.load %arg11[%get3A_76, %get3A_77] : memref<1x1xf32, #tpu.memory_space<smem>>
      %swap3A_79 = arith.constant 0 : index
      %swap3A_80 = arith.constant 0 : index
      %swap3A_81 = memref.load %arg6[%swap3A_79, %swap3A_80] : memref<1x1xf32, #tpu.memory_space<smem>>
      memref.store %get3A_78, %arg6[%swap3A_79, %swap3A_80] : memref<1x1xf32, #tpu.memory_space<smem>>
      %get3A_82 = arith.constant 0 : index
      %get3A_83 = arith.constant 0 : index
      %get3A_84 = vector.load %arg12[%get3A_82, %get3A_83] : memref<1x1024xf32, #tpu.memory_space<vmem>>, vector<1x1024xf32>
      %swap3A_85 = arith.constant 0 : index
      %swap3A_86 = arith.constant 0 : index
      %swap3A_87 = vector.load %arg7[%swap3A_85, %swap3A_86] : memref<1x1024xf32, #tpu.memory_space<vmem>>, vector<1x1024xf32>
      tpu.vector_store %arg7[%swap3A_85, %swap3A_86], %get3A_84 {strides = array<i32>} : memref<1x1024xf32, #tpu.memory_space<vmem>>, vector<1x1024xf32>,
    } else {
    }
    return
  }
  func.func @transform_0(%arg0: i32) -> (i32, i32) {
    %add3A = arith.constant 0 : i32
    %add3A_0 = arith.addi %add3A, %arg0 : i32
    %c0_i32 = arith.constant 0 : i32
    %c0_i32_1 = arith.constant 0 : i32
    return %add3A_0, %c0_i32 : i32, i32
  }
  func.func @transform_1(%arg0: i32) -> (i32, i32) {
    %c0_i32 = arith.constant 0 : i32
    %c0_i32_0 = arith.constant 0 : i32
    %c0_i32_1 = arith.constant 0 : i32
    return %c0_i32, %c0_i32_0 : i32, i32
  }
  func.func @transform_2(%arg0: i32) -> (i32, i32) {
    %c0_i32 = arith.constant 0 : i32
    %c0_i32_0 = arith.constant 0 : i32
    %c0_i32_1 = arith.constant 0 : i32
    return %c0_i32, %c0_i32_0 : i32, i32
  }
  func.func @transform_3(%arg0: i32) -> (i32, i32) {
    %c0_i32 = arith.constant 0 : i32
    %c0_i32_0 = arith.constant 0 : i32
    %c0_i32_1 = arith.constant 0 : i32
    return %c0_i32, %c0_i32_0 : i32, i32
  }
  func.func @transform_4(%arg0: i32) -> (i32, i32, i32) {
    %c0_i32 = arith.constant 0 : i32
    %c0_i32_0 = arith.constant 0 : i32
    %c0_i32_1 = arith.constant 0 : i32
    return %arg0, %c0_i32, %c0_i32_0 : i32, i32, i32
  }
  func.func @transform_5(%arg0: i32) -> (i32, i32) {
    %c0_i32 = arith.constant 0 : i32
    %c0_i32_0 = arith.constant 0 : i32
    %c0_i32_1 = arith.constant 0 : i32
    return %c0_i32, %c0_i32_0 : i32, i32
  }
  func.func @transform_6(%arg0: i32) -> (i32, i32) {
    %c0_i32 = arith.constant 0 : i32
    %c0_i32_0 = arith.constant 0 : i32
    %c0_i32_1 = arith.constant 0 : i32
    return %c0_i32, %c0_i32_0 : i32, i32
  }
}

module attributes {stable_mosaic.version = 14 : i64} {
  func.func @_chunk_kernel(%arg0: i32, %arg1: memref<4096x256xf32, #tpu.memory_space<vmem>>, %arg2: memref<256x64xf32, #tpu.memory_space<vmem>>, %arg3: memref<1x64xf32, #tpu.memory_space<vmem>>, %arg4: memref<64x1024xf32, #tpu.memory_space<vmem>>, %arg5: memref<1x1x4096xi32, #tpu.memory_space<vmem>>, %arg6: memref<1x1xf32, #tpu.memory_space<smem>>, %arg7: memref<1x1024xf32, #tpu.memory_space<vmem>>, %arg8: memref<1x1024xf32, #tpu.memory_space<vmem>>, %arg9: memref<64x1024xf32, #tpu.memory_space<vmem>>, %arg10: memref<1x1024xf32, #tpu.memory_space<vmem>>, %arg11: memref<1x1xf32, #tpu.memory_space<smem>>, %arg12: memref<1x1024xf32, #tpu.memory_space<vmem>>) attributes {dimension_semantics = [#tpu.dimension_semantics<arbitrary>], iteration_bounds = array<i64: 3>, scalar_prefetch = 0 : i64, scratch_operands = 5 : i64, tpu.core_type = #tpu.core_type<tc>, window_params = [{transform_indices = @transform_0, window_bounds = array<i64: 4096, 256>}, {pipeline_mode = #tpu.pipeline_mode<synchronous>, transform_indices = @transform_1, window_bounds = array<i64: 256, 64>}, {pipeline_mode = #tpu.pipeline_mode<synchronous>, transform_indices = @transform_2, window_bounds = array<i64: 1, 64>}, {pipeline_mode = #tpu.pipeline_mode<synchronous>, transform_indices = @transform_3, window_bounds = array<i64: 64, 1024>}, {transform_indices = @transform_4, window_bounds = array<i64: 1, 1, 4096>}, {transform_indices = @transform_5, window_bounds = array<i64: 1, 1>}, {pipeline_mode = #tpu.pipeline_mode<synchronous>, transform_indices = @transform_6, window_bounds = array<i64: 1, 1024>}]} {
    %eq3A = arith.constant 0 : i32
    %eq3A_0 = arith.cmpi eq, %arg0, %eq3A : i32
    %convert_element_type3A = arith.extui %eq3A_0 : i1 to i32
    %cond3A = arith.constant 0 : i32
    %cond3A_1 = arith.cmpi ne, %convert_element_type3A, %cond3A : i32
    scf.if %cond3A_1 {
      %get3A_76 = arith.constant 0 : index
      %get3A_77 = arith.constant 0 : index
      %get3A_78 = vector.load %arg4[%get3A_76, %get3A_77] : memref<64x1024xf32, #tpu.memory_space<vmem>>, vector<64x1024xf32>
      %mul3A_79 = arith.mulf %get3A_78, %get3A_78 : vector<64x1024xf32>
      %reduce_sum3A_80 = arith.constant dense<0.000000e+00> : vector<1024xf32>
      %reduce_sum3A_81 = vector.multi_reduction <add>, %mul3A_79, %reduce_sum3A_80 [0] : vector<64x1024xf32> to vector<1024xf32>
      %broadcast_in_dim3A_82 = vector.shape_cast %reduce_sum3A_81 : vector<1024xf32> to vector<1x1024xf32>
      %swap3A_83 = arith.constant 0 : index
      %swap3A_84 = arith.constant 0 : index
      %swap3A_85 = vector.load %arg8[%swap3A_83, %swap3A_84] : memref<1x1024xf32, #tpu.memory_space<vmem>>, vector<1x1024xf32>
      tpu.vector_store %arg8[%swap3A_83, %swap3A_84], %broadcast_in_dim3A_82 {strides = array<i32>} : memref<1x1024xf32, #tpu.memory_space<vmem>>, vector<1x1024xf32>,
      %mul3A_86 = arith.constant -2.000000e+00 : f32
      %mul3A_87 = vector.broadcast %mul3A_86 : f32 to vector<64x1024xf32>
      %mul3A_88 = arith.mulf %get3A_78, %mul3A_87 : vector<64x1024xf32>
      %swap3A_89 = arith.constant 0 : index
      %swap3A_90 = arith.constant 0 : index
      %swap3A_91 = vector.load %arg9[%swap3A_89, %swap3A_90] : memref<64x1024xf32, #tpu.memory_space<vmem>>, vector<64x1024xf32>
      tpu.vector_store %arg9[%swap3A_89, %swap3A_90], %mul3A_88 {strides = array<i32>} : memref<64x1024xf32, #tpu.memory_space<vmem>>, vector<64x1024xf32>,
      %iota3A = tpu.iota {dimensions = array<i32: 1>} : vector<1x1024xi32>
      %convert_element_type3A_92 = arith.sitofp %iota3A : vector<1x1024xi32> to vector<1x1024xf32>
      %swap3A_93 = arith.constant 0 : index
      %swap3A_94 = arith.constant 0 : index
      %swap3A_95 = vector.load %arg10[%swap3A_93, %swap3A_94] : memref<1x1024xf32, #tpu.memory_space<vmem>>, vector<1x1024xf32>
      tpu.vector_store %arg10[%swap3A_93, %swap3A_94], %convert_element_type3A_92 {strides = array<i32>} : memref<1x1024xf32, #tpu.memory_space<vmem>>, vector<1x1024xf32>,
      %swap3A_96 = arith.constant 0.000000e+00 : f32
      %swap3A_97 = arith.constant 0 : index
      %swap3A_98 = arith.constant 0 : index
      %swap3A_99 = memref.load %arg11[%swap3A_97, %swap3A_98] : memref<1x1xf32, #tpu.memory_space<smem>>
      memref.store %swap3A_96, %arg11[%swap3A_97, %swap3A_98] : memref<1x1xf32, #tpu.memory_space<smem>>
      %broadcast_in_dim3A_100 = arith.constant 0.000000e+00 : f32
      %broadcast_in_dim3A_101 = vector.broadcast %broadcast_in_dim3A_100 : f32 to vector<1x1024xf32>
      %swap3A_102 = arith.constant 0 : index
      %swap3A_103 = arith.constant 0 : index
      %swap3A_104 = vector.load %arg12[%swap3A_102, %swap3A_103] : memref<1x1024xf32, #tpu.memory_space<vmem>>, vector<1x1024xf32>
      tpu.vector_store %arg12[%swap3A_102, %swap3A_103], %broadcast_in_dim3A_101 {strides = array<i32>} : memref<1x1024xf32, #tpu.memory_space<vmem>>, vector<1x1024xf32>,
    } else {
    }
    %get3A = arith.constant 0 : index
    %get3A_2 = arith.constant 0 : index
    %get3A_3 = vector.load %arg1[%get3A, %get3A_2] : memref<4096x256xf32, #tpu.memory_space<vmem>>, vector<4096x256xf32>
    %get3A_4 = arith.constant 0 : index
    %get3A_5 = arith.constant 0 : index
    %get3A_6 = vector.load %arg2[%get3A_4, %get3A_5] : memref<256x64xf32, #tpu.memory_space<vmem>>, vector<256x64xf32>
    %dot_general3A = arith.constant dense<0.000000e+00> : vector<4096x64xf32>
    %dot_general3A_7 = tpu.matmul %get3A_3, %get3A_6, %dot_general3A {dimension_numbers = #tpu.dot_dimension_numbers<[1], [0], [0], [1], [0, 0, 1, 1], [], []>, transpose_lhs_hint = false} : vector<4096x256xf32>, vector<256x64xf32>, vector<4096x64xf32> -> vector<4096x64xf32>
    %get3A_8 = arith.constant 0 : index
    %get3A_9 = arith.constant 0 : index
    %get3A_10 = vector.load %arg3[%get3A_8, %get3A_9] : memref<1x64xf32, #tpu.memory_space<vmem>>, vector<1x64xf32>
    %add3A = vector.broadcast %get3A_10 : vector<1x64xf32> to vector<4096x64xf32>
    %add3A_11 = arith.addf %dot_general3A_7, %add3A : vector<4096x64xf32>
    %get3A_12 = arith.constant 0 : index
    %get3A_13 = arith.constant 0 : index
    %get3A_14 = vector.load %arg8[%get3A_12, %get3A_13] : memref<1x1024xf32, #tpu.memory_space<vmem>>, vector<1x1024xf32>
    %get3A_15 = arith.constant 0 : index
    %get3A_16 = arith.constant 0 : index
    %get3A_17 = vector.load %arg9[%get3A_15, %get3A_16] : memref<64x1024xf32, #tpu.memory_space<vmem>>, vector<64x1024xf32>
    %dot_general3A_18 = arith.constant dense<0.000000e+00> : vector<4096x1024xf32>
    %dot_general3A_19 = tpu.matmul %add3A_11, %get3A_17, %dot_general3A_18 {dimension_numbers = #tpu.dot_dimension_numbers<[1], [0], [0], [1], [0, 0, 1, 1], [], []>, transpose_lhs_hint = false} : vector<4096x64xf32>, vector<64x1024xf32>, vector<4096x1024xf32> -> vector<4096x1024xf32>
    %add3A_20 = vector.broadcast %get3A_14 : vector<1x1024xf32> to vector<4096x1024xf32>
    %add3A_21 = arith.addf %add3A_20, %dot_general3A_19 : vector<4096x1024xf32>
    %reduce_min3A = arith.constant dense<0x7F800000> : vector<4096xf32>
    %reduce_min3A_22 = vector.multi_reduction <minimumf>, %add3A_21, %reduce_min3A [1] : vector<4096x1024xf32> to vector<4096xf32>
    %broadcast_in_dim3A = vector.shape_cast %reduce_min3A_22 : vector<4096xf32> to vector<4096x1xf32>
    %eq3A_23 = vector.broadcast %broadcast_in_dim3A : vector<4096x1xf32> to vector<4096x1024xf32>
    %eq3A_24 = arith.cmpf oeq, %add3A_21, %eq3A_23 : vector<4096x1024xf32>
    %get3A_25 = arith.constant 0 : index
    %get3A_26 = arith.constant 0 : index
    %get3A_27 = vector.load %arg10[%get3A_25, %get3A_26] : memref<1x1024xf32, #tpu.memory_space<vmem>>, vector<1x1024xf32>
    %jit3A = arith.constant 1.024000e+03 : f32
    %broadcast_in_dim3A_28 = vector.shape_cast %get3A_27 : vector<1x1024xf32> to vector<1x1024xf32>
    %broadcast_in_dim3A_29 = vector.broadcast %broadcast_in_dim3A_28 : vector<1x1024xf32> to vector<4096x1024xf32>
    %broadcast_in_dim3A_30 = vector.broadcast %jit3A : f32 to vector<4096x1024xf32>
    %select_n3A = arith.select %eq3A_24, %broadcast_in_dim3A_29, %broadcast_in_dim3A_30 : vector<4096x1024xi1>, vector<4096x1024xf32>
    %reduce_min3A_31 = arith.constant dense<0x7F800000> : vector<4096xf32>
    %reduce_min3A_32 = vector.multi_reduction <minimumf>, %select_n3A, %reduce_min3A_31 [1] : vector<4096x1024xf32> to vector<4096xf32>
    %convert_element_type3A_33 = arith.fptosi %reduce_min3A_32 : vector<4096xf32> to vector<4096xi32>
    %swap3A = arith.constant 0 : index
    %swap3A_34 = arith.constant 0 : index
    %swap3A_35 = arith.constant 0 : index
    %swap3A_36 = vector.load %arg5[%swap3A, %swap3A_34, %swap3A_35] : memref<1x1x4096xi32, #tpu.memory_space<vmem>>, vector<1x1x4096xi32>
    %swap3A_37 = vector.shape_cast %swap3A_36 : vector<1x1x4096xi32> to vector<4096xi32>
    %swap3A_38 = vector.shape_cast %convert_element_type3A_33 : vector<4096xi32> to vector<1x1x4096xi32>
    tpu.vector_store %arg5[%swap3A, %swap3A_34, %swap3A_35], %swap3A_38 {strides = array<i32>} : memref<1x1x4096xi32, #tpu.memory_space<vmem>>, vector<1x1x4096xi32>,
    %get3A_39 = arith.constant 0 : index
    %get3A_40 = arith.constant 0 : index
    %get3A_41 = memref.load %arg11[%get3A_39, %get3A_40] : memref<1x1xf32, #tpu.memory_space<smem>>
    %reduce_sum3A = vector.shape_cast %broadcast_in_dim3A : vector<4096x1xf32> to vector<1x4096x1xf32>
    %reduce_sum3A_42 = arith.constant dense<0.000000e+00> : vector<1xf32>
    %reduce_sum3A_43 = vector.multi_reduction <add>, %reduce_sum3A, %reduce_sum3A_42 [1, 2] : vector<1x4096x1xf32> to vector<1xf32>
    %reduce_sum3A_44 = vector.shape_cast %reduce_sum3A_43 : vector<1xf32> to vector<1x1x1xf32>
    %reduce_sum3A_45 = vector.extract %reduce_sum3A_44[0, 0, 0] : f32 from vector<1x1x1xf32>
    %mul3A = arith.mulf %add3A_11, %add3A_11 : vector<4096x64xf32>
    %reduce_sum3A_46 = vector.shape_cast %mul3A : vector<4096x64xf32> to vector<1x4096x64xf32>
    %reduce_sum3A_47 = arith.constant dense<0.000000e+00> : vector<1xf32>
    %reduce_sum3A_48 = vector.multi_reduction <add>, %reduce_sum3A_46, %reduce_sum3A_47 [1, 2] : vector<1x4096x64xf32> to vector<1xf32>
    %reduce_sum3A_49 = vector.shape_cast %reduce_sum3A_48 : vector<1xf32> to vector<1x1x1xf32>
    %reduce_sum3A_50 = vector.extract %reduce_sum3A_49[0, 0, 0] : f32 from vector<1x1x1xf32>
    %add3A_51 = arith.addf %reduce_sum3A_45, %reduce_sum3A_50 : f32
    %add3A_52 = arith.addf %get3A_41, %add3A_51 : f32
    %swap3A_53 = arith.constant 0 : index
    %swap3A_54 = arith.constant 0 : index
    %swap3A_55 = memref.load %arg11[%swap3A_53, %swap3A_54] : memref<1x1xf32, #tpu.memory_space<smem>>
    memref.store %add3A_52, %arg11[%swap3A_53, %swap3A_54] : memref<1x1xf32, #tpu.memory_space<smem>>
    %jit3A_56 = arith.constant 1.000000e+00 : f32
    %jit3A_57 = arith.constant 0.000000e+00 : f32
    %broadcast_in_dim3A_58 = vector.broadcast %jit3A_56 : f32 to vector<4096x1024xf32>
    %broadcast_in_dim3A_59 = vector.broadcast %jit3A_57 : f32 to vector<4096x1024xf32>
    %select_n3A_60 = arith.select %eq3A_24, %broadcast_in_dim3A_58, %broadcast_in_dim3A_59 : vector<4096x1024xi1>, vector<4096x1024xf32>
    %get3A_61 = arith.constant 0 : index
    %get3A_62 = arith.constant 0 : index
    %get3A_63 = vector.load %arg12[%get3A_61, %get3A_62] : memref<1x1024xf32, #tpu.memory_space<vmem>>, vector<1x1024xf32>
    %reduce_sum3A_64 = arith.constant dense<0.000000e+00> : vector<1024xf32>
    %reduce_sum3A_65 = vector.multi_reduction <add>, %select_n3A_60, %reduce_sum3A_64 [0] : vector<4096x1024xf32> to vector<1024xf32>
    %broadcast_in_dim3A_66 = vector.shape_cast %reduce_sum3A_65 : vector<1024xf32> to vector<1x1024xf32>
    %add3A_67 = arith.addf %get3A_63, %broadcast_in_dim3A_66 : vector<1x1024xf32>
    %swap3A_68 = arith.constant 0 : index
    %swap3A_69 = arith.constant 0 : index
    %swap3A_70 = vector.load %arg12[%swap3A_68, %swap3A_69] : memref<1x1024xf32, #tpu.memory_space<vmem>>, vector<1x1024xf32>
    tpu.vector_store %arg12[%swap3A_68, %swap3A_69], %add3A_67 {strides = array<i32>} : memref<1x1024xf32, #tpu.memory_space<vmem>>, vector<1x1024xf32>,
    %eq3A_71 = arith.constant 2 : i32
    %eq3A_72 = arith.cmpi eq, %arg0, %eq3A_71 : i32
    %convert_element_type3A_73 = arith.extui %eq3A_72 : i1 to i32
    %cond3A_74 = arith.constant 0 : i32
    %cond3A_75 = arith.cmpi ne, %convert_element_type3A_73, %cond3A_74 : i32
    scf.if %cond3A_75 {
      %get3A_76 = arith.constant 0 : index
      %get3A_77 = arith.constant 0 : index
      %get3A_78 = memref.load %arg11[%get3A_76, %get3A_77] : memref<1x1xf32, #tpu.memory_space<smem>>
      %swap3A_79 = arith.constant 0 : index
      %swap3A_80 = arith.constant 0 : index
      %swap3A_81 = memref.load %arg6[%swap3A_79, %swap3A_80] : memref<1x1xf32, #tpu.memory_space<smem>>
      memref.store %get3A_78, %arg6[%swap3A_79, %swap3A_80] : memref<1x1xf32, #tpu.memory_space<smem>>
      %get3A_82 = arith.constant 0 : index
      %get3A_83 = arith.constant 0 : index
      %get3A_84 = vector.load %arg12[%get3A_82, %get3A_83] : memref<1x1024xf32, #tpu.memory_space<vmem>>, vector<1x1024xf32>
      %swap3A_85 = arith.constant 0 : index
      %swap3A_86 = arith.constant 0 : index
      %swap3A_87 = vector.load %arg7[%swap3A_85, %swap3A_86] : memref<1x1024xf32, #tpu.memory_space<vmem>>, vector<1x1024xf32>
      tpu.vector_store %arg7[%swap3A_85, %swap3A_86], %get3A_84 {strides = array<i32>} : memref<1x1024xf32, #tpu.memory_space<vmem>>, vector<1x1024xf32>,
    } else {
    }
    return
  }
  func.func @transform_0(%arg0: i32) -> (i32, i32) {
    %add3A = arith.constant 4 : i32
    %add3A_0 = arith.addi %add3A, %arg0 : i32
    %c0_i32 = arith.constant 0 : i32
    %c0_i32_1 = arith.constant 0 : i32
    return %add3A_0, %c0_i32 : i32, i32
  }
  func.func @transform_1(%arg0: i32) -> (i32, i32) {
    %c0_i32 = arith.constant 0 : i32
    %c0_i32_0 = arith.constant 0 : i32
    %c0_i32_1 = arith.constant 0 : i32
    return %c0_i32, %c0_i32_0 : i32, i32
  }
  func.func @transform_2(%arg0: i32) -> (i32, i32) {
    %c0_i32 = arith.constant 0 : i32
    %c0_i32_0 = arith.constant 0 : i32
    %c0_i32_1 = arith.constant 0 : i32
    return %c0_i32, %c0_i32_0 : i32, i32
  }
  func.func @transform_3(%arg0: i32) -> (i32, i32) {
    %c0_i32 = arith.constant 0 : i32
    %c0_i32_0 = arith.constant 0 : i32
    %c0_i32_1 = arith.constant 0 : i32
    return %c0_i32, %c0_i32_0 : i32, i32
  }
  func.func @transform_4(%arg0: i32) -> (i32, i32, i32) {
    %c0_i32 = arith.constant 0 : i32
    %c0_i32_0 = arith.constant 0 : i32
    %c0_i32_1 = arith.constant 0 : i32
    return %arg0, %c0_i32, %c0_i32_0 : i32, i32, i32
  }
  func.func @transform_5(%arg0: i32) -> (i32, i32) {
    %c0_i32 = arith.constant 0 : i32
    %c0_i32_0 = arith.constant 0 : i32
    %c0_i32_1 = arith.constant 0 : i32
    return %c0_i32, %c0_i32_0 : i32, i32
  }
  func.func @transform_6(%arg0: i32) -> (i32, i32) {
    %c0_i32 = arith.constant 0 : i32
    %c0_i32_0 = arith.constant 0 : i32
    %c0_i32_1 = arith.constant 0 : i32
    return %c0_i32, %c0_i32_0 : i32, i32
  }
}

module attributes {stable_mosaic.version = 14 : i64} {
  func.func @_fin_kernel(%arg0: memref<1x3xf32, #tpu.memory_space<vmem>>, %arg1: memref<3x1024xf32, #tpu.memory_space<vmem>>, %arg2: memref<1x1xf32, #tpu.memory_space<smem>>, %arg3: memref<1x1xf32, #tpu.memory_space<smem>>) attributes {dimension_semantics = [], scalar_prefetch = 0 : i64, scratch_operands = 0 : i64, tpu.core_type = #tpu.core_type<tc>} {
    %get3A = arith.constant 0 : index
    %get3A_0 = arith.constant 0 : index
    %get3A_1 = vector.load %arg0[%get3A, %get3A_0] : memref<1x3xf32, #tpu.memory_space<vmem>>, vector<1x3xf32>
    %reduce_sum3A = vector.shape_cast %get3A_1 : vector<1x3xf32> to vector<1x1x3xf32>
    %reduce_sum3A_2 = arith.constant dense<0.000000e+00> : vector<1xf32>
    %reduce_sum3A_3 = vector.multi_reduction <add>, %reduce_sum3A, %reduce_sum3A_2 [1, 2] : vector<1x1x3xf32> to vector<1xf32>
    %reduce_sum3A_4 = vector.shape_cast %reduce_sum3A_3 : vector<1xf32> to vector<1x1x1xf32>
    %reduce_sum3A_5 = vector.extract %reduce_sum3A_4[0, 0, 0] : f32 from vector<1x1x1xf32>
    %swap3A = arith.constant 0 : index
    %swap3A_6 = arith.constant 0 : index
    %swap3A_7 = memref.load %arg2[%swap3A, %swap3A_6] : memref<1x1xf32, #tpu.memory_space<smem>>
    memref.store %reduce_sum3A_5, %arg2[%swap3A, %swap3A_6] : memref<1x1xf32, #tpu.memory_space<smem>>
    %get3A_8 = arith.constant 0 : index
    %get3A_9 = arith.constant 0 : index
    %get3A_10 = vector.load %arg1[%get3A_8, %get3A_9] : memref<3x1024xf32, #tpu.memory_space<vmem>>, vector<3x1024xf32>
    %reduce_sum3A_11 = arith.constant dense<0.000000e+00> : vector<1024xf32>
    %reduce_sum3A_12 = vector.multi_reduction <add>, %get3A_10, %reduce_sum3A_11 [0] : vector<3x1024xf32> to vector<1024xf32>
    %broadcast_in_dim3A = vector.shape_cast %reduce_sum3A_12 : vector<1024xf32> to vector<1x1024xf32>
    %mul3A = arith.constant 2.71267363E-5 : f32
    %mul3A_13 = vector.broadcast %mul3A : f32 to vector<1x1024xf32>
    %mul3A_14 = arith.mulf %broadcast_in_dim3A, %mul3A_13 : vector<1x1024xf32>
    %gt3A = arith.constant 0.000000e+00 : f32
    %gt3A_15 = vector.broadcast %gt3A : f32 to vector<1x1024xf32>
    %gt3A_16 = arith.cmpf ogt, %mul3A_14, %gt3A_15 : vector<1x1024xf32>
    %log3A = math.log %mul3A_14 : vector<1x1024xf32>
    %mul3A_17 = arith.mulf %mul3A_14, %log3A : vector<1x1024xf32>
    %jit3A = arith.constant 0.000000e+00 : f32
    %broadcast_in_dim3A_18 = vector.broadcast %jit3A : f32 to vector<1x1024xf32>
    %select_n3A = arith.select %gt3A_16, %mul3A_17, %broadcast_in_dim3A_18 : vector<1x1024xi1>, vector<1x1024xf32>
    %reduce_sum3A_19 = vector.shape_cast %select_n3A : vector<1x1024xf32> to vector<1x1x1024xf32>
    %reduce_sum3A_20 = arith.constant dense<0.000000e+00> : vector<1xf32>
    %reduce_sum3A_21 = vector.multi_reduction <add>, %reduce_sum3A_19, %reduce_sum3A_20 [1, 2] : vector<1x1x1024xf32> to vector<1xf32>
    %reduce_sum3A_22 = vector.shape_cast %reduce_sum3A_21 : vector<1xf32> to vector<1x1x1xf32>
    %reduce_sum3A_23 = vector.extract %reduce_sum3A_22[0, 0, 0] : f32 from vector<1x1x1xf32>
    %neg3A = arith.constant 0.000000e+00 : f32
    %neg3A_24 = arith.subf %neg3A, %reduce_sum3A_23 : f32
    %mul3A_25 = arith.constant 1.44269502 : f32
    %mul3A_26 = arith.mulf %neg3A_24, %mul3A_25 : f32
    %swap3A_27 = arith.constant 0 : index
    %swap3A_28 = arith.constant 0 : index
    %swap3A_29 = memref.load %arg3[%swap3A_27, %swap3A_28] : memref<1x1xf32, #tpu.memory_space<smem>>
    memref.store %mul3A_26, %arg3[%swap3A_27, %swap3A_28] : memref<1x1xf32, #tpu.memory_space<smem>>
    return
  }
}

</mosaic_0001>

<sc_bundles>
// kernel: kernel.10.cloned.1.call-start
scs
__scs_entry_jumppad:
0x0: {  	(pc) =	sbr.rel $0x88, $3  }
0x1: {  	(tag) =	ssettag $0x0;
	lr =	simm.s32 $0x1  }
0x2: {  	[smem:$0x3F9B] =	sst lr;
	_ =	strace $0xD0000000  }
0x3: {  	_ = 	snop  }
0x4: {  	_ = 	snop  }
0x5: {  	_ = 	snop  }
0x6: {  	_ = 	snop  }
0x7: {  	_ = 	snop  }
__scs_overlays_trampoline_lowered:
0x8: {  	[smem:$0x3FAA] =	sst s0  }
0x9: {  	[smem:$0x3FAB] =	sst s1  }
0xa: {  	[smem:$0x3FAC] =	sst s2  }
0xb: {  	[smem:$0x3FAD] =	sst s3  }
0xc: {  	[smem:$0x3FAE] =	sst s4  }
0xd: {  	[smem:$0x3FAF] =	sst s5  }
0xe: {  	[smem:$0x3FB0] =	sst s6  }
0xf: {  	[smem:$0x3FB1] =	sst s7  }
0x10: {  	[smem:$0x3FB2] =	sst s8  }
0x11: {  	[smem:$0x3FB3] =	sst s9;
	s0 =	simm.s32 @!p0 $0x0  }
0x12: {  	s1 =	sld [smem:$0x3F99];
	s0 =	simm.s32 @p0 $0x1  }
0x13: {  	[smem:$0x3FB4] =	sst s0;
	s0 =	simm.s32 @!p1 $0x0  }
0x14: {  	s2 =	sld [smem:$0x3F98];
	s0 =	simm.s32 @p1 $0x1  }
0x15: {  	[smem:$0x3FB5] =	sst s0;
	s0 =	simm.s32 @!p2 $0x0  }
0x16: {  	s3 =	sld [smem:$0x3FDB];
	s0 =	simm.s32 @p2 $0x1  }
0x17: {  	s4 =	simm.s32 $0x1BF5;
	[smem:$0x3FB7] =	sst s0  }
0x18: {  	s0 =	sld [smem:$0x3F9A];
	_ =	swait.ge [sflag:s4], $0x0  }
0x19: {  	s7 =	sld [smem:$0x3F9B]  }
0x1a: {  	s8 =	sadd.s32 $0xFFFFE003, lr  }
0x1b: {  	s9 =	sadd.s32 $0xFFFFFEF7, lr;
	s5 =	simm.s32 $0xFFFFFFFF;
	p2 =	slt.u32 s8, $0xFFFFF086  }
0x1c: {  	p1 =	slt.u32 s9, $0xF7A;
	s5 =	simm.s32 @!p2 $0x0  }
0x1d: {  	s5 =	simm.s32 @p1 $0x1;
	p0 =	seq.s32 s7, s2  }
0x1e: {  	s7 =	smul.u32 @!p0 $0xF7A, s2;
	p2 =	seq.s32 @!p0 s5, $0x0  }
0x1f: {  	s9 =	smul.u32 $0xF7A, s1;
	s8 =	simm.s32 @!p0 $0x1BF5;
	p2 =	por !p2, p0  }
0x20: {  	[sflag:s8] =	ssyncset.s32 @!p0 $0xFFFFF086;
	s6 =	sadd.s32 @!p0 s3, s7;
	s7 =	simm.s32 @!p0 $0x108  }
0x21: {  	s3 =	sadd.s32 s3, s9;
	s6 =	sadd.s32 @!p0 $0x88, s6;
	s7 =	simm.s32 @p2 $0x1082  }
0x22: {  	[simem:s7], [sflag:s8] =	dma.local @!p0 [hbm:s6], $0xF7A  }
0x23: {  	s9 =	sor.u32 $0xD0000000, s2;
	s6 =	simm.s32 $0x108;
	_ =	swait.ge @!p0 [sflag:s8], $0x0  }
0x24: {  	s3 =	sadd.s32 $0x88, s3;
	s6 =	simm.s32 @!p1 $0x1082;
	[sflag:s4] =	ssyncset.s32 $0xFFFFF086  }
0x25: {  	[simem:s6], [sflag:s4] =	dma.local [hbm:s3], $0xF7A  }
0x26: {  	[smem:$0x3F9B] =	sst s1;
	(tag) =	ssettag s2;
	_ =	strace s9  }
0x27: {  	s1 =	sld [smem:$0x3FAB]  }
0x28: {  	s2 =	sld [smem:$0x3FAC]  }
0x29: {  	s4 =	sld [smem:$0x3FAE]  }
0x2a: {  	p0 =	seq.s32 s5, $0x0;
	s5 =	sld [smem:$0x3FAF]  }
0x2b: {  	s6 =	sld [smem:$0x3FB0]  }
0x2c: {  	s7 =	sld [smem:$0x3FB1]  }
0x2d: {  	s3 =	simm.s32 $0x108;
	s8 =	sld [smem:$0x3FB2]  }
0x2e: {  	s3 =	simm.s32 @!p0 $0x1082;
	s9 =	sld [smem:$0x3FB3]  }
0x2f: {  	lr =	sadd.s32 s0, s3;
	s0 =	sld [smem:$0x3FAA]  }
0x30: {  	s3 =	sld [smem:$0x3FAD]  }
0x31: {  	[smem:$0x3FB6] =	sst s10  }
0x32: {  	s10 =	sld [smem:$0x3FB4];
	_ =	sdelay $0x3  }
0x33: {  	p0 =	seq.s32 s10, $0x1;
	s10 =	sld [smem:$0x3FB6];
	_ =	sdelay $0x3  }
0x34: {  	[smem:$0x3FB6] =	sst s10  }
0x35: {  	s10 =	sld [smem:$0x3FB5];
	_ =	sdelay $0x3  }
0x36: {  	p1 =	seq.s32 s10, $0x1;
	s10 =	sld [smem:$0x3FB6];
	_ =	sdelay $0x3  }
0x37: {  	[smem:$0x3FB6] =	sst s10  }
0x38: {  	s10 =	sld [smem:$0x3FB7]  }
0x39: {  	_ = 	snop;
	(pc) =	sbr.ind lr, $3  }
0x3a: {  	_ = 	snop  }
0x3b: {  	_ = 	snop  }
0x3c: {  	p2 =	seq.s32 s10, $0x1;
	s10 =	sld [smem:$0x3FB6]  }
0x3d: {  	_ =	shalt  }
0x3e: {  	_ =	shalt  }
0x3f: {  	_ =	shalt  }
0x40: {  	_ =	shalt  }
0x41: {  	_ =	shalt  }
0x42: {  	_ =	shalt  }
0x43: {  	_ =	shalt  }
0x44: {  	_ =	shalt  }
0x45: {  	_ =	shalt  }
0x46: {  	_ =	shalt  }
0x47: {  	_ =	shalt  }
0x48: {  	_ =	shalt  }
0x49: {  	_ =	shalt  }
0x4a: {  	_ =	shalt  }
0x4b: {  	_ =	shalt  }
0x4c: {  	_ =	shalt  }
0x4d: {  	_ =	shalt  }
0x4e: {  	_ =	shalt  }
0x4f: {  	_ =	shalt  }
0x50: {  	_ =	shalt  }
0x51: {  	_ =	shalt  }
0x52: {  	_ =	shalt  }
0x53: {  	_ =	shalt  }
0x54: {  	_ =	shalt  }
0x55: {  	_ =	shalt  }
0x56: {  	_ =	shalt  }
0x57: {  	_ =	shalt  }
0x58: {  	_ =	shalt  }
0x59: {  	_ =	shalt  }
0x5a: {  	_ =	shalt  }
0x5b: {  	_ =	shalt  }
0x5c: {  	_ =	shalt  }
0x5d: {  	_ =	shalt  }
0x5e: {  	_ =	shalt  }
0x5f: {  	_ =	shalt  }
0x60: {  	_ =	shalt  }
0x61: {  	_ =	shalt  }
0x62: {  	_ =	shalt  }
0x63: {  	_ =	shalt  }
0x64: {  	_ =	shalt  }
0x65: {  	_ =	shalt  }
0x66: {  	_ =	shalt  }
0x67: {  	_ =	shalt  }
0x68: {  	_ =	shalt  }
0x69: {  	_ =	shalt  }
0x6a: {  	_ =	shalt  }
0x6b: {  	_ =	shalt  }
0x6c: {  	_ =	shalt  }
0x6d: {  	_ =	shalt  }
0x6e: {  	_ =	shalt  }
0x6f: {  	_ =	shalt  }
0x70: {  	_ =	shalt  }
0x71: {  	_ =	shalt  }
0x72: {  	_ =	shalt  }
0x73: {  	_ =	shalt  }
0x74: {  	_ =	shalt  }
0x75: {  	_ =	shalt  }
0x76: {  	_ =	shalt  }
0x77: {  	_ =	shalt  }
0x78: {  	_ =	shalt  }
0x79: {  	_ =	shalt  }
0x7a: {  	_ =	shalt  }
0x7b: {  	_ =	shalt  }
0x7c: {  	_ =	shalt  }
0x7d: {  	_ =	shalt  }
0x7e: {  	_ =	shalt  }
0x7f: {  	_ =	shalt  }
0x80: {  	_ =	shalt  }
0x81: {  	_ =	shalt  }
0x82: {  	_ =	shalt  }
0x83: {  	_ =	shalt  }
0x84: {  	_ =	shalt  }
0x85: {  	_ =	shalt  }
0x86: {  	_ =	shalt  }
0x87: {  	_ =	shalt  }
.Lfunc_end0:
.L_simem_size_0:
called_computation_lowered:
.L_overlay_start_0:
0x88: {  	s2 =	sld [smem:$0x3FD9]  }
0x89: {  	s3 =	sld [smem:$0x3FFE];
	_ =	sdelay $0x1  }
0x8a: {  	s1 =	srdreg.scid  }
0x8b: {  	s0 =	sand.u32 $0x1, s1  }
0x8c: {  	s14 =	sshll.u32 s0, $0xA;
	s2 =	sadd.s32 s3, s2  }
0x8d: {  	s2 =	sadd.s32 s2, s14  }
0x8e: {  	[smem:$0x3FC2] =	sst s2  }
0x8f: {  	_ = 	snop  }
0x90: {  	s2 =	sld [smem:$0x3FD0];
	_ =	sdelay $0x2  }
0x91: {  	s15 =	simm.s32 $0xC;
	s4 =	simm.s32 $0x10  }
0x92: {  	[smem:s4], [sflag:s15] =	dma.local [hbm:s2], $0x1  }
0x93: {  	_ =	swait.eq [sflag:s15], $0x1  }
0x94: {  	[sflag:s15] =	ssyncset.done $0x0  }
0x95: {  	[sflag:s15] =	ssyncadd.s32 $0xFFFFFFFF  }
0x96: {  	s16 =	sld [smem:$0x10];
	(tm) =	ssettm $0x1  }
0x97: {  	s17 =	sld [smem:$0x3FFB];
	_ =	sdelay $0x3  }
0x98: {  	_ =	strace s17  }
0x99: {  	s3 =	sld [smem:$0x3FFC];
	_ =	sdelay $0x3  }
0x9a: {  	_ =	strace s3  }
0x9b: {  	s3 =	sld [smem:$0x3FFD];
	_ =	sdelay $0x3  }
0x9c: {  	_ =	strace s3  }
0x9d: {  	_ =	strace $0x8FFFFFFF  }
0x9e: {  	s18 =	sld [smem:$0x3FDB];
	_ =	sdelay $0x1  }
0x9f: {  	s19 =	simm.s32 $_scs_section_size  }
0xa0: {  	s5 =	simm.s32 $_size__tile_overlayer_lowered;
	s6 =	simm.s32 $_tile_overlayer_lowered  }
0xa1: {  	s22 =	simm.s32 $0x1BFF;
	s21 =	sshll.u32 s6, $0x1;
	s3 =	sadd.s32 s19, s18  }
0xa2: {  	s7 =	simm.s32 $0x0;
	s20 =	sshll.u32 s5, $0x1;
	s5 =	sadd.s32 s21, s3  }
0xa3: {  	[timem:s7], [sflag:s22] =	dma.local [hbm:s5], s20  }
0xa4: {  	_ =	swait.ge [sflag:s22], s20  }
0xa5: {  	s4 =	ssub.s32 $0x0, s20;
	[sflag:s22] =	ssyncset.done $0x0  }
0xa6: {  	[sflag:s22] =	ssyncadd.s32 s4;
	_ =	sdelay $0x1  }
0xa7: {  	s23 =	simm.s32 $0x1B8B  }
0xa8: {  	_ =	swait.ge [sflag:s23], $0x1  }
0xa9: {  	[sflag:s23] =	ssyncset.done $0x0  }
0xaa: {  	s25 =	simm.s32 $0x1B8E;
	s24 =	sld [smem:$0x3FFE];
	[sflag:s23] =	ssyncadd.s32 $0xFFFFFFFF  }
0xab: {  	s26 =	simm.s32 $execute0_lowered;
	[smem:$0x3FD2] =	sst s25  }
0xac: {  	s5 =	sshll.u32 s26, $0x1;
	_ =	strace $0x80000046;
	[dreg:$0x1] =	wrdreg $0xFFFFFFFF  }
0xad: {  	s28 =	simm.s32 $_size_execute0_lowered;
	s3 =	sadd.s32 s3, s5;
	[dreg:$0x0] =	wrdreg $0x0  }
0xae: {  	s5 =	sshll.u32 s28, $0x1;
	[dreg:$0x2] =	wrdreg s3  }
0xaf: {  	[dreg:$0x3] =	wrdreg s5  }
0xb0: {  	[dreg:$0x4] =	wrdreg $0xC0  }
0xb1: {  	_ =	task [dreg:s7], $0x5FFFF  }
0xb2: {  	[dreg:$0x1] =	wrdreg $0xFFFFFFFF  }
0xb3: {  	[dreg:$0x0] =	wrdreg $0x60  }
0xb4: {  	[dreg:$0x2] =	wrdreg s24  }
0xb5: {  	[dreg:$0x3] =	wrdreg s16  }
0xb6: {  	[dreg:$0x4] =	wrdreg $0x9  }
0xb7: {  	_ =	task.clear_ibuf [dreg:s7], $0x5FFFF;
	_ =	strace $0x90000046  }
0xb8: {  	s29 =	simm.s32 $0x9;
	_ =	strace $0x8000004F  }
0xb9: {  	_ =	swait.ge [sflag:s29], $0x1  }
0xba: {  	[sflag:s29] =	ssyncadd.s32 $0xFFFFFFFF  }
0xbb: {  	_ =	strace $0x9000004F  }
0xbc: {  	_ =	sfence  }
0xbd: {  	s30 =	sld [smem:$0x0];
	_ =	sdelay $0x2  }
0xbe: {  	s31 =	sshll.u32 s1, $0xD;
	s1 =	sshrl.u32 s1, $0x2  }
0xbf: {  	s3 =	sand.u32 $0x4000, s31;
	s1 =	sadd.s32 s1, s30  }
0xc0: {  	s0 =	sor.u32 s3, s0;
	s1 =	sshll.u32 s1, $0x11  }
0xc1: {  	s0 =	sor.u32 s1, s0  }
0xc2: {  	s0 =	sadd.s32 $0x8F2B, s0  }
0xc3: {  	[sflag:s0] =	ssyncadd.remote.s32 $0x1  }
0xc4: {  	_ =	sfence.sel $0xFFFF  }
0xc5: {  	[dreg:$0x0] =	wrdreg $0xFFFFFFFF;
	(pc) =	sbr.abs _section_cstart, $3  }
0xc6: {  	[dreg:$0x1] =	wrdreg $0xFFFFFFFF  }
0xc7: {  	_ =	task.clear_ibuf [dreg:s7], $0x2FFFF;
	_ =	strace $0x9FFFFFFF  }
0xc8: {  	(tm) =	ssettm $0x7FFFFFFF  }
0xc9: {  	_ =	shalt  }
tec
execute0_lowered:
.L_overlay_start_1:
0x0: {  	(tag) =	ssettag $0x1  }
0x1: {  	s4 =	rddreg [dreg:$0x0]  }
0x2: {  	s0 =	rddreg [dreg:$0x1]  }
0x3: {  	[dreg:$0x3] =	wrdreg s0  }
0x4: {  	s1 =	simm.s32 $0x0;
	s2 =	srdreg.scid;
	s0 =	rddreg [dreg:$0x2]  }
0x5: {  	s9 =	simm.s32 $0x4;
	s10 =	simm.s32 $0x0;
	[smem:$0x7FF] =	sst s1  }
0x6: {  	s3 =	sand.u32 $0x1, s2;
	s2 =	stileid.u32;
	_ =	strace $0x80000047  }
0x7: {  	s5 =	ssub.s32 $0x2, s3;
	s6 =	sshll.u32 s3, $0x4;
	s3 =	sadd.s32 $0x2800, s4  }
0x8: {  	v2 =	vlaneseq.u32;
	s4 =	sadd.s32 $0xA800, s4;
	s7 =	sshrl.u32 s5, $0x1;
	s6 =	sor.u32 s2, s6  }
0x9: {  	vm0 =	vmmov $0xffff;
	v1 =	vshrl.u32 v2, $0x3;
	s7 =	ssub.s32 s5, s7;
	s8 =	sshll.u32 s6, $0x6;
	s5 =	sshll.u32 s6, $0x2  }
0xa: {  	v0 =	vand.u32 $0x7, v2;
	v2 =	vor.u32 $0x8, v2;
	v1 =	vmul.u32 $0x8, v1;
	s6 =	sadd.s32 s4, s8;
	s7 =	smax.u32 s7, $0x1;
	s8 =	simm.s32 $0x5  }
.LBB2_1:
0xb: {  	_ =	strace $0x80000048;
	s11 =	simm.s32 $0x4  }
0xc: {  	s12 =	simm.s32 $0x0;
	s13 =	simm.s32 $0x0;
	s14 =	simm.s32 $0x0  }
0xd: {  	[tilespmem:s1], [sflag:$0x1] =	stream.linear.gather [hbm4b:s6+s1], $0x80, $0x200038;
	[tilespmem:$0x10100] =	vst v63  }
0xe: {  	s15 =	simm.s32 $0x0;
	s16 =	simm.s32 $0x1;
	_ =	strace $0x90000048  }
.LBB2_2:
0xf: {  	s17 =	smov.u32 s12;
	s12 =	sadd.s32 $0x1, s12  }
0x10: {  	p0 =	seq.s32 s12, $0x4  }
0x11: {  	s12 =	simm.s32 @p0 $0x0  }
0x12: {  	p6 =	sne.s32 s11, $0x1;
	p1 =	sne.s32 s17, s12  }
0x13: {  	p0 =	por !p6, !p1  }
0x14: {  	p0 =	por !p0, !p0  }
0x15: {  	s18 =	sadd.s32 @p0 s5, s12  }
0x16: {  	s19 =	sand.u32 @p0 $0x1, s16;
	s18 =	sshll.u32 @p0 s18, $0x4  }
0x17: {  	_ =	strace @p0 $0x80000049;
	s21 =	simm.s32 @p0 $0x0;
	s18 =	sand.u32 @p0 $0x1FFFFFF0, s18  }
0x18: {  	s20 =	sshll.u32 @p0 s19, $0x7;
	s19 =	sadd.s32 @p0 $0x1, s19;
	s18 =	sadd.s32 @p0 s4, s18  }
0x19: {  	[tilespmem:s20], [sflag:s19] =	stream.linear.gather @p0 [hbm4b:s18+s21], $0x80, $0x200038;
	[tilespmem:$0x10100] =	vst v63  }
0x1a: {  	s24 =	sand.u32 $0x1, s15;
	_ =	strace @p0 $0x90000049  }
0x1b: {  	s18 =	sadd.s32 $0x1, s24;
	_ =	strace $0x8000004A  }
0x1c: {  	_ =	swait.ge [sflag:s18], $0x80  }
0x1d: {  	[sflag:s18] =	ssyncset.done $0x0  }
0x1e: {  	[sflag:s18] =	ssyncadd.s32 $0xFFFFFF80  }
0x1f: {  	s25 =	sshll.u32 s15, $0x7;
	_ =	strace $0x9000004A  }
0x20: {  	s21 =	sand.u32 $0x80, s25;
	_ =	strace $0x8000004B  }
0x21: {  	v3 =	vld [tilespmem:s21+$0x0];
	_ =	sdelay $0x4  }
0x22: {  	v4 =	vshll.u32 v3, $0x1  }
0x23: {  	v3 =	vand.u32 $0x7, v3;
	v4 =	vand.u32 $0xFFFFFFF0, v4  }
0x24: {  	v3 =	vor.u32 v3, v4  }
0x25: {  	v4 =	vperm.xlane v3, v0;
	_ =	sdelay $0x1  }
0x26: {  	v3 =	vperm.xlane v3, v2;
	v4 =	vadd.s32 v1, v4;
	_ =	sdelay $0x1  }
0x27: {  	s18 =	sand.u32 $0x1, s14;
	v3 =	vadd.s32 v1, v3  }
0x28: {  	s20 =	sshll.u32 s18, $0xF  }
0x29: {  	s19 =	sor.u32 $0x100, s20  }
0x2a: {  	[tilespmem:s19], [sflag:$0x5] =	stream.indirect_vreg.gather [hbm4b:s3+s1], $0x80, v4, vm0, $0x2000b8;
	[tilespmem:$0x10100] =	vst v63  }
0x2b: {  	s22 =	sor.u32 $0x900, s20  }
0x2c: {  	[tilespmem:s22], [sflag:$0x5] =	stream.indirect_vreg.gather [hbm4b:s3+s1], $0x80, v3, vm0, $0x2000b8;
	[tilespmem:$0x10100] =	vst v63  }
0x2d: {  	v3 =	vld [tilespmem:s21+$0x10];
	_ =	sdelay $0x4  }
0x2e: {  	v57 =	vshll.u32 v3, $0x1  }
0x2f: {  	v3 =	vand.u32 $0x7, v3;
	v4 =	vand.u32 $0xFFFFFFF0, v57  }
0x30: {  	v3 =	vor.u32 v3, v4  }
0x31: {  	v4 =	vperm.xlane v3, v0;
	_ =	sdelay $0x1  }
0x32: {  	v3 =	vperm.xlane v3, v2;
	v4 =	vadd.s32 v1, v4;
	_ =	sdelay $0x1  }
0x33: {  	v3 =	vadd.s32 v1, v3;
	_ =	sdelay $0x1  }
0x34: {  	s26 =	sor.u32 $0x1100, s20  }
0x35: {  	[tilespmem:s26], [sflag:$0x5] =	stream.indirect_vreg.gather [hbm4b:s3+s1], $0x80, v4, vm0, $0x2000b8;
	[tilespmem:$0x10100] =	vst v63  }
0x36: {  	s28 =	sor.u32 $0x1900, s20  }
0x37: {  	[tilespmem:s28], [sflag:$0x5] =	stream.indirect_vreg.gather [hbm4b:s3+s1], $0x80, v3, vm0, $0x2000b8;
	[tilespmem:$0x10100] =	vst v63  }
0x38: {  	v3 =	vld [tilespmem:s21+$0x20];
	_ =	sdelay $0x4  }
0x39: {  	v58 =	vshll.u32 v3, $0x1  }
0x3a: {  	v3 =	vand.u32 $0x7, v3;
	v4 =	vand.u32 $0xFFFFFFF0, v58  }
0x3b: {  	v3 =	vor.u32 v3, v4  }
0x3c: {  	v4 =	vperm.xlane v3, v0;
	_ =	sdelay $0x1  }
0x3d: {  	v3 =	vperm.xlane v3, v2;
	v4 =	vadd.s32 v1, v4;
	_ =	sdelay $0x1  }
0x3e: {  	v3 =	vadd.s32 v1, v3;
	_ =	sdelay $0x1  }
0x3f: {  	s29 =	sor.u32 $0x2100, s20  }
0x40: {  	[tilespmem:s29], [sflag:$0x5] =	stream.indirect_vreg.gather [hbm4b:s3+s1], $0x80, v4, vm0, $0x2000b8;
	[tilespmem:$0x10100] =	vst v63  }
0x41: {  	s30 =	sor.u32 $0x2900, s20  }
0x42: {  	[tilespmem:s30], [sflag:$0x5] =	stream.indirect_vreg.gather [hbm4b:s3+s1], $0x80, v3, vm0, $0x2000b8;
	[tilespmem:$0x10100] =	vst v63  }
0x43: {  	v3 =	vld [tilespmem:s21+$0x30];
	_ =	sdelay $0x4  }
0x44: {  	v59 =	vshll.u32 v3, $0x1  }
0x45: {  	v3 =	vand.u32 $0x7, v3;
	v4 =	vand.u32 $0xFFFFFFF0, v59  }
0x46: {  	v3 =	vor.u32 v3, v4  }
0x47: {  	v4 =	vperm.xlane v3, v0;
	_ =	sdelay $0x1  }
0x48: {  	v3 =	vperm.xlane v3, v2;
	v4 =	vadd.s32 v1, v4;
	_ =	sdelay $0x1  }
0x49: {  	v3 =	vadd.s32 v1, v3;
	_ =	sdelay $0x1  }
0x4a: {  	s31 =	sor.u32 $0x3100, s20  }
0x4b: {  	[tilespmem:s31], [sflag:$0x5] =	stream.indirect_vreg.gather [hbm4b:s3+s1], $0x80, v4, vm0, $0x2000b8;
	[tilespmem:$0x10100] =	vst v63  }
0x4c: {  	s23 =	sor.u32 $0x3900, s20  }
0x4d: {  	[tilespmem:s23], [sflag:$0x5] =	stream.indirect_vreg.gather [hbm4b:s3+s1], $0x80, v3, vm0, $0x2000b8;
	[tilespmem:$0x10100] =	vst v63  }
0x4e: {  	v3 =	vld [tilespmem:s21+$0x40];
	_ =	sdelay $0x4  }
0x4f: {  	v60 =	vshll.u32 v3, $0x1  }
0x50: {  	v3 =	vand.u32 $0x7, v3;
	v4 =	vand.u32 $0xFFFFFFF0, v60  }
0x51: {  	v3 =	vor.u32 v3, v4  }
0x52: {  	v4 =	vperm.xlane v3, v0;
	_ =	sdelay $0x1  }
0x53: {  	v3 =	vperm.xlane v3, v2;
	v4 =	vadd.s32 v1, v4;
	_ =	sdelay $0x1  }
0x54: {  	v3 =	vadd.s32 v1, v3;
	_ =	sdelay $0x1  }
0x55: {  	s24 =	sor.u32 $0x4100, s20  }
0x56: {  	[tilespmem:s24], [sflag:$0x5] =	stream.indirect_vreg.gather [hbm4b:s3+s1], $0x80, v4, vm0, $0x2000b8;
	[tilespmem:$0x10100] =	vst v63  }
0x57: {  	s25 =	sor.u32 $0x4900, s20  }
0x58: {  	[tilespmem:s25], [sflag:$0x5] =	stream.indirect_vreg.gather [hbm4b:s3+s1], $0x80, v3, vm0, $0x2000b8;
	[tilespmem:$0x10100] =	vst v63  }
0x59: {  	v3 =	vld [tilespmem:s21+$0x50];
	_ =	sdelay $0x4  }
0x5a: {  	v61 =	vshll.u32 v3, $0x1  }
0x5b: {  	v3 =	vand.u32 $0x7, v3;
	v4 =	vand.u32 $0xFFFFFFF0, v61  }
0x5c: {  	v3 =	vor.u32 v3, v4  }
0x5d: {  	v4 =	vperm.xlane v3, v0;
	_ =	sdelay $0x1  }
0x5e: {  	v3 =	vperm.xlane v3, v2;
	v4 =	vadd.s32 v1, v4;
	_ =	sdelay $0x1  }
0x5f: {  	v3 =	vadd.s32 v1, v3;
	_ =	sdelay $0x1  }
0x60: {  	s26 =	sor.u32 $0x5100, s20  }
0x61: {  	[tilespmem:s26], [sflag:$0x5] =	stream.indirect_vreg.gather [hbm4b:s3+s1], $0x80, v4, vm0, $0x2000b8;
	[tilespmem:$0x10100] =	vst v63  }
0x62: {  	s28 =	sor.u32 $0x5900, s20  }
0x63: {  	[tilespmem:s28], [sflag:$0x5] =	stream.indirect_vreg.gather [hbm4b:s3+s1], $0x80, v3, vm0, $0x2000b8;
	[tilespmem:$0x10100] =	vst v63  }
0x64: {  	v3 =	vld [tilespmem:s21+$0x60];
	_ =	sdelay $0x4  }
0x65: {  	v62 =	vshll.u32 v3, $0x1  }
0x66: {  	v3 =	vand.u32 $0x7, v3;
	v4 =	vand.u32 $0xFFFFFFF0, v62  }
0x67: {  	v3 =	vor.u32 v3, v4  }
0x68: {  	v4 =	vperm.xlane v3, v0;
	_ =	sdelay $0x1  }
0x69: {  	v3 =	vperm.xlane v3, v2;
	v4 =	vadd.s32 v1, v4;
	_ =	sdelay $0x1  }
0x6a: {  	v3 =	vadd.s32 v1, v3;
	_ =	sdelay $0x1  }
0x6b: {  	s29 =	sor.u32 $0x6100, s20  }
0x6c: {  	[tilespmem:s29], [sflag:$0x5] =	stream.indirect_vreg.gather [hbm4b:s3+s1], $0x80, v4, vm0, $0x2000b8;
	[tilespmem:$0x10100] =	vst v63  }
0x6d: {  	s30 =	sor.u32 $0x6900, s20  }
0x6e: {  	[tilespmem:s30], [sflag:$0x5] =	stream.indirect_vreg.gather [hbm4b:s3+s1], $0x80, v3, vm0, $0x2000b8;
	[tilespmem:$0x10100] =	vst v63  }
0x6f: {  	v3 =	vld [tilespmem:s21+$0x70];
	_ =	sdelay $0x4  }
0x70: {  	v63 =	vshll.u32 v3, $0x1  }
0x71: {  	v3 =	vand.u32 $0x7, v3;
	v4 =	vand.u32 $0xFFFFFFF0, v63  }
0x72: {  	v3 =	vor.u32 v3, v4  }
0x73: {  	v4 =	vperm.xlane v3, v0;
	_ =	sdelay $0x1  }
0x74: {  	v3 =	vperm.xlane v3, v2;
	v4 =	vadd.s32 v1, v4;
	_ =	sdelay $0x1  }
0x75: {  	v3 =	vadd.s32 v1, v3;
	_ =	sdelay $0x1  }
0x76: {  	s31 =	sor.u32 $0x7100, s20  }
0x77: {  	[tilespmem:s31], [sflag:$0x5] =	stream.indirect_vreg.gather [hbm4b:s3+s1], $0x80, v4, vm0, $0x2000b8;
	[tilespmem:$0x10100] =	vst v63  }
0x78: {  	s20 =	sor.u32 $0x7900, s20  }
0x79: {  	[tilespmem:s20], [sflag:$0x5] =	stream.indirect_vreg.gather [hbm4b:s3+s1], $0x80, v3, vm0, $0x2000b8;
	[tilespmem:$0x10100] =	vst v63  }
0x7a: {  	_ =	swait.ge [sflag:s8], $0x8000  }
0x7b: {  	p2 =	seq.s32 s11, $0x1;
	[sflag:s8] =	ssyncset.done $0x0  }
0x7c: {  	s17 =	sadd.s32 s5, s17;
	p1 =	por p2, p1;
	[sflag:s8] =	ssyncadd.s32 $0xFFFF8000  }
0x7d: {  	s17 =	sshll.u32 @p1 s17, $0xC;
	_ =	strace $0x9000004B  }
0x7e: {  	s17 =	sand.u32 @p1 $0x1FFFF000, s17;
	s21 =	simm.s32 $0x1;
	_ =	strace @p1 $0x8000004C  }
0x7f: {  	s18 =	sadd.s32 @p1 $0x3, s18;
	s21 =	simm.s32 @!p0 $0x0;
	s20 =	rddreg [dreg:$0x3]  }
0x80: {  	p0 =	seq.s32 s11, $0x4;
	s17 =	sadd.s32 @p1 s20, s17;
	s20 =	simm.s32 @p1 $0x0  }
0x81: {  	[hbm4b:s17+s20] =	stream.linear.scatter @p1 [tilespmem:s19], [sflag:s18], $0x8000, $0x200038;
	[tilespmem:$0x10100] =	vst v63  }
0x82: {  	s17 =	simm.s32 $0x1;
	s19 =	simm.s32 $0x1;
	_ =	strace @p1 $0x9000004C  }
0x83: {  	s17 =	simm.s32 @!p1 $0x0;
	p1 =	sne.s32 s11, $0x4;
	s11 =	sadd.s32 $0xFFFFFFFF, s11  }
0x84: {  	s18 =	sand.u32 @!p0 $0x1, s13;
	s19 =	simm.s32 @!p1 $0x0;
	p1 =	sne.s32 s11, $0x0  }
.Ltmp0:
0x85: {  	s18 =	sadd.s32 @!p0 $0x3, s18;
	_ =	strace @!p0 $0x8000004D;
	(pc) =	sbr.rel @p1 .LBB2_2-.Ltmp0, $4  }
0x86: {  	_ =	swait.ge @!p0 [sflag:s18], $0x8000  }
0x87: {  	[sflag:s18] =	ssyncset.done @!p0 $0x0  }
0x88: {  	s16 =	sadd.s32 s21, s16;
	s14 =	sadd.s32 s17, s14;
	[sflag:s18] =	ssyncadd.s32 @!p0 $0xFFFF8000  }
0x89: {  	s15 =	sadd.s32 s17, s15;
	s13 =	sadd.s32 s19, s13;
	_ =	strace @!p0 $0x9000004D  }
0x8a: {  	s10 =	sadd.s32 $0x1, s10  }
0x8b: {  	p0 =	sne.s32 s10, s7  }
.Ltmp1:
0x8c: {  	_ =	strace $0x8000004E;
	(pc) =	sbr.rel @p0 .LBB2_1-.Ltmp1, $4  }
0x8d: {  	_ =	swait.ge [sflag:s9], $0x8000  }
0x8e: {  	[sflag:s9] =	ssyncset.done $0x0  }
0x8f: {  	[sflag:s9] =	ssyncadd.s32 $0xFFFF8000  }
0x90: {  	_ =	strace $0x9000004E  }
0x91: {  	_ =	sfence.sel $0x180000  }
0x92: {  	[bflag:$0x0] =	sbarrier.arrive $0xFFFF  }
0x93: {  	p0 =	sne.s32 s2, $0x0;
	_ =	strace $0x90000047  }
0x94: {  	s0 =	sadd.s32 @!p0 $0x100000, s0;
	[bflag:$0x2] =	sbarrier.arrive $0xFFFF  }
0x95: {  	[sflag:s0] =	ssyncadd.tile.s32 @!p0 $0x1;
	_ =	shalt  }
.Lfunc_end2:
_tile_overlayer_lowered:
.L_overlay_start_2:
0x96: {  	(tag) =	ssettag $0x2  }
0x97: {  	s0 =	rddreg [dreg:$0x0];
	s2 =	stileid.u32  }
0x98: {  	s1 =	rddreg [dreg:$0x1];
	p0 =	sne.s32 s2, $0x0  }
0x99: {  	s3 =	rddreg [dreg:$0x2];
	[bflag:$0x3] =	sbarrier.arrive $0xFFFF;
	s2 =	simm.s32 @!p0 $0x1C01  }
0x9a: {  	[timem:s3], [sflag:s2] =	dma.local @!p0 [hbm:s0], s1  }
0x9b: {  	s0 =	simm.s32 @!p0 $0x1  }
0x9c: {  	_ =	swait.ge @!p0 [sflag:s0], s1  }
0x9d: {  	s1 =	ssub.s32 @!p0 $0x0, s1;
	[sflag:s0] =	ssyncset.done @!p0 $0x0  }
0x9e: {  	[sflag:s0] =	ssyncadd.s32 @!p0 s1  }
0x9f: {  	[bflag:$0x3] =	sbarrier.arrive $0xFFFF  }
0xa0: {  	_ =	shalt  }

// kernel: kernel.13.cloned.1.call-start
scs
__scs_entry_jumppad:
0x0: {  	(pc) =	sbr.rel $0x88, $3  }
0x1: {  	(tag) =	ssettag $0x0;
	lr =	simm.s32 $0x1  }
0x2: {  	[smem:$0x3F9B] =	sst lr;
	_ =	strace $0xD0000000  }
0x3: {  	_ = 	snop  }
0x4: {  	_ = 	snop  }
0x5: {  	_ = 	snop  }
0x6: {  	_ = 	snop  }
0x7: {  	_ = 	snop  }
__scs_overlays_trampoline_lowered:
0x8: {  	[smem:$0x3FAA] =	sst s0  }
0x9: {  	[smem:$0x3FAB] =	sst s1  }
0xa: {  	[smem:$0x3FAC] =	sst s2  }
0xb: {  	[smem:$0x3FAD] =	sst s3  }
0xc: {  	[smem:$0x3FAE] =	sst s4  }
0xd: {  	[smem:$0x3FAF] =	sst s5  }
0xe: {  	[smem:$0x3FB0] =	sst s6  }
0xf: {  	[smem:$0x3FB1] =	sst s7  }
0x10: {  	[smem:$0x3FB2] =	sst s8  }
0x11: {  	[smem:$0x3FB3] =	sst s9;
	s0 =	simm.s32 @!p0 $0x0  }
0x12: {  	s1 =	sld [smem:$0x3F99];
	s0 =	simm.s32 @p0 $0x1  }
0x13: {  	[smem:$0x3FB4] =	sst s0;
	s0 =	simm.s32 @!p1 $0x0  }
0x14: {  	s2 =	sld [smem:$0x3F98];
	s0 =	simm.s32 @p1 $0x1  }
0x15: {  	[smem:$0x3FB5] =	sst s0;
	s0 =	simm.s32 @!p2 $0x0  }
0x16: {  	s3 =	sld [smem:$0x3FDB];
	s0 =	simm.s32 @p2 $0x1  }
0x17: {  	s4 =	simm.s32 $0x1BF5;
	[smem:$0x3FB7] =	sst s0  }
0x18: {  	s0 =	sld [smem:$0x3F9A];
	_ =	swait.ge [sflag:s4], $0x0  }
0x19: {  	s7 =	sld [smem:$0x3F9B]  }
0x1a: {  	s8 =	sadd.s32 $0xFFFFE003, lr  }
0x1b: {  	s9 =	sadd.s32 $0xFFFFFEF7, lr;
	s5 =	simm.s32 $0xFFFFFFFF;
	p2 =	slt.u32 s8, $0xFFFFF086  }
0x1c: {  	p1 =	slt.u32 s9, $0xF7A;
	s5 =	simm.s32 @!p2 $0x0  }
0x1d: {  	s5 =	simm.s32 @p1 $0x1;
	p0 =	seq.s32 s7, s2  }
0x1e: {  	s7 =	smul.u32 @!p0 $0xF7A, s2;
	p2 =	seq.s32 @!p0 s5, $0x0  }
0x1f: {  	s9 =	smul.u32 $0xF7A, s1;
	s8 =	simm.s32 @!p0 $0x1BF5;
	p2 =	por !p2, p0  }
0x20: {  	[sflag:s8] =	ssyncset.s32 @!p0 $0xFFFFF086;
	s6 =	sadd.s32 @!p0 s3, s7;
	s7 =	simm.s32 @!p0 $0x108  }
0x21: {  	s3 =	sadd.s32 s3, s9;
	s6 =	sadd.s32 @!p0 $0x88, s6;
	s7 =	simm.s32 @p2 $0x1082  }
0x22: {  	[simem:s7], [sflag:s8] =	dma.local @!p0 [hbm:s6], $0xF7A  }
0x23: {  	s9 =	sor.u32 $0xD0000000, s2;
	s6 =	simm.s32 $0x108;
	_ =	swait.ge @!p0 [sflag:s8], $0x0  }
0x24: {  	s3 =	sadd.s32 $0x88, s3;
	s6 =	simm.s32 @!p1 $0x1082;
	[sflag:s4] =	ssyncset.s32 $0xFFFFF086  }
0x25: {  	[simem:s6], [sflag:s4] =	dma.local [hbm:s3], $0xF7A  }
0x26: {  	[smem:$0x3F9B] =	sst s1;
	(tag) =	ssettag s2;
	_ =	strace s9  }
0x27: {  	s1 =	sld [smem:$0x3FAB]  }
0x28: {  	s2 =	sld [smem:$0x3FAC]  }
0x29: {  	s4 =	sld [smem:$0x3FAE]  }
0x2a: {  	p0 =	seq.s32 s5, $0x0;
	s5 =	sld [smem:$0x3FAF]  }
0x2b: {  	s6 =	sld [smem:$0x3FB0]  }
0x2c: {  	s7 =	sld [smem:$0x3FB1]  }
0x2d: {  	s3 =	simm.s32 $0x108;
	s8 =	sld [smem:$0x3FB2]  }
0x2e: {  	s3 =	simm.s32 @!p0 $0x1082;
	s9 =	sld [smem:$0x3FB3]  }
0x2f: {  	lr =	sadd.s32 s0, s3;
	s0 =	sld [smem:$0x3FAA]  }
0x30: {  	s3 =	sld [smem:$0x3FAD]  }
0x31: {  	[smem:$0x3FB6] =	sst s10  }
0x32: {  	s10 =	sld [smem:$0x3FB4];
	_ =	sdelay $0x3  }
0x33: {  	p0 =	seq.s32 s10, $0x1;
	s10 =	sld [smem:$0x3FB6];
	_ =	sdelay $0x3  }
0x34: {  	[smem:$0x3FB6] =	sst s10  }
0x35: {  	s10 =	sld [smem:$0x3FB5];
	_ =	sdelay $0x3  }
0x36: {  	p1 =	seq.s32 s10, $0x1;
	s10 =	sld [smem:$0x3FB6];
	_ =	sdelay $0x3  }
0x37: {  	[smem:$0x3FB6] =	sst s10  }
0x38: {  	s10 =	sld [smem:$0x3FB7]  }
0x39: {  	_ = 	snop;
	(pc) =	sbr.ind lr, $3  }
0x3a: {  	_ = 	snop  }
0x3b: {  	_ = 	snop  }
0x3c: {  	p2 =	seq.s32 s10, $0x1;
	s10 =	sld [smem:$0x3FB6]  }
0x3d: {  	_ =	shalt  }
0x3e: {  	_ =	shalt  }
0x3f: {  	_ =	shalt  }
0x40: {  	_ =	shalt  }
0x41: {  	_ =	shalt  }
0x42: {  	_ =	shalt  }
0x43: {  	_ =	shalt  }
0x44: {  	_ =	shalt  }
0x45: {  	_ =	shalt  }
0x46: {  	_ =	shalt  }
0x47: {  	_ =	shalt  }
0x48: {  	_ =	shalt  }
0x49: {  	_ =	shalt  }
0x4a: {  	_ =	shalt  }
0x4b: {  	_ =	shalt  }
0x4c: {  	_ =	shalt  }
0x4d: {  	_ =	shalt  }
0x4e: {  	_ =	shalt  }
0x4f: {  	_ =	shalt  }
0x50: {  	_ =	shalt  }
0x51: {  	_ =	shalt  }
0x52: {  	_ =	shalt  }
0x53: {  	_ =	shalt  }
0x54: {  	_ =	shalt  }
0x55: {  	_ =	shalt  }
0x56: {  	_ =	shalt  }
0x57: {  	_ =	shalt  }
0x58: {  	_ =	shalt  }
0x59: {  	_ =	shalt  }
0x5a: {  	_ =	shalt  }
0x5b: {  	_ =	shalt  }
0x5c: {  	_ =	shalt  }
0x5d: {  	_ =	shalt  }
0x5e: {  	_ =	shalt  }
0x5f: {  	_ =	shalt  }
0x60: {  	_ =	shalt  }
0x61: {  	_ =	shalt  }
0x62: {  	_ =	shalt  }
0x63: {  	_ =	shalt  }
0x64: {  	_ =	shalt  }
0x65: {  	_ =	shalt  }
0x66: {  	_ =	shalt  }
0x67: {  	_ =	shalt  }
0x68: {  	_ =	shalt  }
0x69: {  	_ =	shalt  }
0x6a: {  	_ =	shalt  }
0x6b: {  	_ =	shalt  }
0x6c: {  	_ =	shalt  }
0x6d: {  	_ =	shalt  }
0x6e: {  	_ =	shalt  }
0x6f: {  	_ =	shalt  }
0x70: {  	_ =	shalt  }
0x71: {  	_ =	shalt  }
0x72: {  	_ =	shalt  }
0x73: {  	_ =	shalt  }
0x74: {  	_ =	shalt  }
0x75: {  	_ =	shalt  }
0x76: {  	_ =	shalt  }
0x77: {  	_ =	shalt  }
0x78: {  	_ =	shalt  }
0x79: {  	_ =	shalt  }
0x7a: {  	_ =	shalt  }
0x7b: {  	_ =	shalt  }
0x7c: {  	_ =	shalt  }
0x7d: {  	_ =	shalt  }
0x7e: {  	_ =	shalt  }
0x7f: {  	_ =	shalt  }
0x80: {  	_ =	shalt  }
0x81: {  	_ =	shalt  }
0x82: {  	_ =	shalt  }
0x83: {  	_ =	shalt  }
0x84: {  	_ =	shalt  }
0x85: {  	_ =	shalt  }
0x86: {  	_ =	shalt  }
0x87: {  	_ =	shalt  }
.Lfunc_end0:
.L_simem_size_0:
called_computation.1_lowered:
.L_overlay_start_0:
0x88: {  	s2 =	sld [smem:$0x3FD9]  }
0x89: {  	s3 =	sld [smem:$0x3FFE];
	_ =	sdelay $0x1  }
0x8a: {  	s1 =	srdreg.scid  }
0x8b: {  	s0 =	sand.u32 $0x1, s1  }
0x8c: {  	s17 =	sshll.u32 s0, $0xA;
	s2 =	sadd.s32 s3, s2  }
0x8d: {  	s2 =	sadd.s32 s2, s17  }
0x8e: {  	[smem:$0x3FC2] =	sst s2  }
0x8f: {  	_ = 	snop  }
0x90: {  	(tm) =	ssettm $0x1  }
0x91: {  	s18 =	sld [smem:$0x3FFB];
	_ =	sdelay $0x3  }
0x92: {  	_ =	strace s18  }
0x93: {  	s2 =	sld [smem:$0x3FFC];
	_ =	sdelay $0x3  }
0x94: {  	_ =	strace s2  }
0x95: {  	s2 =	sld [smem:$0x3FFD];
	_ =	sdelay $0x3  }
0x96: {  	_ =	strace s2  }
0x97: {  	_ =	strace $0x8FFFFFFF  }
0x98: {  	s19 =	sld [smem:$0x3FDB];
	_ =	sdelay $0x1  }
0x99: {  	s20 =	simm.s32 $_scs_section_size  }
0x9a: {  	s4 =	simm.s32 $_size__tile_overlayer_lowered;
	s5 =	simm.s32 $_tile_overlayer_lowered  }
0x9b: {  	s6 =	simm.s32 $0x1BFF;
	s21 =	sshll.u32 s5, $0x1;
	s3 =	sadd.s32 s20, s19  }
0x9c: {  	s22 =	simm.s32 $0x0;
	s4 =	sshll.u32 s4, $0x1;
	s5 =	sadd.s32 s21, s3  }
0x9d: {  	[timem:s22], [sflag:s6] =	dma.local [hbm:s5], s4  }
0x9e: {  	_ =	swait.ge [sflag:s6], s4  }
0x9f: {  	s4 =	ssub.s32 $0x0, s4;
	[sflag:s6] =	ssyncset.done $0x0  }
0xa0: {  	[sflag:s6] =	ssyncadd.s32 s4;
	_ =	sdelay $0x1  }
0xa1: {  	s23 =	simm.s32 $0x1B8B  }
0xa2: {  	_ =	swait.ge [sflag:s23], $0x1  }
0xa3: {  	[sflag:s23] =	ssyncset.done $0x0  }
0xa4: {  	[sflag:s23] =	ssyncadd.s32 $0xFFFFFFFF  }
0xa5: {  	s4 =	sld [smem:$0x0]  }
0xa6: {  	s5 =	sand.u32 $0xFFFFFFFE, s1  }
0xa7: {  	p0 =	sne.s32 s1, s5  }
0xa8: {  	s5 =	sshll.u32 @p0 s5, $0xE  }
0xa9: {  	s5 =	sadd.s32 @p0 $0x11B8D, s5;
	s6 =	sshll.u32 @p0 s4, $0x11  }
0xaa: {  	s5 =	sor.u32 @p0 s6, s5  }
0xab: {  	[sflag:s5] =	ssyncadd.remote.s32 @p0 $0x1;
	_ =	sdelay $0x1  }
0xac: {  	s5 =	simm.s32 @p0 $0x1B8D  }
0xad: {  	_ =	swait.eq @p0 [sflag:s5], $0x1  }
0xae: {  	[sflag:s5] =	ssyncadd.s32 @p0 $0xFFFFFFFF  }
0xaf: {  	s6 =	sshll.u32 @!p0 s1, $0xE  }
0xb0: {  	s6 =	sor.u32 @!p0 $0x4000, s6;
	s5 =	simm.s32 @!p0 $0x1B8D  }
0xb1: {  	s4 =	sshll.u32 @!p0 s4, $0x11;
	s6 =	sadd.s32 @!p0 $0x11B8D, s6;
	_ =	swait.eq @!p0 [sflag:s5], $0x1  }
0xb2: {  	s4 =	sor.u32 @!p0 s4, s6;
	[sflag:s5] =	ssyncadd.s32 @!p0 $0xFFFFFFFF  }
0xb3: {  	s25 =	simm.s32 $0x1B8E;
	s24 =	sld [smem:$0x3FFE];
	[sflag:s4] =	ssyncadd.remote.s32 @!p0 $0x1  }
0xb4: {  	s26 =	simm.s32 $execute0_lowered;
	[smem:$0x3FD2] =	sst s25  }
0xb5: {  	s5 =	sshll.u32 s26, $0x1;
	_ =	strace $0x80000050;
	[dreg:$0x1] =	wrdreg $0xFFFFFFFF  }
0xb6: {  	s28 =	simm.s32 $_size_execute0_lowered;
	s3 =	sadd.s32 s3, s5;
	[dreg:$0x0] =	wrdreg $0x0  }
0xb7: {  	s5 =	sshll.u32 s28, $0x1;
	[dreg:$0x2] =	wrdreg s3  }
0xb8: {  	[dreg:$0x3] =	wrdreg s5  }
0xb9: {  	[dreg:$0x4] =	wrdreg $0xC0  }
0xba: {  	_ =	task [dreg:s22], $0x5FFFF  }
0xbb: {  	[dreg:$0x1] =	wrdreg $0xFFFFFFFF  }
0xbc: {  	[dreg:$0x0] =	wrdreg $0x60  }
0xbd: {  	[dreg:$0x2] =	wrdreg s24  }
0xbe: {  	[dreg:$0x3] =	wrdreg $0xA  }
0xbf: {  	_ =	task.clear_ibuf [dreg:s22], $0x4FFFF;
	_ =	strace $0x90000050  }
0xc0: {  	s29 =	simm.s32 $0xA;
	_ =	strace $0x80000059  }
0xc1: {  	_ =	swait.ge [sflag:s29], $0x1  }
0xc2: {  	[sflag:s29] =	ssyncadd.s32 $0xFFFFFFFF  }
0xc3: {  	_ =	strace $0x90000059  }
0xc4: {  	_ =	sfence  }
0xc5: {  	s30 =	sld [smem:$0x0];
	_ =	sdelay $0x2  }
0xc6: {  	s31 =	sshll.u32 s1, $0xD;
	s1 =	sshrl.u32 s1, $0x2  }
0xc7: {  	s4 =	sand.u32 $0x4000, s31;
	s1 =	sadd.s32 s1, s30  }
0xc8: {  	s0 =	sor.u32 s4, s0;
	s1 =	sshll.u32 s1, $0x11  }
0xc9: {  	s0 =	sor.u32 s1, s0  }
0xca: {  	s0 =	sadd.s32 $0x8F2B, s0  }
0xcb: {  	[sflag:s0] =	ssyncadd.remote.s32 $0x1  }
0xcc: {  	_ =	sfence.sel $0xFFFF  }
0xcd: {  	[dreg:$0x0] =	wrdreg $0xFFFFFFFF;
	(pc) =	sbr.abs _section_cstart, $3  }
0xce: {  	[dreg:$0x1] =	wrdreg $0xFFFFFFFF  }
0xcf: {  	_ =	task.clear_ibuf [dreg:s22], $0x2FFFF;
	_ =	strace $0x9FFFFFFF  }
0xd0: {  	(tm) =	ssettm $0x7FFFFFFF  }
0xd1: {  	_ =	shalt  }
tec
execute0_lowered:
.L_overlay_start_1:
0x0: {  	(tag) =	ssettag $0x1  }
0x1: {  	s4 =	rddreg [dreg:$0x0]  }
0x2: {  	s0 =	rddreg [dreg:$0x1];
	s1 =	simm.s32 $0x0  }
0x3: {  	s2 =	srdreg.scid;
	s10 =	simm.s32 $0x0;
	[smem:$0x7FF] =	sst s1  }
0x4: {  	s5 =	sand.u32 $0x1, s2;
	s2 =	stileid.u32;
	s3 =	sadd.s32 $0x2800, s4  }
0x5: {  	s7 =	sadd.s32 $0xB600, s4;
	s4 =	sadd.s32 $0xB000, s4;
	s6 =	sshll.u32 s5, $0x4  }
0x6: {  	_ =	strace $0x80000051;
	s5 =	ssub.s32 $0x2, s5;
	s6 =	sor.u32 s2, s6  }
0x7: {  	v2 =	vlaneseq.u32;
	[dreg:$0x2] =	wrdreg s7;
	s8 =	sshrl.u32 s5, $0x1;
	s9 =	smul.u32 $0x30, s6  }
0x8: {  	vm0 =	vmmov $0xffff;
	v1 =	vshrl.u32 v2, $0x3;
	s31 =	ssub.s32 s5, s8;
	s5 =	smul.u32 $0x3, s6;
	s8 =	simm.s32 $0x5  }
0x9: {  	v0 =	vand.u32 $0x7, v2;
	v2 =	vor.u32 $0x8, v2;
	v1 =	vmul.u32 $0x8, v1;
	s7 =	smax.u32 s31, $0x1;
	s6 =	sadd.s32 s4, s9;
	s9 =	simm.s32 $0x3  }
.LBB2_1:
0xa: {  	_ =	strace $0x80000052;
	s11 =	simm.s32 $0x2  }
0xb: {  	s12 =	simm.s32 $0x0;
	s13 =	simm.s32 $0x0;
	s14 =	simm.s32 $0x0  }
0xc: {  	[tilespmem:s1], [sflag:$0x1] =	stream.linear.gather [hbm4b:s6+s1], $0x80, $0x200038;
	[tilespmem:$0x10100] =	vst v63  }
0xd: {  	s15 =	simm.s32 $0x0;
	s16 =	simm.s32 $0x1;
	_ =	strace $0x90000052  }
.LBB2_2:
0xe: {  	s17 =	smov.u32 s12;
	s12 =	sadd.s32 $0x1, s12  }
0xf: {  	p0 =	seq.s32 s12, $0x3  }
0x10: {  	s12 =	simm.s32 @p0 $0x0  }
0x11: {  	p6 =	sne.s32 s11, $0x0;
	p1 =	sne.s32 s17, s12  }
0x12: {  	p0 =	por !p6, !p1  }
0x13: {  	p0 =	por !p0, !p0  }
0x14: {  	s18 =	sadd.s32 @p0 s5, s12  }
0x15: {  	s19 =	sand.u32 @p0 $0x1, s16;
	s18 =	sshll.u32 @p0 s18, $0x4  }
0x16: {  	_ =	strace @p0 $0x80000053;
	s21 =	simm.s32 @p0 $0x0;
	s18 =	sand.u32 @p0 $0x1FFFFFF0, s18  }
0x17: {  	s20 =	sshll.u32 @p0 s19, $0x7;
	s19 =	sadd.s32 @p0 $0x1, s19;
	s18 =	sadd.s32 @p0 s4, s18  }
0x18: {  	[tilespmem:s20], [sflag:s19] =	stream.linear.gather @p0 [hbm4b:s18+s21], $0x80, $0x200038;
	[tilespmem:$0x10100] =	vst v63  }
0x19: {  	s24 =	sand.u32 $0x1, s15;
	_ =	strace @p0 $0x90000053  }
0x1a: {  	s18 =	sadd.s32 $0x1, s24;
	_ =	strace $0x80000054  }
0x1b: {  	_ =	swait.ge [sflag:s18], $0x80  }
0x1c: {  	[sflag:s18] =	ssyncset.done $0x0  }
0x1d: {  	[sflag:s18] =	ssyncadd.s32 $0xFFFFFF80  }
0x1e: {  	s25 =	sshll.u32 s15, $0x7;
	_ =	strace $0x90000054  }
0x1f: {  	s21 =	sand.u32 $0x80, s25;
	_ =	strace $0x80000055  }
0x20: {  	v3 =	vld [tilespmem:s21+$0x0];
	_ =	sdelay $0x4  }
0x21: {  	v4 =	vshll.u32 v3, $0x1  }
0x22: {  	v3 =	vand.u32 $0x7, v3;
	v4 =	vand.u32 $0xFFFFFFF0, v4  }
0x23: {  	v3 =	vor.u32 v3, v4  }
0x24: {  	v4 =	vperm.xlane v3, v0;
	_ =	sdelay $0x1  }
0x25: {  	v3 =	vperm.xlane v3, v2;
	v4 =	vadd.s32 v1, v4;
	_ =	sdelay $0x1  }
0x26: {  	s18 =	sand.u32 $0x1, s14;
	v3 =	vadd.s32 v1, v3  }
0x27: {  	s20 =	sshll.u32 s18, $0xF  }
0x28: {  	s19 =	sor.u32 $0x100, s20  }
0x29: {  	[tilespmem:s19], [sflag:$0x5] =	stream.indirect_vreg.gather [hbm4b:s3+s1], $0x80, v4, vm0, $0x2000b8;
	[tilespmem:$0x10100] =	vst v63  }
0x2a: {  	s22 =	sor.u32 $0x900, s20  }
0x2b: {  	[tilespmem:s22], [sflag:$0x5] =	stream.indirect_vreg.gather [hbm4b:s3+s1], $0x80, v3, vm0, $0x2000b8;
	[tilespmem:$0x10100] =	vst v63  }
0x2c: {  	v3 =	vld [tilespmem:s21+$0x10];
	_ =	sdelay $0x4  }
0x2d: {  	v57 =	vshll.u32 v3, $0x1  }
0x2e: {  	v3 =	vand.u32 $0x7, v3;
	v4 =	vand.u32 $0xFFFFFFF0, v57  }
0x2f: {  	v3 =	vor.u32 v3, v4  }
0x30: {  	v4 =	vperm.xlane v3, v0;
	_ =	sdelay $0x1  }
0x31: {  	v3 =	vperm.xlane v3, v2;
	v4 =	vadd.s32 v1, v4;
	_ =	sdelay $0x1  }
0x32: {  	v3 =	vadd.s32 v1, v3;
	_ =	sdelay $0x1  }
0x33: {  	s26 =	sor.u32 $0x1100, s20  }
0x34: {  	[tilespmem:s26], [sflag:$0x5] =	stream.indirect_vreg.gather [hbm4b:s3+s1], $0x80, v4, vm0, $0x2000b8;
	[tilespmem:$0x10100] =	vst v63  }
0x35: {  	s28 =	sor.u32 $0x1900, s20  }
0x36: {  	[tilespmem:s28], [sflag:$0x5] =	stream.indirect_vreg.gather [hbm4b:s3+s1], $0x80, v3, vm0, $0x2000b8;
	[tilespmem:$0x10100] =	vst v63  }
0x37: {  	v3 =	vld [tilespmem:s21+$0x20];
	_ =	sdelay $0x4  }
0x38: {  	v58 =	vshll.u32 v3, $0x1  }
0x39: {  	v3 =	vand.u32 $0x7, v3;
	v4 =	vand.u32 $0xFFFFFFF0, v58  }
0x3a: {  	v3 =	vor.u32 v3, v4  }
0x3b: {  	v4 =	vperm.xlane v3, v0;
	_ =	sdelay $0x1  }
0x3c: {  	v3 =	vperm.xlane v3, v2;
	v4 =	vadd.s32 v1, v4;
	_ =	sdelay $0x1  }
0x3d: {  	v3 =	vadd.s32 v1, v3;
	_ =	sdelay $0x1  }
0x3e: {  	s29 =	sor.u32 $0x2100, s20  }
0x3f: {  	[tilespmem:s29], [sflag:$0x5] =	stream.indirect_vreg.gather [hbm4b:s3+s1], $0x80, v4, vm0, $0x2000b8;
	[tilespmem:$0x10100] =	vst v63  }
0x40: {  	s30 =	sor.u32 $0x2900, s20  }
0x41: {  	[tilespmem:s30], [sflag:$0x5] =	stream.indirect_vreg.gather [hbm4b:s3+s1], $0x80, v3, vm0, $0x2000b8;
	[tilespmem:$0x10100] =	vst v63  }
0x42: {  	v3 =	vld [tilespmem:s21+$0x30];
	_ =	sdelay $0x4  }
0x43: {  	v59 =	vshll.u32 v3, $0x1  }
0x44: {  	v3 =	vand.u32 $0x7, v3;
	v4 =	vand.u32 $0xFFFFFFF0, v59  }
0x45: {  	v3 =	vor.u32 v3, v4  }
0x46: {  	v4 =	vperm.xlane v3, v0;
	_ =	sdelay $0x1  }
0x47: {  	v3 =	vperm.xlane v3, v2;
	v4 =	vadd.s32 v1, v4;
	_ =	sdelay $0x1  }
0x48: {  	v3 =	vadd.s32 v1, v3;
	_ =	sdelay $0x1  }
0x49: {  	s31 =	sor.u32 $0x3100, s20  }
0x4a: {  	[tilespmem:s31], [sflag:$0x5] =	stream.indirect_vreg.gather [hbm4b:s3+s1], $0x80, v4, vm0, $0x2000b8;
	[tilespmem:$0x10100] =	vst v63  }
0x4b: {  	s23 =	sor.u32 $0x3900, s20  }
0x4c: {  	[tilespmem:s23], [sflag:$0x5] =	stream.indirect_vreg.gather [hbm4b:s3+s1], $0x80, v3, vm0, $0x2000b8;
	[tilespmem:$0x10100] =	vst v63  }
0x4d: {  	v3 =	vld [tilespmem:s21+$0x40];
	_ =	sdelay $0x4  }
0x4e: {  	v60 =	vshll.u32 v3, $0x1  }
0x4f: {  	v3 =	vand.u32 $0x7, v3;
	v4 =	vand.u32 $0xFFFFFFF0, v60  }
0x50: {  	v3 =	vor.u32 v3, v4  }
0x51: {  	v4 =	vperm.xlane v3, v0;
	_ =	sdelay $0x1  }
0x52: {  	v3 =	vperm.xlane v3, v2;
	v4 =	vadd.s32 v1, v4;
	_ =	sdelay $0x1  }
0x53: {  	v3 =	vadd.s32 v1, v3;
	_ =	sdelay $0x1  }
0x54: {  	s24 =	sor.u32 $0x4100, s20  }
0x55: {  	[tilespmem:s24], [sflag:$0x5] =	stream.indirect_vreg.gather [hbm4b:s3+s1], $0x80, v4, vm0, $0x2000b8;
	[tilespmem:$0x10100] =	vst v63  }
0x56: {  	s25 =	sor.u32 $0x4900, s20  }
0x57: {  	[tilespmem:s25], [sflag:$0x5] =	stream.indirect_vreg.gather [hbm4b:s3+s1], $0x80, v3, vm0, $0x2000b8;
	[tilespmem:$0x10100] =	vst v63  }
0x58: {  	v3 =	vld [tilespmem:s21+$0x50];
	_ =	sdelay $0x4  }
0x59: {  	v61 =	vshll.u32 v3, $0x1  }
0x5a: {  	v3 =	vand.u32 $0x7, v3;
	v4 =	vand.u32 $0xFFFFFFF0, v61  }
0x5b: {  	v3 =	vor.u32 v3, v4  }
0x5c: {  	v4 =	vperm.xlane v3, v0;
	_ =	sdelay $0x1  }
0x5d: {  	v3 =	vperm.xlane v3, v2;
	v4 =	vadd.s32 v1, v4;
	_ =	sdelay $0x1  }
0x5e: {  	v3 =	vadd.s32 v1, v3;
	_ =	sdelay $0x1  }
0x5f: {  	s26 =	sor.u32 $0x5100, s20  }
0x60: {  	[tilespmem:s26], [sflag:$0x5] =	stream.indirect_vreg.gather [hbm4b:s3+s1], $0x80, v4, vm0, $0x2000b8;
	[tilespmem:$0x10100] =	vst v63  }
0x61: {  	s28 =	sor.u32 $0x5900, s20  }
0x62: {  	[tilespmem:s28], [sflag:$0x5] =	stream.indirect_vreg.gather [hbm4b:s3+s1], $0x80, v3, vm0, $0x2000b8;
	[tilespmem:$0x10100] =	vst v63  }
0x63: {  	v3 =	vld [tilespmem:s21+$0x60];
	_ =	sdelay $0x4  }
0x64: {  	v62 =	vshll.u32 v3, $0x1  }
0x65: {  	v3 =	vand.u32 $0x7, v3;
	v4 =	vand.u32 $0xFFFFFFF0, v62  }
0x66: {  	v3 =	vor.u32 v3, v4  }
0x67: {  	v4 =	vperm.xlane v3, v0;
	_ =	sdelay $0x1  }
0x68: {  	v3 =	vperm.xlane v3, v2;
	v4 =	vadd.s32 v1, v4;
	_ =	sdelay $0x1  }
0x69: {  	v3 =	vadd.s32 v1, v3;
	_ =	sdelay $0x1  }
0x6a: {  	s29 =	sor.u32 $0x6100, s20  }
0x6b: {  	[tilespmem:s29], [sflag:$0x5] =	stream.indirect_vreg.gather [hbm4b:s3+s1], $0x80, v4, vm0, $0x2000b8;
	[tilespmem:$0x10100] =	vst v63  }
0x6c: {  	s30 =	sor.u32 $0x6900, s20  }
0x6d: {  	[tilespmem:s30], [sflag:$0x5] =	stream.indirect_vreg.gather [hbm4b:s3+s1], $0x80, v3, vm0, $0x2000b8;
	[tilespmem:$0x10100] =	vst v63  }
0x6e: {  	v3 =	vld [tilespmem:s21+$0x70];
	_ =	sdelay $0x4  }
0x6f: {  	v63 =	vshll.u32 v3, $0x1  }
0x70: {  	v3 =	vand.u32 $0x7, v3;
	v4 =	vand.u32 $0xFFFFFFF0, v63  }
0x71: {  	v3 =	vor.u32 v3, v4  }
0x72: {  	v4 =	vperm.xlane v3, v0;
	_ =	sdelay $0x1  }
0x73: {  	v3 =	vperm.xlane v3, v2;
	v4 =	vadd.s32 v1, v4;
	_ =	sdelay $0x1  }
0x74: {  	v3 =	vadd.s32 v1, v3;
	_ =	sdelay $0x1  }
0x75: {  	s31 =	sor.u32 $0x7100, s20  }
0x76: {  	[tilespmem:s31], [sflag:$0x5] =	stream.indirect_vreg.gather [hbm4b:s3+s1], $0x80, v4, vm0, $0x2000b8;
	[tilespmem:$0x10100] =	vst v63  }
0x77: {  	s20 =	sor.u32 $0x7900, s20  }
0x78: {  	[tilespmem:s20], [sflag:$0x5] =	stream.indirect_vreg.gather [hbm4b:s3+s1], $0x80, v3, vm0, $0x2000b8;
	[tilespmem:$0x10100] =	vst v63  }
0x79: {  	_ =	swait.ge [sflag:s8], $0x8000  }
0x7a: {  	p2 =	seq.s32 s11, $0x0;
	[sflag:s8] =	ssyncset.done $0x0  }
0x7b: {  	s17 =	sadd.s32 s5, s17;
	p1 =	por p2, p1;
	[sflag:s8] =	ssyncadd.s32 $0xFFFF8000  }
0x7c: {  	s17 =	sshll.u32 @p1 s17, $0xC;
	_ =	strace $0x90000055  }
0x7d: {  	s17 =	sand.u32 @p1 $0x1FFFF000, s17;
	s21 =	simm.s32 $0x1;
	_ =	strace @p1 $0x80000056  }
0x7e: {  	s18 =	sadd.s32 @p1 $0x3, s18;
	s21 =	simm.s32 @!p0 $0x0;
	s20 =	rddreg [dreg:$0x2]  }
0x7f: {  	p0 =	seq.s32 s11, $0x2;
	s17 =	sadd.s32 @p1 s20, s17;
	s20 =	simm.s32 @p1 $0x0  }
0x80: {  	[hbm4b:s17+s20] =	stream.linear.scatter @p1 [tilespmem:s19], [sflag:s18], $0x8000, $0x200038;
	[tilespmem:$0x10100] =	vst v63  }
0x81: {  	s17 =	simm.s32 $0x1;
	s19 =	simm.s32 $0x1;
	_ =	strace @p1 $0x90000056  }
0x82: {  	s17 =	simm.s32 @!p1 $0x0;
	p1 =	sne.s32 s11, $0x2;
	s11 =	sadd.s32 $0xFFFFFFFF, s11  }
0x83: {  	s18 =	sand.u32 @!p0 $0x1, s13;
	s19 =	simm.s32 @!p1 $0x0;
	p1 =	sne.s32 s11, $0xFFFFFFFF  }
.Ltmp0:
0x84: {  	s18 =	sadd.s32 @!p0 $0x3, s18;
	_ =	strace @!p0 $0x80000057;
	(pc) =	sbr.rel @p1 .LBB2_2-.Ltmp0, $4  }
0x85: {  	_ =	swait.ge @!p0 [sflag:s18], $0x8000  }
0x86: {  	[sflag:s18] =	ssyncset.done @!p0 $0x0  }
0x87: {  	s16 =	sadd.s32 s21, s16;
	s14 =	sadd.s32 s17, s14;
	[sflag:s18] =	ssyncadd.s32 @!p0 $0xFFFF8000  }
0x88: {  	s15 =	sadd.s32 s17, s15;
	s13 =	sadd.s32 s19, s13;
	_ =	strace @!p0 $0x90000057  }
0x89: {  	s10 =	sadd.s32 $0x1, s10  }
0x8a: {  	p0 =	sne.s32 s10, s7  }
.Ltmp1:
0x8b: {  	_ =	strace $0x80000058;
	(pc) =	sbr.rel @p0 .LBB2_1-.Ltmp1, $4  }
0x8c: {  	_ =	swait.ge [sflag:s9], $0x8000  }
0x8d: {  	[sflag:s9] =	ssyncset.done $0x0  }
0x8e: {  	[sflag:s9] =	ssyncadd.s32 $0xFFFF8000  }
0x8f: {  	_ =	strace $0x90000058  }
0x90: {  	_ =	sfence.sel $0x180000  }
0x91: {  	[bflag:$0x0] =	sbarrier.arrive $0xFFFF  }
0x92: {  	p0 =	sne.s32 s2, $0x0;
	_ =	strace $0x90000051  }
0x93: {  	s0 =	sadd.s32 @!p0 $0x100000, s0;
	[bflag:$0x2] =	sbarrier.arrive $0xFFFF  }
0x94: {  	[sflag:s0] =	ssyncadd.tile.s32 @!p0 $0x1;
	_ =	shalt  }
.Lfunc_end2:
_tile_overlayer_lowered:
.L_overlay_start_2:
0x95: {  	(tag) =	ssettag $0x2  }
0x96: {  	s0 =	rddreg [dreg:$0x0];
	s2 =	stileid.u32  }
0x97: {  	s1 =	rddreg [dreg:$0x1];
	p0 =	sne.s32 s2, $0x0  }
0x98: {  	s3 =	rddreg [dreg:$0x2];
	[bflag:$0x3] =	sbarrier.arrive $0xFFFF;
	s2 =	simm.s32 @!p0 $0x1C01  }
0x99: {  	[timem:s3], [sflag:s2] =	dma.local @!p0 [hbm:s0], s1  }
0x9a: {  	s0 =	simm.s32 @!p0 $0x1  }
0x9b: {  	_ =	swait.ge @!p0 [sflag:s0], s1  }
0x9c: {  	s1 =	ssub.s32 @!p0 $0x0, s1;
	[sflag:s0] =	ssyncset.done @!p0 $0x0  }
0x9d: {  	[sflag:s0] =	ssyncadd.s32 @!p0 s1  }
0x9e: {  	[bflag:$0x3] =	sbarrier.arrive $0xFFFF  }
0x9f: {  	_ =	shalt  }

// kernel: kernel.16.cloned.1.call-start
scs
__scs_entry_jumppad:
0x0: {  	(pc) =	sbr.rel $0x88, $3  }
0x1: {  	(tag) =	ssettag $0x0;
	lr =	simm.s32 $0x1  }
0x2: {  	[smem:$0x3F9B] =	sst lr;
	_ =	strace $0xD0000000  }
0x3: {  	_ = 	snop  }
0x4: {  	_ = 	snop  }
0x5: {  	_ = 	snop  }
0x6: {  	_ = 	snop  }
0x7: {  	_ = 	snop  }
__scs_overlays_trampoline_lowered:
0x8: {  	[smem:$0x3FAA] =	sst s0  }
0x9: {  	[smem:$0x3FAB] =	sst s1  }
0xa: {  	[smem:$0x3FAC] =	sst s2  }
0xb: {  	[smem:$0x3FAD] =	sst s3  }
0xc: {  	[smem:$0x3FAE] =	sst s4  }
0xd: {  	[smem:$0x3FAF] =	sst s5  }
0xe: {  	[smem:$0x3FB0] =	sst s6  }
0xf: {  	[smem:$0x3FB1] =	sst s7  }
0x10: {  	[smem:$0x3FB2] =	sst s8  }
0x11: {  	[smem:$0x3FB3] =	sst s9;
	s0 =	simm.s32 @!p0 $0x0  }
0x12: {  	s1 =	sld [smem:$0x3F99];
	s0 =	simm.s32 @p0 $0x1  }
0x13: {  	[smem:$0x3FB4] =	sst s0;
	s0 =	simm.s32 @!p1 $0x0  }
0x14: {  	s2 =	sld [smem:$0x3F98];
	s0 =	simm.s32 @p1 $0x1  }
0x15: {  	[smem:$0x3FB5] =	sst s0;
	s0 =	simm.s32 @!p2 $0x0  }
0x16: {  	s3 =	sld [smem:$0x3FDB];
	s0 =	simm.s32 @p2 $0x1  }
0x17: {  	s4 =	simm.s32 $0x1BF5;
	[smem:$0x3FB7] =	sst s0  }
0x18: {  	s0 =	sld [smem:$0x3F9A];
	_ =	swait.ge [sflag:s4], $0x0  }
0x19: {  	s7 =	sld [smem:$0x3F9B]  }
0x1a: {  	s8 =	sadd.s32 $0xFFFFE003, lr  }
0x1b: {  	s9 =	sadd.s32 $0xFFFFFEF7, lr;
	s5 =	simm.s32 $0xFFFFFFFF;
	p2 =	slt.u32 s8, $0xFFFFF086  }
0x1c: {  	p1 =	slt.u32 s9, $0xF7A;
	s5 =	simm.s32 @!p2 $0x0  }
0x1d: {  	s5 =	simm.s32 @p1 $0x1;
	p0 =	seq.s32 s7, s2  }
0x1e: {  	s7 =	smul.u32 @!p0 $0xF7A, s2;
	p2 =	seq.s32 @!p0 s5, $0x0  }
0x1f: {  	s9 =	smul.u32 $0xF7A, s1;
	s8 =	simm.s32 @!p0 $0x1BF5;
	p2 =	por !p2, p0  }
0x20: {  	[sflag:s8] =	ssyncset.s32 @!p0 $0xFFFFF086;
	s6 =	sadd.s32 @!p0 s3, s7;
	s7 =	simm.s32 @!p0 $0x108  }
0x21: {  	s3 =	sadd.s32 s3, s9;
	s6 =	sadd.s32 @!p0 $0x88, s6;
	s7 =	simm.s32 @p2 $0x1082  }
0x22: {  	[simem:s7], [sflag:s8] =	dma.local @!p0 [hbm:s6], $0xF7A  }
0x23: {  	s9 =	sor.u32 $0xD0000000, s2;
	s6 =	simm.s32 $0x108;
	_ =	swait.ge @!p0 [sflag:s8], $0x0  }
0x24: {  	s3 =	sadd.s32 $0x88, s3;
	s6 =	simm.s32 @!p1 $0x1082;
	[sflag:s4] =	ssyncset.s32 $0xFFFFF086  }
0x25: {  	[simem:s6], [sflag:s4] =	dma.local [hbm:s3], $0xF7A  }
0x26: {  	[smem:$0x3F9B] =	sst s1;
	(tag) =	ssettag s2;
	_ =	strace s9  }
0x27: {  	s1 =	sld [smem:$0x3FAB]  }
0x28: {  	s2 =	sld [smem:$0x3FAC]  }
0x29: {  	s4 =	sld [smem:$0x3FAE]  }
0x2a: {  	p0 =	seq.s32 s5, $0x0;
	s5 =	sld [smem:$0x3FAF]  }
0x2b: {  	s6 =	sld [smem:$0x3FB0]  }
0x2c: {  	s7 =	sld [smem:$0x3FB1]  }
0x2d: {  	s3 =	simm.s32 $0x108;
	s8 =	sld [smem:$0x3FB2]  }
0x2e: {  	s3 =	simm.s32 @!p0 $0x1082;
	s9 =	sld [smem:$0x3FB3]  }
0x2f: {  	lr =	sadd.s32 s0, s3;
	s0 =	sld [smem:$0x3FAA]  }
0x30: {  	s3 =	sld [smem:$0x3FAD]  }
0x31: {  	[smem:$0x3FB6] =	sst s10  }
0x32: {  	s10 =	sld [smem:$0x3FB4];
	_ =	sdelay $0x3  }
0x33: {  	p0 =	seq.s32 s10, $0x1;
	s10 =	sld [smem:$0x3FB6];
	_ =	sdelay $0x3  }
0x34: {  	[smem:$0x3FB6] =	sst s10  }
0x35: {  	s10 =	sld [smem:$0x3FB5];
	_ =	sdelay $0x3  }
0x36: {  	p1 =	seq.s32 s10, $0x1;
	s10 =	sld [smem:$0x3FB6];
	_ =	sdelay $0x3  }
0x37: {  	[smem:$0x3FB6] =	sst s10  }
0x38: {  	s10 =	sld [smem:$0x3FB7]  }
0x39: {  	_ = 	snop;
	(pc) =	sbr.ind lr, $3  }
0x3a: {  	_ = 	snop  }
0x3b: {  	_ = 	snop  }
0x3c: {  	p2 =	seq.s32 s10, $0x1;
	s10 =	sld [smem:$0x3FB6]  }
0x3d: {  	_ =	shalt  }
0x3e: {  	_ =	shalt  }
0x3f: {  	_ =	shalt  }
0x40: {  	_ =	shalt  }
0x41: {  	_ =	shalt  }
0x42: {  	_ =	shalt  }
0x43: {  	_ =	shalt  }
0x44: {  	_ =	shalt  }
0x45: {  	_ =	shalt  }
0x46: {  	_ =	shalt  }
0x47: {  	_ =	shalt  }
0x48: {  	_ =	shalt  }
0x49: {  	_ =	shalt  }
0x4a: {  	_ =	shalt  }
0x4b: {  	_ =	shalt  }
0x4c: {  	_ =	shalt  }
0x4d: {  	_ =	shalt  }
0x4e: {  	_ =	shalt  }
0x4f: {  	_ =	shalt  }
0x50: {  	_ =	shalt  }
0x51: {  	_ =	shalt  }
0x52: {  	_ =	shalt  }
0x53: {  	_ =	shalt  }
0x54: {  	_ =	shalt  }
0x55: {  	_ =	shalt  }
0x56: {  	_ =	shalt  }
0x57: {  	_ =	shalt  }
0x58: {  	_ =	shalt  }
0x59: {  	_ =	shalt  }
0x5a: {  	_ =	shalt  }
0x5b: {  	_ =	shalt  }
0x5c: {  	_ =	shalt  }
0x5d: {  	_ =	shalt  }
0x5e: {  	_ =	shalt  }
0x5f: {  	_ =	shalt  }
0x60: {  	_ =	shalt  }
0x61: {  	_ =	shalt  }
0x62: {  	_ =	shalt  }
0x63: {  	_ =	shalt  }
0x64: {  	_ =	shalt  }
0x65: {  	_ =	shalt  }
0x66: {  	_ =	shalt  }
0x67: {  	_ =	shalt  }
0x68: {  	_ =	shalt  }
0x69: {  	_ =	shalt  }
0x6a: {  	_ =	shalt  }
0x6b: {  	_ =	shalt  }
0x6c: {  	_ =	shalt  }
0x6d: {  	_ =	shalt  }
0x6e: {  	_ =	shalt  }
0x6f: {  	_ =	shalt  }
0x70: {  	_ =	shalt  }
0x71: {  	_ =	shalt  }
0x72: {  	_ =	shalt  }
0x73: {  	_ =	shalt  }
0x74: {  	_ =	shalt  }
0x75: {  	_ =	shalt  }
0x76: {  	_ =	shalt  }
0x77: {  	_ =	shalt  }
0x78: {  	_ =	shalt  }
0x79: {  	_ =	shalt  }
0x7a: {  	_ =	shalt  }
0x7b: {  	_ =	shalt  }
0x7c: {  	_ =	shalt  }
0x7d: {  	_ =	shalt  }
0x7e: {  	_ =	shalt  }
0x7f: {  	_ =	shalt  }
0x80: {  	_ =	shalt  }
0x81: {  	_ =	shalt  }
0x82: {  	_ =	shalt  }
0x83: {  	_ =	shalt  }
0x84: {  	_ =	shalt  }
0x85: {  	_ =	shalt  }
0x86: {  	_ =	shalt  }
0x87: {  	_ =	shalt  }
.Lfunc_end0:
.L_simem_size_0:
called_computation.2_lowered:
.L_overlay_start_0:
0x88: {  	s2 =	sld [smem:$0x3FD9]  }
0x89: {  	s3 =	sld [smem:$0x3FFE];
	_ =	sdelay $0x1  }
0x8a: {  	s1 =	srdreg.scid  }
0x8b: {  	s0 =	sand.u32 $0x1, s1  }
0x8c: {  	s17 =	sshll.u32 s0, $0xA;
	s2 =	sadd.s32 s3, s2  }
0x8d: {  	s2 =	sadd.s32 s2, s17  }
0x8e: {  	[smem:$0x3FC2] =	sst s2  }
0x8f: {  	_ = 	snop  }
0x90: {  	(tm) =	ssettm $0x1  }
0x91: {  	s18 =	sld [smem:$0x3FFB];
	_ =	sdelay $0x3  }
0x92: {  	_ =	strace s18  }
0x93: {  	s2 =	sld [smem:$0x3FFC];
	_ =	sdelay $0x3  }
0x94: {  	_ =	strace s2  }
0x95: {  	s2 =	sld [smem:$0x3FFD];
	_ =	sdelay $0x3  }
0x96: {  	_ =	strace s2  }
0x97: {  	_ =	strace $0x8FFFFFFF  }
0x98: {  	s19 =	sld [smem:$0x3FDB];
	_ =	sdelay $0x1  }
0x99: {  	s20 =	simm.s32 $_scs_section_size  }
0x9a: {  	s4 =	simm.s32 $_size__tile_overlayer_lowered;
	s5 =	simm.s32 $_tile_overlayer_lowered  }
0x9b: {  	s6 =	simm.s32 $0x1BFF;
	s21 =	sshll.u32 s5, $0x1;
	s3 =	sadd.s32 s20, s19  }
0x9c: {  	s22 =	simm.s32 $0x0;
	s4 =	sshll.u32 s4, $0x1;
	s5 =	sadd.s32 s21, s3  }
0x9d: {  	[timem:s22], [sflag:s6] =	dma.local [hbm:s5], s4  }
0x9e: {  	_ =	swait.ge [sflag:s6], s4  }
0x9f: {  	s4 =	ssub.s32 $0x0, s4;
	[sflag:s6] =	ssyncset.done $0x0  }
0xa0: {  	[sflag:s6] =	ssyncadd.s32 s4;
	_ =	sdelay $0x1  }
0xa1: {  	s23 =	simm.s32 $0x1B8B  }
0xa2: {  	_ =	swait.ge [sflag:s23], $0x1  }
0xa3: {  	[sflag:s23] =	ssyncset.done $0x0  }
0xa4: {  	[sflag:s23] =	ssyncadd.s32 $0xFFFFFFFF  }
0xa5: {  	s4 =	sld [smem:$0x0]  }
0xa6: {  	s5 =	sand.u32 $0xFFFFFFFE, s1  }
0xa7: {  	p0 =	sne.s32 s1, s5  }
0xa8: {  	s5 =	sshll.u32 @p0 s5, $0xE  }
0xa9: {  	s5 =	sadd.s32 @p0 $0x11B8D, s5;
	s6 =	sshll.u32 @p0 s4, $0x11  }
0xaa: {  	s5 =	sor.u32 @p0 s6, s5  }
0xab: {  	[sflag:s5] =	ssyncadd.remote.s32 @p0 $0x1;
	_ =	sdelay $0x1  }
0xac: {  	s5 =	simm.s32 @p0 $0x1B8D  }
0xad: {  	_ =	swait.eq @p0 [sflag:s5], $0x1  }
0xae: {  	[sflag:s5] =	ssyncadd.s32 @p0 $0xFFFFFFFF  }
0xaf: {  	s6 =	sshll.u32 @!p0 s1, $0xE  }
0xb0: {  	s6 =	sor.u32 @!p0 $0x4000, s6;
	s5 =	simm.s32 @!p0 $0x1B8D  }
0xb1: {  	s4 =	sshll.u32 @!p0 s4, $0x11;
	s6 =	sadd.s32 @!p0 $0x11B8D, s6;
	_ =	swait.eq @!p0 [sflag:s5], $0x1  }
0xb2: {  	s4 =	sor.u32 @!p0 s4, s6;
	[sflag:s5] =	ssyncadd.s32 @!p0 $0xFFFFFFFF  }
0xb3: {  	s25 =	simm.s32 $0x1B8E;
	s24 =	sld [smem:$0x3FFE];
	[sflag:s4] =	ssyncadd.remote.s32 @!p0 $0x1  }
0xb4: {  	s26 =	simm.s32 $execute0_lowered;
	[smem:$0x3FD2] =	sst s25  }
0xb5: {  	s5 =	sshll.u32 s26, $0x1;
	_ =	strace $0x8000005A;
	[dreg:$0x1] =	wrdreg $0xFFFFFFFF  }
0xb6: {  	s28 =	simm.s32 $_size_execute0_lowered;
	s3 =	sadd.s32 s3, s5;
	[dreg:$0x0] =	wrdreg $0x0  }
0xb7: {  	s5 =	sshll.u32 s28, $0x1;
	[dreg:$0x2] =	wrdreg s3  }
0xb8: {  	[dreg:$0x3] =	wrdreg s5  }
0xb9: {  	[dreg:$0x4] =	wrdreg $0xC0  }
0xba: {  	_ =	task [dreg:s22], $0x5FFFF  }
0xbb: {  	[dreg:$0x1] =	wrdreg $0xFFFFFFFF  }
0xbc: {  	[dreg:$0x0] =	wrdreg $0x60  }
0xbd: {  	[dreg:$0x2] =	wrdreg s24  }
0xbe: {  	[dreg:$0x3] =	wrdreg $0xB  }
0xbf: {  	_ =	task.clear_ibuf [dreg:s22], $0x4FFFF;
	_ =	strace $0x9000005A  }
0xc0: {  	s29 =	simm.s32 $0xB;
	_ =	strace $0x80000063  }
0xc1: {  	_ =	swait.ge [sflag:s29], $0x1  }
0xc2: {  	[sflag:s29] =	ssyncadd.s32 $0xFFFFFFFF  }
0xc3: {  	_ =	strace $0x90000063  }
0xc4: {  	_ =	sfence  }
0xc5: {  	s30 =	sld [smem:$0x0];
	_ =	sdelay $0x2  }
0xc6: {  	s31 =	sshll.u32 s1, $0xD;
	s1 =	sshrl.u32 s1, $0x2  }
0xc7: {  	s4 =	sand.u32 $0x4000, s31;
	s1 =	sadd.s32 s1, s30  }
0xc8: {  	s0 =	sor.u32 s4, s0;
	s1 =	sshll.u32 s1, $0x11  }
0xc9: {  	s0 =	sor.u32 s1, s0  }
0xca: {  	s0 =	sadd.s32 $0x8F2B, s0  }
0xcb: {  	[sflag:s0] =	ssyncadd.remote.s32 $0x1  }
0xcc: {  	_ =	sfence.sel $0xFFFF  }
0xcd: {  	[dreg:$0x0] =	wrdreg $0xFFFFFFFF;
	(pc) =	sbr.abs _section_cstart, $3  }
0xce: {  	[dreg:$0x1] =	wrdreg $0xFFFFFFFF  }
0xcf: {  	_ =	task.clear_ibuf [dreg:s22], $0x2FFFF;
	_ =	strace $0x9FFFFFFF  }
0xd0: {  	(tm) =	ssettm $0x7FFFFFFF  }
0xd1: {  	_ =	shalt  }
tec
execute0_lowered:
.L_overlay_start_1:
0x0: {  	(tag) =	ssettag $0x1  }
0x1: {  	s5 =	rddreg [dreg:$0x0]  }
0x2: {  	s0 =	rddreg [dreg:$0x1];
	s1 =	simm.s32 $0x0  }
0x3: {  	s2 =	srdreg.scid;
	s10 =	simm.s32 $0x4;
	s11 =	simm.s32 $0x0  }
0x4: {  	[smem:$0x7FF] =	sst s1;
	s3 =	sadd.s32 $0x2800, s5;
	s4 =	sand.u32 $0x1, s2  }
.Ltmp0:
0x5: {  	s2 =	stileid.u32;
	_ =	strace $0x8000005B;
	(pc) =	sbr.rel .LBB2_1-.Ltmp0, $4  }
0x6: {  	s6 =	ssub.s32 $0x2, s4;
	s7 =	sshll.u32 s4, $0x4;
	s4 =	sadd.s32 $0x6B600, s5  }
0x7: {  	v2 =	vlaneseq.u32;
	s5 =	sadd.s32 $0x6BA00, s5;
	s8 =	sshrl.u32 s6, $0x1;
	s7 =	sor.u32 s2, s7  }
0x8: {  	vm0 =	vmmov $0xffff;
	v1 =	vshrl.u32 v2, $0x3;
	s8 =	ssub.s32 s6, s8;
	s9 =	sshll.u32 s7, $0x5;
	s6 =	sshll.u32 s7, $0x1  }
0x9: {  	v0 =	vand.u32 $0x7, v2;
	v2 =	vor.u32 $0x8, v2;
	v1 =	vmul.u32 $0x8, v1;
	s7 =	sadd.s32 s4, s9;
	s8 =	smax.u32 s8, $0x1;
	s9 =	simm.s32 $0x5  }
.LBB2_4:
0xa: {  	s12 =	sand.u32 $0x1, s12  }
0xb: {  	_ =	strace $0x80000061;
	s12 =	sadd.s32 $0x3, s12  }
0xc: {  	_ =	swait.ge [sflag:s12], $0x8000  }
0xd: {  	[sflag:s12] =	ssyncset.done $0x0  }
0xe: {  	s11 =	sadd.s32 $0x1, s11;
	[sflag:s12] =	ssyncadd.s32 $0xFFFF8000  }
0xf: {  	p0 =	sne.s32 s11, s8;
	_ =	strace $0x90000061  }
.Ltmp1:
0x10: {  	_ =	strace $0x80000062;
	(pc) =	sbr.rel @!p0 .LBB2_5-.Ltmp1, $4  }
0x11: {  	_ =	swait.ge [sflag:s10], $0x8000  }
0x12: {  	[sflag:s10] =	ssyncset.done $0x0  }
0x13: {  	[sflag:s10] =	ssyncadd.s32 $0xFFFF8000  }
0x14: {  	_ =	strace $0x90000062  }
.LBB2_1:
0x15: {  	_ =	strace $0x8000005C  }
0x16: {  	p0 =	por $0x1, $0x1;
	p2 =	por $0x0, $0x0;
	s13 =	simm.s32 $0x0  }
0x17: {  	s12 =	simm.s32 $0x0;
	s17 =	simm.s32 $0x0;
	s14 =	simm.s32 $0x0  }
0x18: {  	[tilespmem:s1], [sflag:$0x1] =	stream.linear.gather [hbm4b:s7+s1], $0x80, $0x200038;
	[tilespmem:$0x10100] =	vst v63  }
0x19: {  	s15 =	simm.s32 $0x1;
	s16 =	simm.s32 $0x0;
	_ =	strace $0x9000005C  }
.LBB2_2:
0x1a: {  	s18 =	smov.u32 s13;
	s13 =	sadd.s32 $0x1, s13  }
0x1b: {  	p1 =	seq.s32 s13, $0x2  }
0x1c: {  	s13 =	simm.s32 @p1 $0x0  }
0x1d: {  	p1 =	sne.s32 s18, s13  }
0x1e: {  	p1 =	por !p0, !p1  }
0x1f: {  	p1 =	por !p1, !p1  }
0x20: {  	s19 =	sadd.s32 @p1 s6, s13  }
0x21: {  	s20 =	sand.u32 @p1 $0x1, s15;
	s19 =	sshll.u32 @p1 s19, $0x4  }
0x22: {  	_ =	strace @p1 $0x8000005D;
	s22 =	simm.s32 @p1 $0x0;
	s19 =	sand.u32 @p1 $0x1FFFFFF0, s19  }
0x23: {  	s21 =	sshll.u32 @p1 s20, $0x7;
	s20 =	sadd.s32 @p1 $0x1, s20;
	s19 =	sadd.s32 @p1 s4, s19  }
0x24: {  	[tilespmem:s21], [sflag:s20] =	stream.linear.gather @p1 [hbm4b:s19+s22], $0x80, $0x200038;
	[tilespmem:$0x10100] =	vst v63  }
0x25: {  	s23 =	sand.u32 $0x1, s14;
	_ =	strace @p1 $0x9000005D  }
0x26: {  	s19 =	sadd.s32 $0x1, s23;
	_ =	strace $0x8000005E  }
0x27: {  	_ =	swait.ge [sflag:s19], $0x80  }
0x28: {  	[sflag:s19] =	ssyncset.done $0x0  }
0x29: {  	[sflag:s19] =	ssyncadd.s32 $0xFFFFFF80  }
0x2a: {  	s24 =	sshll.u32 s14, $0x7;
	_ =	strace $0x9000005E  }
0x2b: {  	s22 =	sand.u32 $0x80, s24;
	_ =	strace $0x8000005F  }
0x2c: {  	v3 =	vld [tilespmem:s22+$0x0];
	_ =	sdelay $0x4  }
0x2d: {  	v4 =	vshll.u32 v3, $0x1  }
0x2e: {  	v3 =	vand.u32 $0x7, v3;
	v4 =	vand.u32 $0xFFFFFFF0, v4  }
0x2f: {  	v3 =	vor.u32 v3, v4  }
0x30: {  	v4 =	vperm.xlane v3, v0;
	_ =	sdelay $0x1  }
0x31: {  	v3 =	vperm.xlane v3, v2;
	v4 =	vadd.s32 v1, v4;
	_ =	sdelay $0x1  }
0x32: {  	s19 =	sand.u32 $0x1, s17;
	v3 =	vadd.s32 v1, v3  }
0x33: {  	s21 =	sshll.u32 s19, $0xF  }
0x34: {  	s20 =	sor.u32 $0x100, s21  }
0x35: {  	[tilespmem:s20], [sflag:$0x5] =	stream.indirect_vreg.gather [hbm4b:s3+s1], $0x80, v4, vm0, $0x2000b8;
	[tilespmem:$0x10100] =	vst v63  }
0x36: {  	s23 =	sor.u32 $0x900, s21  }
0x37: {  	[tilespmem:s23], [sflag:$0x5] =	stream.indirect_vreg.gather [hbm4b:s3+s1], $0x80, v3, vm0, $0x2000b8;
	[tilespmem:$0x10100] =	vst v63  }
0x38: {  	v3 =	vld [tilespmem:s22+$0x10];
	_ =	sdelay $0x4  }
0x39: {  	v57 =	vshll.u32 v3, $0x1  }
0x3a: {  	v3 =	vand.u32 $0x7, v3;
	v4 =	vand.u32 $0xFFFFFFF0, v57  }
0x3b: {  	v3 =	vor.u32 v3, v4  }
0x3c: {  	v4 =	vperm.xlane v3, v0;
	_ =	sdelay $0x1  }
0x3d: {  	v3 =	vperm.xlane v3, v2;
	v4 =	vadd.s32 v1, v4;
	_ =	sdelay $0x1  }
0x3e: {  	v3 =	vadd.s32 v1, v3;
	_ =	sdelay $0x1  }
0x3f: {  	s25 =	sor.u32 $0x1100, s21  }
0x40: {  	[tilespmem:s25], [sflag:$0x5] =	stream.indirect_vreg.gather [hbm4b:s3+s1], $0x80, v4, vm0, $0x2000b8;
	[tilespmem:$0x10100] =	vst v63  }
0x41: {  	s26 =	sor.u32 $0x1900, s21  }
0x42: {  	[tilespmem:s26], [sflag:$0x5] =	stream.indirect_vreg.gather [hbm4b:s3+s1], $0x80, v3, vm0, $0x2000b8;
	[tilespmem:$0x10100] =	vst v63  }
0x43: {  	v3 =	vld [tilespmem:s22+$0x20];
	_ =	sdelay $0x4  }
0x44: {  	v58 =	vshll.u32 v3, $0x1  }
0x45: {  	v3 =	vand.u32 $0x7, v3;
	v4 =	vand.u32 $0xFFFFFFF0, v58  }
0x46: {  	v3 =	vor.u32 v3, v4  }
0x47: {  	v4 =	vperm.xlane v3, v0;
	_ =	sdelay $0x1  }
0x48: {  	v3 =	vperm.xlane v3, v2;
	v4 =	vadd.s32 v1, v4;
	_ =	sdelay $0x1  }
0x49: {  	v3 =	vadd.s32 v1, v3;
	_ =	sdelay $0x1  }
0x4a: {  	s28 =	sor.u32 $0x2100, s21  }
0x4b: {  	[tilespmem:s28], [sflag:$0x5] =	stream.indirect_vreg.gather [hbm4b:s3+s1], $0x80, v4, vm0, $0x2000b8;
	[tilespmem:$0x10100] =	vst v63  }
0x4c: {  	s29 =	sor.u32 $0x2900, s21  }
0x4d: {  	[tilespmem:s29], [sflag:$0x5] =	stream.indirect_vreg.gather [hbm4b:s3+s1], $0x80, v3, vm0, $0x2000b8;
	[tilespmem:$0x10100] =	vst v63  }
0x4e: {  	v3 =	vld [tilespmem:s22+$0x30];
	_ =	sdelay $0x4  }
0x4f: {  	v59 =	vshll.u32 v3, $0x1  }
0x50: {  	v3 =	vand.u32 $0x7, v3;
	v4 =	vand.u32 $0xFFFFFFF0, v59  }
0x51: {  	v3 =	vor.u32 v3, v4  }
0x52: {  	v4 =	vperm.xlane v3, v0;
	_ =	sdelay $0x1  }
0x53: {  	v3 =	vperm.xlane v3, v2;
	v4 =	vadd.s32 v1, v4;
	_ =	sdelay $0x1  }
0x54: {  	v3 =	vadd.s32 v1, v3;
	_ =	sdelay $0x1  }
0x55: {  	s30 =	sor.u32 $0x3100, s21  }
0x56: {  	[tilespmem:s30], [sflag:$0x5] =	stream.indirect_vreg.gather [hbm4b:s3+s1], $0x80, v4, vm0, $0x2000b8;
	[tilespmem:$0x10100] =	vst v63  }
0x57: {  	s31 =	sor.u32 $0x3900, s21  }
0x58: {  	[tilespmem:s31], [sflag:$0x5] =	stream.indirect_vreg.gather [hbm4b:s3+s1], $0x80, v3, vm0, $0x2000b8;
	[tilespmem:$0x10100] =	vst v63  }
0x59: {  	v3 =	vld [tilespmem:s22+$0x40];
	_ =	sdelay $0x4  }
0x5a: {  	v60 =	vshll.u32 v3, $0x1  }
0x5b: {  	v3 =	vand.u32 $0x7, v3;
	v4 =	vand.u32 $0xFFFFFFF0, v60  }
0x5c: {  	v3 =	vor.u32 v3, v4  }
0x5d: {  	v4 =	vperm.xlane v3, v0;
	_ =	sdelay $0x1  }
0x5e: {  	v3 =	vperm.xlane v3, v2;
	v4 =	vadd.s32 v1, v4;
	_ =	sdelay $0x1  }
0x5f: {  	v3 =	vadd.s32 v1, v3;
	_ =	sdelay $0x1  }
0x60: {  	s24 =	sor.u32 $0x4100, s21  }
0x61: {  	[tilespmem:s24], [sflag:$0x5] =	stream.indirect_vreg.gather [hbm4b:s3+s1], $0x80, v4, vm0, $0x2000b8;
	[tilespmem:$0x10100] =	vst v63  }
0x62: {  	s25 =	sor.u32 $0x4900, s21  }
0x63: {  	[tilespmem:s25], [sflag:$0x5] =	stream.indirect_vreg.gather [hbm4b:s3+s1], $0x80, v3, vm0, $0x2000b8;
	[tilespmem:$0x10100] =	vst v63  }
0x64: {  	v3 =	vld [tilespmem:s22+$0x50];
	_ =	sdelay $0x4  }
0x65: {  	v61 =	vshll.u32 v3, $0x1  }
0x66: {  	v3 =	vand.u32 $0x7, v3;
	v4 =	vand.u32 $0xFFFFFFF0, v61  }
0x67: {  	v3 =	vor.u32 v3, v4  }
0x68: {  	v4 =	vperm.xlane v3, v0;
	_ =	sdelay $0x1  }
0x69: {  	v3 =	vperm.xlane v3, v2;
	v4 =	vadd.s32 v1, v4;
	_ =	sdelay $0x1  }
0x6a: {  	v3 =	vadd.s32 v1, v3;
	_ =	sdelay $0x1  }
0x6b: {  	s26 =	sor.u32 $0x5100, s21  }
0x6c: {  	[tilespmem:s26], [sflag:$0x5] =	stream.indirect_vreg.gather [hbm4b:s3+s1], $0x80, v4, vm0, $0x2000b8;
	[tilespmem:$0x10100] =	vst v63  }
0x6d: {  	s28 =	sor.u32 $0x5900, s21  }
0x6e: {  	[tilespmem:s28], [sflag:$0x5] =	stream.indirect_vreg.gather [hbm4b:s3+s1], $0x80, v3, vm0, $0x2000b8;
	[tilespmem:$0x10100] =	vst v63  }
0x6f: {  	v3 =	vld [tilespmem:s22+$0x60];
	_ =	sdelay $0x4  }
0x70: {  	v62 =	vshll.u32 v3, $0x1  }
0x71: {  	v3 =	vand.u32 $0x7, v3;
	v4 =	vand.u32 $0xFFFFFFF0, v62  }
0x72: {  	v3 =	vor.u32 v3, v4  }
0x73: {  	v4 =	vperm.xlane v3, v0;
	_ =	sdelay $0x1  }
0x74: {  	v3 =	vperm.xlane v3, v2;
	v4 =	vadd.s32 v1, v4;
	_ =	sdelay $0x1  }
0x75: {  	v3 =	vadd.s32 v1, v3;
	_ =	sdelay $0x1  }
0x76: {  	s29 =	sor.u32 $0x6100, s21  }
0x77: {  	[tilespmem:s29], [sflag:$0x5] =	stream.indirect_vreg.gather [hbm4b:s3+s1], $0x80, v4, vm0, $0x2000b8;
	[tilespmem:$0x10100] =	vst v63  }
0x78: {  	s30 =	sor.u32 $0x6900, s21  }
0x79: {  	[tilespmem:s30], [sflag:$0x5] =	stream.indirect_vreg.gather [hbm4b:s3+s1], $0x80, v3, vm0, $0x2000b8;
	[tilespmem:$0x10100] =	vst v63  }
0x7a: {  	v3 =	vld [tilespmem:s22+$0x70];
	_ =	sdelay $0x4  }
0x7b: {  	v63 =	vshll.u32 v3, $0x1  }
0x7c: {  	v3 =	vand.u32 $0x7, v3;
	v4 =	vand.u32 $0xFFFFFFF0, v63  }
0x7d: {  	v3 =	vor.u32 v3, v4  }
0x7e: {  	v4 =	vperm.xlane v3, v0;
	_ =	sdelay $0x1  }
0x7f: {  	v3 =	vperm.xlane v3, v2;
	v4 =	vadd.s32 v1, v4;
	_ =	sdelay $0x1  }
0x80: {  	v3 =	vadd.s32 v1, v3;
	_ =	sdelay $0x1  }
0x81: {  	p2 =	por !p2, !p2;
	p3 =	seq.s32 s18, s13;
	s31 =	sor.u32 $0x7100, s21  }
0x82: {  	[tilespmem:s31], [sflag:$0x5] =	stream.indirect_vreg.gather [hbm4b:s3+s1], $0x80, v4, vm0, $0x2000b8;
	[tilespmem:$0x10100] =	vst v63  }
0x83: {  	p2 =	por !p2, !p3;
	s21 =	sor.u32 $0x7900, s21  }
0x84: {  	[tilespmem:s21], [sflag:$0x5] =	stream.indirect_vreg.gather [hbm4b:s3+s1], $0x80, v3, vm0, $0x2000b8;
	[tilespmem:$0x10100] =	vst v63  }
0x85: {  	s18 =	sadd.s32 s6, s18;
	p2 =	por !p2, !p2;
	_ =	swait.ge [sflag:s9], $0x8000  }
0x86: {  	s18 =	sshll.u32 @!p2 s18, $0xC;
	p0 =	por p2, p0;
	[sflag:s9] =	ssyncset.done $0x0  }
.Ltmp2:
0x87: {  	s18 =	sand.u32 @!p2 $0x1FFFF000, s18;
	[sflag:s9] =	ssyncadd.s32 $0xFFFF8000;
	(pc) =	sbr.rel @!p0 .LBB2_4-.Ltmp2, $4  }
0x88: {  	s18 =	sadd.s32 @!p2 s5, s18;
	_ =	strace $0x9000005F  }
0x89: {  	s19 =	sadd.s32 @!p2 $0x3, s19;
	s21 =	simm.s32 @!p2 $0x0;
	_ =	strace @!p2 $0x80000060  }
0x8a: {  	[hbm4b:s18+s21] =	stream.linear.scatter @!p2 [tilespmem:s20], [sflag:s19], $0x8000, $0x200038;
	[tilespmem:$0x10100] =	vst v63  }
0x8b: {  	_ =	strace @!p2 $0x90000060  }
.Ltmp3:
0x8c: {  	s18 =	simm.s32 $0x1;
	(pc) =	sbr.rel .LBB2_2-.Ltmp3, $4  }
0x8d: {  	s19 =	simm.s32 @!p2 $0x1;
	s12 =	sadd.s32 s16, s12;
	s18 =	simm.s32 @!p1 $0x0  }
0x8e: {  	s16 =	simm.s32 $0x1;
	s15 =	sadd.s32 s18, s15;
	s18 =	sadd.s32 @!p2 $0x1, s17  }
0x8f: {  	p0 =	por $0x0, $0x0;
	s19 =	simm.s32 @p2 $0x0;
	s18 =	smov.u32 @p2 s17  }
0x90: {  	s14 =	sadd.s32 s14, s19;
	p2 =	por $0x1, $0x1;
	s17 =	smov.u32 s18  }
.LBB2_5:
0x91: {  	_ =	sfence.sel $0x180000  }
0x92: {  	[bflag:$0x0] =	sbarrier.arrive $0xFFFF  }
0x93: {  	p0 =	sne.s32 s2, $0x0;
	_ =	strace $0x9000005B  }
0x94: {  	s0 =	sadd.s32 @!p0 $0x100000, s0;
	[bflag:$0x2] =	sbarrier.arrive $0xFFFF  }
0x95: {  	[sflag:s0] =	ssyncadd.tile.s32 @!p0 $0x1;
	_ =	shalt  }
.Lfunc_end2:
_tile_overlayer_lowered:
.L_overlay_start_2:
0x96: {  	(tag) =	ssettag $0x2  }
0x97: {  	s0 =	rddreg [dreg:$0x0];
	s2 =	stileid.u32  }
0x98: {  	s1 =	rddreg [dreg:$0x1];
	p0 =	sne.s32 s2, $0x0  }
0x99: {  	s3 =	rddreg [dreg:$0x2];
	[bflag:$0x3] =	sbarrier.arrive $0xFFFF;
	s2 =	simm.s32 @!p0 $0x1C01  }
0x9a: {  	[timem:s3], [sflag:s2] =	dma.local @!p0 [hbm:s0], s1  }
0x9b: {  	s0 =	simm.s32 @!p0 $0x1  }
0x9c: {  	_ =	swait.ge @!p0 [sflag:s0], s1  }
0x9d: {  	s1 =	ssub.s32 @!p0 $0x0, s1;
	[sflag:s0] =	ssyncset.done @!p0 $0x0  }
0x9e: {  	[sflag:s0] =	ssyncadd.s32 @!p0 s1  }
0x9f: {  	[bflag:$0x3] =	sbarrier.arrive $0xFFFF  }
0xa0: {  	_ =	shalt  }

</sc_bundles>
